<compile_context>
chip_gen: v7x
topology: tpu7x:2x2x1
jax: 0.10.2.dev20260603
libtpu: 0.0.44.dev20260713+nightly
codegen_flags: <defaults>
</compile_context>

<pallas_src>
import functools

import jax
import jax.numpy as jnp
from jax import lax
from jax.experimental import pallas as pl
from jax.experimental.pallas import tpu as pltpu
from jax.experimental.pallas import tpu_sc as plsc

N_ATOM_TYPES = 1000
F_DIM = 128

NC = 2
NS = 16
NW = NC * NS

NZ = 16384
LZ = 200
B = NZ * LZ
RPW = NZ // NW
NCHUNK = RPW
D = 4
SUPI = 16
NSUP = NCHUNK // SUPI
S0, S1 = 128, LZ - 128


def _gather_body(z_hbm, table_hbm, out_hbm,
                 table_sh,
                 idx0, idx1,
                 rows0, rows1, rows2, rows3,
                 isem0, isem1,
                 gsem0, gsem1, gsem2, gsem3,
                 ssem0, ssem1, ssem2, ssem3):
    c = lax.axis_index("c")
    s = lax.axis_index("s")
    wid = s * NC + c
    row_base = wid * RPW
    out_base = wid * (RPW * LZ)

    @pl.when(s == 0)
    def _():
        pltpu.sync_copy(table_hbm, table_sh)

    plsc.subcore_barrier()

    idxs = (idx0, idx1)
    rowss = (rows0, rows1, rows2, rows3)
    isems = (isem0, isem1)
    gsems = (gsem0, gsem1, gsem2, gsem3)
    ssems = (ssem0, ssem1, ssem2, ssem3)

    def start_idx(sp, p):
        src = z_hbm.at[pl.ds(row_base + sp * SUPI, SUPI)]
        pltpu.make_async_copy(src, idxs[p], isems[p]).start()

    def wait_idx(p):
        src = z_hbm.at[pl.ds(row_base, SUPI)]
        pltpu.make_async_copy(src, idxs[p], isems[p]).wait()

    def fire_gather(p, jrow, b):
        pltpu.make_async_copy(
            table_sh.at[idxs[p].at[jrow, pl.ds(0, S0)]],
            rowss[b].at[pl.ds(0, S0)], gsems[b]).start()
        pltpu.make_async_copy(
            table_sh.at[idxs[p].at[jrow, pl.ds(S0, S1)]],
            rowss[b].at[pl.ds(S0, S1)], gsems[b]).start()

    def wait_gather(b):
        pltpu.make_async_copy(
            out_hbm.at[pl.ds(out_base, LZ)], rowss[b], gsems[b]).wait()

    def start_store(g, b):
        dst = out_hbm.at[pl.ds(out_base + g * LZ, LZ)]
        pltpu.make_async_copy(rowss[b], dst, ssems[b]).start()

    def wait_store(b):
        dst = out_hbm.at[pl.ds(out_base, LZ)]
        pltpu.make_async_copy(rowss[b], dst, ssems[b]).wait()

    start_idx(0, 0)
    start_idx(1, 1)
    wait_idx(0)
    fire_gather(0, 0, 0)

    def tbody(t, carry):
        for p in range(2):
            sp = 2 * t + p
            for j in range(SUPI):
                g = sp * SUPI + j
                b = j % D
                nb = (j + 1) % D

                @pl.when(g + 1 < NCHUNK)
                def _(g=g, j=j, p=p, nb=nb):
                    @pl.when(g >= 3)
                    def _():
                        wait_store(nb)

                    if j == SUPI - 1:
                        wait_idx(1 - p)
                        fire_gather(1 - p, 0, nb)
                    else:
                        fire_gather(p, j + 1, nb)

                wait_gather(b)
                start_store(g, b)
                if j == SUPI - 1:
                    @pl.when(sp + 2 < NSUP)
                    def _(sp=sp, p=p):
                        start_idx(sp + 2, p)
        return carry

    lax.fori_loop(0, NSUP // 2, tbody, 0)
    wait_store((NCHUNK - 4) % D)
    wait_store((NCHUNK - 3) % D)
    wait_store((NCHUNK - 2) % D)
    wait_store((NCHUNK - 1) % D)


@jax.jit
def _embed(z, table):
    mesh = plsc.VectorSubcoreMesh(core_axis_name="c", subcore_axis_name="s")
    k = functools.partial(
        pl.kernel,
        mesh=mesh,
        out_type=jax.ShapeDtypeStruct((B, F_DIM), jnp.float32),
        scratch_types=[
            pltpu.VMEM_SHARED((N_ATOM_TYPES, F_DIM), jnp.float32),
            pltpu.VMEM((SUPI, LZ), jnp.int32),
            pltpu.VMEM((SUPI, LZ), jnp.int32),
            pltpu.VMEM((LZ, F_DIM), jnp.float32),
            pltpu.VMEM((LZ, F_DIM), jnp.float32),
            pltpu.VMEM((LZ, F_DIM), jnp.float32),
            pltpu.VMEM((LZ, F_DIM), jnp.float32),
            pltpu.SemaphoreType.DMA,
            pltpu.SemaphoreType.DMA,
            pltpu.SemaphoreType.DMA,
            pltpu.SemaphoreType.DMA,
            pltpu.SemaphoreType.DMA,
            pltpu.SemaphoreType.DMA,
            pltpu.SemaphoreType.DMA,
            pltpu.SemaphoreType.DMA,
            pltpu.SemaphoreType.DMA,
            pltpu.SemaphoreType.DMA,
        ],
    )(_gather_body)
    return k(z, table)


def kernel(Z, table):
    out = _embed(Z.astype(jnp.int32), table)
    return out.reshape(NZ, LZ, F_DIM)

# --- scband reference (transcript-rebuilt; emitter-appended) ---
"""Pipeline reference for scband-atom-embedding-71390946394423 (READ-ONLY COPY).

The authoritative reference and input builder live on the scoring server;
editing this copy changes nothing except your own understanding.
"""

import jax, jax.numpy as jnp
import numpy as np

N_ATOM_TYPES = 1000
F_DIM = 128

def setup_inputs(seed: int = 0) -> dict:
    key = jax.random.key(seed)
    k1, k2 = jax.random.split(key)
    Z = jax.random.randint(k1, (16384, 200), 0, N_ATOM_TYPES, dtype=jnp.int64 if jax.config.jax_enable_x64 else jnp.int32)
    # nn.Embedding default init: N(0, 1)
    table = jax.random.normal(k2, (N_ATOM_TYPES, F_DIM), dtype=jnp.float32)
    return {"Z": Z, "table": table}

def reference(Z, table):
    # nn.Embedding forward: gather rows of the table by index
    return jnp.take(table, Z, axis=0)

if __name__ == "__main__":
    import jax
    _d = setup_inputs()
    print(jax.jit(kernel)(*tuple(_d.values())))

</pallas_src>

<mosaic_0001>
#map = affine_map<(d0, d1) -> (0, 0)>
module attributes {stable_mosaic.version = 14 : i64} {
  func.func @_gather_body(%arg0: i32, %arg1: i32, %arg2: memref<16384x200xi32, #tpu.memory_space<hbm>>, %arg3: memref<1000x128xf32, #tpu.memory_space<hbm>>, %arg4: memref<3276800x128xf32, #tpu.memory_space<hbm>>, %arg5: memref<1000x128xf32, #tpu.memory_space<vmem_shared>>, %arg6: memref<16x200xi32, #tpu.memory_space<vmem>>, %arg7: memref<16x200xi32, #tpu.memory_space<vmem>>, %arg8: memref<200x128xf32, #tpu.memory_space<vmem>>, %arg9: memref<200x128xf32, #tpu.memory_space<vmem>>, %arg10: memref<200x128xf32, #tpu.memory_space<vmem>>, %arg11: memref<200x128xf32, #tpu.memory_space<vmem>>, %arg12: memref<!tpu.dma_semaphore, #tpu.memory_space<semaphore_mem>>, %arg13: memref<!tpu.dma_semaphore, #tpu.memory_space<semaphore_mem>>, %arg14: memref<!tpu.dma_semaphore, #tpu.memory_space<semaphore_mem>>, %arg15: memref<!tpu.dma_semaphore, #tpu.memory_space<semaphore_mem>>, %arg16: memref<!tpu.dma_semaphore, #tpu.memory_space<semaphore_mem>>, %arg17: memref<!tpu.dma_semaphore, #tpu.memory_space<semaphore_mem>>, %arg18: memref<!tpu.dma_semaphore, #tpu.memory_space<semaphore_mem>>, %arg19: memref<!tpu.dma_semaphore, #tpu.memory_space<semaphore_mem>>, %arg20: memref<!tpu.dma_semaphore, #tpu.memory_space<semaphore_mem>>, %arg21: memref<!tpu.dma_semaphore, #tpu.memory_space<semaphore_mem>>) attributes {dimension_semantics = [#tpu.dimension_semantics<core_parallel>, #tpu.dimension_semantics<subcore_parallel>], iteration_bounds = array<i64: 2, 16>, scalar_prefetch = 0 : i64, scratch_operands = 17 : i64, tpu.core_type = #tpu.core_type<sc_vector_subcore>, window_params = [{transform_indices = #map}, {transform_indices = #map}, {transform_indices = #map}]} {
    %mul3A = arith.constant 2 : i32
    %mul3A_0 = arith.muli %arg1, %mul3A : i32
    %add3A = arith.addi %mul3A_0, %arg0 : i32
    %mul3A_1 = arith.constant 512 : i32
    %mul3A_2 = arith.muli %add3A, %mul3A_1 : i32
    %mul3A_3 = arith.constant 102400 : i32
    %mul3A_4 = arith.muli %add3A, %mul3A_3 : i32
    %eq3A = arith.constant 0 : i32
    %eq3A_5 = arith.cmpi eq, %arg1, %eq3A : i32
    %convert_element_type3A = arith.extui %eq3A_5 : i1 to i32
    %cond3A = arith.constant 0 : i32
    %cond3A_6 = arith.cmpi ne, %convert_element_type3A, %cond3A : i32
    scf.if %cond3A_6 {
      "tpu.region"() ({
        %run_scoped3A = tpu.sem_alloc : memref<!tpu.dma_semaphore, #tpu.memory_space<semaphore_mem>>
        tpu.enqueue_dma source(%arg3 : memref<1000x128xf32, #tpu.memory_space<hbm>>) target(%arg5 : memref<1000x128xf32, #tpu.memory_space<vmem_shared>>) target_semaphore(%run_scoped3A : memref<!tpu.dma_semaphore, #tpu.memory_space<semaphore_mem>>)
        tpu.wait_dma2 semaphore(%run_scoped3A : memref<!tpu.dma_semaphore, #tpu.memory_space<semaphore_mem>>) src(%arg3 : memref<1000x128xf32, #tpu.memory_space<hbm>>) dst(%arg5 : memref<1000x128xf32, #tpu.memory_space<vmem_shared>>)
        tpu.yield
      }) : () -> ()
    } else {
    }
    %barrier3A = arith.constant 0 : index
    tpu.barrier barrier_id(%barrier3A)
    %add3A_7 = arith.constant 0 : i32
    %add3A_8 = arith.addi %mul3A_2, %add3A_7 : i32
    %dma_start3A = arith.constant 0 : i32
    %dma_start3A_9 = tpu.memref_slice %arg2[%add3A_8, %dma_start3A] : memref<16384x200xi32, #tpu.memory_space<hbm>> -> memref<16x200xi32, #tpu.memory_space<hbm>>
    %dma_start3A_10 = arith.constant 0 : i32
    %dma_start3A_11 = tpu.memref_slice %arg2[%add3A_8, %dma_start3A_10] : memref<16384x200xi32, #tpu.memory_space<hbm>> -> memref<16x200xi32, #tpu.memory_space<hbm>>
    tpu.enqueue_dma source(%dma_start3A_11 : memref<16x200xi32, #tpu.memory_space<hbm>>) target(%arg6 : memref<16x200xi32, #tpu.memory_space<vmem>>) target_semaphore(%arg12 : memref<!tpu.dma_semaphore, #tpu.memory_space<semaphore_mem>>)
    %add3A_12 = arith.constant 16 : i32
    %add3A_13 = arith.addi %mul3A_2, %add3A_12 : i32
    %dma_start3A_14 = arith.constant 0 : i32
    %dma_start3A_15 = tpu.memref_slice %arg2[%add3A_13, %dma_start3A_14] : memref<16384x200xi32, #tpu.memory_space<hbm>> -> memref<16x200xi32, #tpu.memory_space<hbm>>
    %dma_start3A_16 = arith.constant 0 : i32
    %dma_start3A_17 = tpu.memref_slice %arg2[%add3A_13, %dma_start3A_16] : memref<16384x200xi32, #tpu.memory_space<hbm>> -> memref<16x200xi32, #tpu.memory_space<hbm>>
    tpu.enqueue_dma source(%dma_start3A_17 : memref<16x200xi32, #tpu.memory_space<hbm>>) target(%arg7 : memref<16x200xi32, #tpu.memory_space<vmem>>) target_semaphore(%arg13 : memref<!tpu.dma_semaphore, #tpu.memory_space<semaphore_mem>>)
    %dma_wait3A = arith.constant 0 : i32
    %dma_wait3A_18 = tpu.memref_slice %arg2[%mul3A_2, %dma_wait3A] : memref<16384x200xi32, #tpu.memory_space<hbm>> -> memref<16x200xi32, #tpu.memory_space<hbm>>
    %dma_wait3A_19 = arith.constant 0 : i32
    %dma_wait3A_20 = tpu.memref_slice %arg2[%mul3A_2, %dma_wait3A_19] : memref<16384x200xi32, #tpu.memory_space<hbm>> -> memref<16x200xi32, #tpu.memory_space<hbm>>
    tpu.wait_dma2 semaphore(%arg12 : memref<!tpu.dma_semaphore, #tpu.memory_space<semaphore_mem>>) src(%dma_wait3A_20 : memref<16x200xi32, #tpu.memory_space<hbm>>) dst(%arg6 : memref<16x200xi32, #tpu.memory_space<vmem>>)
    %dma_start3A_21 = arith.constant 0 : i32
    %dma_start3A_22 = arith.constant 0 : i32
    %dma_start3A_23 = arith.constant 0 : i32
    %dma_start3A_24 = tpu.memref_slice %arg8[%dma_start3A_22, %dma_start3A_23] : memref<200x128xf32, #tpu.memory_space<vmem>> -> memref<128x128xf32, #tpu.memory_space<vmem>>
    %dma_start3A_25 = arith.constant 0 : i32
    %dma_start3A_26 = tpu.memref_slice %arg6[%dma_start3A_21, %dma_start3A_25] : memref<16x200xi32, #tpu.memory_space<vmem>> -> memref<1x128xi32, #tpu.memory_space<vmem>>
    %dma_start3A_27 = tpu.memref_squeeze %dma_start3A_26 : memref<1x128xi32, #tpu.memory_space<vmem>> -> memref<128xi32, #tpu.memory_space<vmem>>
    %dma_start3A_28 = arith.constant 0 : i32
    %dma_start3A_29 = arith.constant 0 : i32
    %dma_start3A_30 = tpu.memref_slice %arg5[%dma_start3A_28, %dma_start3A_29] : memref<1000x128xf32, #tpu.memory_space<vmem_shared>> -> memref<1000x128xf32, #tpu.memory_space<vmem_shared>>
    tpu.enqueue_indirect_dma source(%dma_start3A_30 : memref<1000x128xf32, #tpu.memory_space<vmem_shared>>) target(%dma_start3A_24 : memref<128x128xf32, #tpu.memory_space<vmem>>) offsets(%dma_start3A_27 : memref<128xi32, #tpu.memory_space<vmem>>) semaphore(%arg14 : memref<!tpu.dma_semaphore, #tpu.memory_space<semaphore_mem>>)
    %dma_start3A_31 = arith.constant 0 : i32
    %dma_start3A_32 = arith.constant 128 : i32
    %dma_start3A_33 = arith.constant 0 : i32
    %dma_start3A_34 = tpu.memref_slice %arg8[%dma_start3A_32, %dma_start3A_33] : memref<200x128xf32, #tpu.memory_space<vmem>> -> memref<72x128xf32, #tpu.memory_space<vmem>>
    %dma_start3A_35 = arith.constant 128 : i32
    %dma_start3A_36 = tpu.memref_slice %arg6[%dma_start3A_31, %dma_start3A_35] : memref<16x200xi32, #tpu.memory_space<vmem>> -> memref<1x72xi32, #tpu.memory_space<vmem>>
    %dma_start3A_37 = tpu.memref_squeeze %dma_start3A_36 : memref<1x72xi32, #tpu.memory_space<vmem>> -> memref<72xi32, #tpu.memory_space<vmem>>
    %dma_start3A_38 = arith.constant 0 : i32
    %dma_start3A_39 = arith.constant 0 : i32
    %dma_start3A_40 = tpu.memref_slice %arg5[%dma_start3A_38, %dma_start3A_39] : memref<1000x128xf32, #tpu.memory_space<vmem_shared>> -> memref<1000x128xf32, #tpu.memory_space<vmem_shared>>
    tpu.enqueue_indirect_dma source(%dma_start3A_40 : memref<1000x128xf32, #tpu.memory_space<vmem_shared>>) target(%dma_start3A_34 : memref<72x128xf32, #tpu.memory_space<vmem>>) offsets(%dma_start3A_37 : memref<72xi32, #tpu.memory_space<vmem>>) semaphore(%arg14 : memref<!tpu.dma_semaphore, #tpu.memory_space<semaphore_mem>>)
    %scan3A = arith.constant 0 : i32
    %scan3A_41 = arith.constant 0 : i32
    %scan3A_42 = arith.constant 16 : i32
    %scan3A_43 = arith.addi %scan3A_41, %scan3A_42 : i32
    %scan3A_44 = arith.constant 1 : i32
    scf.for %scan3A_62 = %scan3A_41 to %scan3A_43 step %scan3A_44  : i32 {
      %mul3A_63 = arith.constant 2 : i32
      %mul3A_64 = arith.muli %mul3A_63, %scan3A_62 : i32
      %add3A_65 = arith.constant 0 : i32
      %add3A_66 = arith.addi %mul3A_64, %add3A_65 : i32
      %mul3A_67 = arith.constant 16 : i32
      %mul3A_68 = arith.muli %add3A_66, %mul3A_67 : i32
      %add3A_69 = arith.constant 0 : i32
      %add3A_70 = arith.addi %mul3A_68, %add3A_69 : i32
      %add3A_71 = arith.constant 1 : i32
      %add3A_72 = arith.addi %add3A_70, %add3A_71 : i32
      %lt3A = arith.constant 512 : i32
      %lt3A_73 = arith.cmpi slt, %add3A_72, %lt3A : i32
      %convert_element_type3A_74 = arith.extui %lt3A_73 : i1 to i32
      %cond3A_75 = arith.constant 0 : i32
      %cond3A_76 = arith.cmpi ne, %convert_element_type3A_74, %cond3A_75 : i32
      scf.if %cond3A_76 {
        %ge3A = arith.constant 3 : i32
        %ge3A_788 = arith.cmpi sge, %add3A_70, %ge3A : i32
        %convert_element_type3A_789 = arith.extui %ge3A_788 : i1 to i32
        %cond3A_790 = arith.constant 0 : i32
        %cond3A_791 = arith.cmpi ne, %convert_element_type3A_789, %cond3A_790 : i32
        scf.if %cond3A_791 {
          %dma_wait3A_812 = arith.constant 0 : i32
          %dma_wait3A_813 = tpu.memref_slice %arg4[%mul3A_4, %dma_wait3A_812] : memref<3276800x128xf32, #tpu.memory_space<hbm>> -> memref<200x128xf32, #tpu.memory_space<hbm>>
          %dma_wait3A_814 = arith.constant 0 : i32
          %dma_wait3A_815 = tpu.memref_slice %arg4[%mul3A_4, %dma_wait3A_814] : memref<3276800x128xf32, #tpu.memory_space<hbm>> -> memref<200x128xf32, #tpu.memory_space<hbm>>
          tpu.wait_dma2 semaphore(%arg19 : memref<!tpu.dma_semaphore, #tpu.memory_space<semaphore_mem>>) src(%arg9 : memref<200x128xf32, #tpu.memory_space<vmem>>) dst(%dma_wait3A_815 : memref<200x128xf32, #tpu.memory_space<hbm>>)
        } else {
        }
        %dma_start3A_792 = arith.constant 1 : i32
        %dma_start3A_793 = arith.constant 0 : i32
        %dma_start3A_794 = arith.constant 0 : i32
        %dma_start3A_795 = tpu.memref_slice %arg9[%dma_start3A_793, %dma_start3A_794] : memref<200x128xf32, #tpu.memory_space<vmem>> -> memref<128x128xf32, #tpu.memory_space<vmem>>
        %dma_start3A_796 = arith.constant 0 : i32
        %dma_start3A_797 = tpu.memref_slice %arg6[%dma_start3A_792, %dma_start3A_796] : memref<16x200xi32, #tpu.memory_space<vmem>> -> memref<1x128xi32, #tpu.memory_space<vmem>>
        %dma_start3A_798 = tpu.memref_squeeze %dma_start3A_797 : memref<1x128xi32, #tpu.memory_space<vmem>> -> memref<128xi32, #tpu.memory_space<vmem>>
        %dma_start3A_799 = arith.constant 0 : i32
        %dma_start3A_800 = arith.constant 0 : i32
        %dma_start3A_801 = tpu.memref_slice %arg5[%dma_start3A_799, %dma_start3A_800] : memref<1000x128xf32, #tpu.memory_space<vmem_shared>> -> memref<1000x128xf32, #tpu.memory_space<vmem_shared>>
        tpu.enqueue_indirect_dma source(%dma_start3A_801 : memref<1000x128xf32, #tpu.memory_space<vmem_shared>>) target(%dma_start3A_795 : memref<128x128xf32, #tpu.memory_space<vmem>>) offsets(%dma_start3A_798 : memref<128xi32, #tpu.memory_space<vmem>>) semaphore(%arg15 : memref<!tpu.dma_semaphore, #tpu.memory_space<semaphore_mem>>)
        %dma_start3A_802 = arith.constant 1 : i32
        %dma_start3A_803 = arith.constant 128 : i32
        %dma_start3A_804 = arith.constant 0 : i32
        %dma_start3A_805 = tpu.memref_slice %arg9[%dma_start3A_803, %dma_start3A_804] : memref<200x128xf32, #tpu.memory_space<vmem>> -> memref<72x128xf32, #tpu.memory_space<vmem>>
        %dma_start3A_806 = arith.constant 128 : i32
        %dma_start3A_807 = tpu.memref_slice %arg6[%dma_start3A_802, %dma_start3A_806] : memref<16x200xi32, #tpu.memory_space<vmem>> -> memref<1x72xi32, #tpu.memory_space<vmem>>
        %dma_start3A_808 = tpu.memref_squeeze %dma_start3A_807 : memref<1x72xi32, #tpu.memory_space<vmem>> -> memref<72xi32, #tpu.memory_space<vmem>>
        %dma_start3A_809 = arith.constant 0 : i32
        %dma_start3A_810 = arith.constant 0 : i32
        %dma_start3A_811 = tpu.memref_slice %arg5[%dma_start3A_809, %dma_start3A_810] : memref<1000x128xf32, #tpu.memory_space<vmem_shared>> -> memref<1000x128xf32, #tpu.memory_space<vmem_shared>>
        tpu.enqueue_indirect_dma source(%dma_start3A_811 : memref<1000x128xf32, #tpu.memory_space<vmem_shared>>) target(%dma_start3A_805 : memref<72x128xf32, #tpu.memory_space<vmem>>) offsets(%dma_start3A_808 : memref<72xi32, #tpu.memory_space<vmem>>) semaphore(%arg15 : memref<!tpu.dma_semaphore, #tpu.memory_space<semaphore_mem>>)
      } else {
      }
      %dma_wait3A_77 = arith.constant 0 : i32
      %dma_wait3A_78 = tpu.memref_slice %arg4[%mul3A_4, %dma_wait3A_77] : memref<3276800x128xf32, #tpu.memory_space<hbm>> -> memref<200x128xf32, #tpu.memory_space<hbm>>
      %dma_wait3A_79 = arith.constant 0 : i32
      %dma_wait3A_80 = tpu.memref_slice %arg4[%mul3A_4, %dma_wait3A_79] : memref<3276800x128xf32, #tpu.memory_space<hbm>> -> memref<200x128xf32, #tpu.memory_space<hbm>>
      tpu.wait_dma2 semaphore(%arg14 : memref<!tpu.dma_semaphore, #tpu.memory_space<semaphore_mem>>) src(%dma_wait3A_80 : memref<200x128xf32, #tpu.memory_space<hbm>>) dst(%arg8 : memref<200x128xf32, #tpu.memory_space<vmem>>)
      %mul3A_81 = arith.constant 200 : i32
      %mul3A_82 = arith.muli %add3A_70, %mul3A_81 : i32
      %add3A_83 = arith.addi %mul3A_4, %mul3A_82 : i32
      %dma_start3A_84 = arith.constant 0 : i32
      %dma_start3A_85 = tpu.memref_slice %arg4[%add3A_83, %dma_start3A_84] : memref<3276800x128xf32, #tpu.memory_space<hbm>> -> memref<200x128xf32, #tpu.memory_space<hbm>>
      %dma_start3A_86 = arith.constant 0 : i32
      %dma_start3A_87 = tpu.memref_slice %arg4[%add3A_83, %dma_start3A_86] : memref<3276800x128xf32, #tpu.memory_space<hbm>> -> memref<200x128xf32, #tpu.memory_space<hbm>>
      tpu.enqueue_dma source(%arg8 : memref<200x128xf32, #tpu.memory_space<vmem>>) target(%dma_start3A_87 : memref<200x128xf32, #tpu.memory_space<hbm>>) target_semaphore(%arg18 : memref<!tpu.dma_semaphore, #tpu.memory_space<semaphore_mem>>)
      %mul3A_88 = arith.constant 16 : i32
      %mul3A_89 = arith.muli %add3A_66, %mul3A_88 : i32
      %add3A_90 = arith.constant 1 : i32
      %add3A_91 = arith.addi %mul3A_89, %add3A_90 : i32
      %add3A_92 = arith.constant 1 : i32
      %add3A_93 = arith.addi %add3A_91, %add3A_92 : i32
      %lt3A_94 = arith.constant 512 : i32
      %lt3A_95 = arith.cmpi slt, %add3A_93, %lt3A_94 : i32
      %convert_element_type3A_96 = arith.extui %lt3A_95 : i1 to i32
      %cond3A_97 = arith.constant 0 : i32
      %cond3A_98 = arith.cmpi ne, %convert_element_type3A_96, %cond3A_97 : i32
      scf.if %cond3A_98 {
        %ge3A = arith.constant 3 : i32
        %ge3A_788 = arith.cmpi sge, %add3A_91, %ge3A : i32
        %convert_element_type3A_789 = arith.extui %ge3A_788 : i1 to i32
        %cond3A_790 = arith.constant 0 : i32
        %cond3A_791 = arith.cmpi ne, %convert_element_type3A_789, %cond3A_790 : i32
        scf.if %cond3A_791 {
          %dma_wait3A_812 = arith.constant 0 : i32
          %dma_wait3A_813 = tpu.memref_slice %arg4[%mul3A_4, %dma_wait3A_812] : memref<3276800x128xf32, #tpu.memory_space<hbm>> -> memref<200x128xf32, #tpu.memory_space<hbm>>
          %dma_wait3A_814 = arith.constant 0 : i32
          %dma_wait3A_815 = tpu.memref_slice %arg4[%mul3A_4, %dma_wait3A_814] : memref<3276800x128xf32, #tpu.memory_space<hbm>> -> memref<200x128xf32, #tpu.memory_space<hbm>>
          tpu.wait_dma2 semaphore(%arg20 : memref<!tpu.dma_semaphore, #tpu.memory_space<semaphore_mem>>) src(%arg10 : memref<200x128xf32, #tpu.memory_space<vmem>>) dst(%dma_wait3A_815 : memref<200x128xf32, #tpu.memory_space<hbm>>)
        } else {
        }
        %dma_start3A_792 = arith.constant 2 : i32
        %dma_start3A_793 = arith.constant 0 : i32
        %dma_start3A_794 = arith.constant 0 : i32
        %dma_start3A_795 = tpu.memref_slice %arg10[%dma_start3A_793, %dma_start3A_794] : memref<200x128xf32, #tpu.memory_space<vmem>> -> memref<128x128xf32, #tpu.memory_space<vmem>>
        %dma_start3A_796 = arith.constant 0 : i32
        %dma_start3A_797 = tpu.memref_slice %arg6[%dma_start3A_792, %dma_start3A_796] : memref<16x200xi32, #tpu.memory_space<vmem>> -> memref<1x128xi32, #tpu.memory_space<vmem>>
        %dma_start3A_798 = tpu.memref_squeeze %dma_start3A_797 : memref<1x128xi32, #tpu.memory_space<vmem>> -> memref<128xi32, #tpu.memory_space<vmem>>
        %dma_start3A_799 = arith.constant 0 : i32
        %dma_start3A_800 = arith.constant 0 : i32
        %dma_start3A_801 = tpu.memref_slice %arg5[%dma_start3A_799, %dma_start3A_800] : memref<1000x128xf32, #tpu.memory_space<vmem_shared>> -> memref<1000x128xf32, #tpu.memory_space<vmem_shared>>
        tpu.enqueue_indirect_dma source(%dma_start3A_801 : memref<1000x128xf32, #tpu.memory_space<vmem_shared>>) target(%dma_start3A_795 : memref<128x128xf32, #tpu.memory_space<vmem>>) offsets(%dma_start3A_798 : memref<128xi32, #tpu.memory_space<vmem>>) semaphore(%arg16 : memref<!tpu.dma_semaphore, #tpu.memory_space<semaphore_mem>>)
        %dma_start3A_802 = arith.constant 2 : i32
        %dma_start3A_803 = arith.constant 128 : i32
        %dma_start3A_804 = arith.constant 0 : i32
        %dma_start3A_805 = tpu.memref_slice %arg10[%dma_start3A_803, %dma_start3A_804] : memref<200x128xf32, #tpu.memory_space<vmem>> -> memref<72x128xf32, #tpu.memory_space<vmem>>
        %dma_start3A_806 = arith.constant 128 : i32
        %dma_start3A_807 = tpu.memref_slice %arg6[%dma_start3A_802, %dma_start3A_806] : memref<16x200xi32, #tpu.memory_space<vmem>> -> memref<1x72xi32, #tpu.memory_space<vmem>>
        %dma_start3A_808 = tpu.memref_squeeze %dma_start3A_807 : memref<1x72xi32, #tpu.memory_space<vmem>> -> memref<72xi32, #tpu.memory_space<vmem>>
        %dma_start3A_809 = arith.constant 0 : i32
        %dma_start3A_810 = arith.constant 0 : i32
        %dma_start3A_811 = tpu.memref_slice %arg5[%dma_start3A_809, %dma_start3A_810] : memref<1000x128xf32, #tpu.memory_space<vmem_shared>> -> memref<1000x128xf32, #tpu.memory_space<vmem_shared>>
        tpu.enqueue_indirect_dma source(%dma_start3A_811 : memref<1000x128xf32, #tpu.memory_space<vmem_shared>>) target(%dma_start3A_805 : memref<72x128xf32, #tpu.memory_space<vmem>>) offsets(%dma_start3A_808 : memref<72xi32, #tpu.memory_space<vmem>>) semaphore(%arg16 : memref<!tpu.dma_semaphore, #tpu.memory_space<semaphore_mem>>)
      } else {
      }
      %dma_wait3A_99 = arith.constant 0 : i32
      %dma_wait3A_100 = tpu.memref_slice %arg4[%mul3A_4, %dma_wait3A_99] : memref<3276800x128xf32, #tpu.memory_space<hbm>> -> memref<200x128xf32, #tpu.memory_space<hbm>>
      %dma_wait3A_101 = arith.constant 0 : i32
      %dma_wait3A_102 = tpu.memref_slice %arg4[%mul3A_4, %dma_wait3A_101] : memref<3276800x128xf32, #tpu.memory_space<hbm>> -> memref<200x128xf32, #tpu.memory_space<hbm>>
      tpu.wait_dma2 semaphore(%arg15 : memref<!tpu.dma_semaphore, #tpu.memory_space<semaphore_mem>>) src(%dma_wait3A_102 : memref<200x128xf32, #tpu.memory_space<hbm>>) dst(%arg9 : memref<200x128xf32, #tpu.memory_space<vmem>>)
      %mul3A_103 = arith.constant 200 : i32
      %mul3A_104 = arith.muli %add3A_91, %mul3A_103 : i32
      %add3A_105 = arith.addi %mul3A_4, %mul3A_104 : i32
      %dma_start3A_106 = arith.constant 0 : i32
      %dma_start3A_107 = tpu.memref_slice %arg4[%add3A_105, %dma_start3A_106] : memref<3276800x128xf32, #tpu.memory_space<hbm>> -> memref<200x128xf32, #tpu.memory_space<hbm>>
      %dma_start3A_108 = arith.constant 0 : i32
      %dma_start3A_109 = tpu.memref_slice %arg4[%add3A_105, %dma_start3A_108] : memref<3276800x128xf32, #tpu.memory_space<hbm>> -> memref<200x128xf32, #tpu.memory_space<hbm>>
      tpu.enqueue_dma source(%arg9 : memref<200x128xf32, #tpu.memory_space<vmem>>) target(%dma_start3A_109 : memref<200x128xf32, #tpu.memory_space<hbm>>) target_semaphore(%arg19 : memref<!tpu.dma_semaphore, #tpu.memory_space<semaphore_mem>>)
      %mul3A_110 = arith.constant 16 : i32
      %mul3A_111 = arith.muli %add3A_66, %mul3A_110 : i32
      %add3A_112 = arith.constant 2 : i32
      %add3A_113 = arith.addi %mul3A_111, %add3A_112 : i32
      %add3A_114 = arith.constant 1 : i32
      %add3A_115 = arith.addi %add3A_113, %add3A_114 : i32
      %lt3A_116 = arith.constant 512 : i32
      %lt3A_117 = arith.cmpi slt, %add3A_115, %lt3A_116 : i32
      %convert_element_type3A_118 = arith.extui %lt3A_117 : i1 to i32
      %cond3A_119 = arith.constant 0 : i32
      %cond3A_120 = arith.cmpi ne, %convert_element_type3A_118, %cond3A_119 : i32
      scf.if %cond3A_120 {
        %ge3A = arith.constant 3 : i32
        %ge3A_788 = arith.cmpi sge, %add3A_113, %ge3A : i32
        %convert_element_type3A_789 = arith.extui %ge3A_788 : i1 to i32
        %cond3A_790 = arith.constant 0 : i32
        %cond3A_791 = arith.cmpi ne, %convert_element_type3A_789, %cond3A_790 : i32
        scf.if %cond3A_791 {
          %dma_wait3A_812 = arith.constant 0 : i32
          %dma_wait3A_813 = tpu.memref_slice %arg4[%mul3A_4, %dma_wait3A_812] : memref<3276800x128xf32, #tpu.memory_space<hbm>> -> memref<200x128xf32, #tpu.memory_space<hbm>>
          %dma_wait3A_814 = arith.constant 0 : i32
          %dma_wait3A_815 = tpu.memref_slice %arg4[%mul3A_4, %dma_wait3A_814] : memref<3276800x128xf32, #tpu.memory_space<hbm>> -> memref<200x128xf32, #tpu.memory_space<hbm>>
          tpu.wait_dma2 semaphore(%arg21 : memref<!tpu.dma_semaphore, #tpu.memory_space<semaphore_mem>>) src(%arg11 : memref<200x128xf32, #tpu.memory_space<vmem>>) dst(%dma_wait3A_815 : memref<200x128xf32, #tpu.memory_space<hbm>>)
        } else {
        }
        %dma_start3A_792 = arith.constant 3 : i32
        %dma_start3A_793 = arith.constant 0 : i32
        %dma_start3A_794 = arith.constant 0 : i32
        %dma_start3A_795 = tpu.memref_slice %arg11[%dma_start3A_793, %dma_start3A_794] : memref<200x128xf32, #tpu.memory_space<vmem>> -> memref<128x128xf32, #tpu.memory_space<vmem>>
        %dma_start3A_796 = arith.constant 0 : i32
        %dma_start3A_797 = tpu.memref_slice %arg6[%dma_start3A_792, %dma_start3A_796] : memref<16x200xi32, #tpu.memory_space<vmem>> -> memref<1x128xi32, #tpu.memory_space<vmem>>
        %dma_start3A_798 = tpu.memref_squeeze %dma_start3A_797 : memref<1x128xi32, #tpu.memory_space<vmem>> -> memref<128xi32, #tpu.memory_space<vmem>>
        %dma_start3A_799 = arith.constant 0 : i32
        %dma_start3A_800 = arith.constant 0 : i32
        %dma_start3A_801 = tpu.memref_slice %arg5[%dma_start3A_799, %dma_start3A_800] : memref<1000x128xf32, #tpu.memory_space<vmem_shared>> -> memref<1000x128xf32, #tpu.memory_space<vmem_shared>>
        tpu.enqueue_indirect_dma source(%dma_start3A_801 : memref<1000x128xf32, #tpu.memory_space<vmem_shared>>) target(%dma_start3A_795 : memref<128x128xf32, #tpu.memory_space<vmem>>) offsets(%dma_start3A_798 : memref<128xi32, #tpu.memory_space<vmem>>) semaphore(%arg17 : memref<!tpu.dma_semaphore, #tpu.memory_space<semaphore_mem>>)
        %dma_start3A_802 = arith.constant 3 : i32
        %dma_start3A_803 = arith.constant 128 : i32
        %dma_start3A_804 = arith.constant 0 : i32
        %dma_start3A_805 = tpu.memref_slice %arg11[%dma_start3A_803, %dma_start3A_804] : memref<200x128xf32, #tpu.memory_space<vmem>> -> memref<72x128xf32, #tpu.memory_space<vmem>>
        %dma_start3A_806 = arith.constant 128 : i32
        %dma_start3A_807 = tpu.memref_slice %arg6[%dma_start3A_802, %dma_start3A_806] : memref<16x200xi32, #tpu.memory_space<vmem>> -> memref<1x72xi32, #tpu.memory_space<vmem>>
        %dma_start3A_808 = tpu.memref_squeeze %dma_start3A_807 : memref<1x72xi32, #tpu.memory_space<vmem>> -> memref<72xi32, #tpu.memory_space<vmem>>
        %dma_start3A_809 = arith.constant 0 : i32
        %dma_start3A_810 = arith.constant 0 : i32
        %dma_start3A_811 = tpu.memref_slice %arg5[%dma_start3A_809, %dma_start3A_810] : memref<1000x128xf32, #tpu.memory_space<vmem_shared>> -> memref<1000x128xf32, #tpu.memory_space<vmem_shared>>
        tpu.enqueue_indirect_dma source(%dma_start3A_811 : memref<1000x128xf32, #tpu.memory_space<vmem_shared>>) target(%dma_start3A_805 : memref<72x128xf32, #tpu.memory_space<vmem>>) offsets(%dma_start3A_808 : memref<72xi32, #tpu.memory_space<vmem>>) semaphore(%arg17 : memref<!tpu.dma_semaphore, #tpu.memory_space<semaphore_mem>>)
      } else {
      }
      %dma_wait3A_121 = arith.constant 0 : i32
      %dma_wait3A_122 = tpu.memref_slice %arg4[%mul3A_4, %dma_wait3A_121] : memref<3276800x128xf32, #tpu.memory_space<hbm>> -> memref<200x128xf32, #tpu.memory_space<hbm>>
      %dma_wait3A_123 = arith.constant 0 : i32
      %dma_wait3A_124 = tpu.memref_slice %arg4[%mul3A_4, %dma_wait3A_123] : memref<3276800x128xf32, #tpu.memory_space<hbm>> -> memref<200x128xf32, #tpu.memory_space<hbm>>
      tpu.wait_dma2 semaphore(%arg16 : memref<!tpu.dma_semaphore, #tpu.memory_space<semaphore_mem>>) src(%dma_wait3A_124 : memref<200x128xf32, #tpu.memory_space<hbm>>) dst(%arg10 : memref<200x128xf32, #tpu.memory_space<vmem>>)
      %mul3A_125 = arith.constant 200 : i32
      %mul3A_126 = arith.muli %add3A_113, %mul3A_125 : i32
      %add3A_127 = arith.addi %mul3A_4, %mul3A_126 : i32
      %dma_start3A_128 = arith.constant 0 : i32
      %dma_start3A_129 = tpu.memref_slice %arg4[%add3A_127, %dma_start3A_128] : memref<3276800x128xf32, #tpu.memory_space<hbm>> -> memref<200x128xf32, #tpu.memory_space<hbm>>
      %dma_start3A_130 = arith.constant 0 : i32
      %dma_start3A_131 = tpu.memref_slice %arg4[%add3A_127, %dma_start3A_130] : memref<3276800x128xf32, #tpu.memory_space<hbm>> -> memref<200x128xf32, #tpu.memory_space<hbm>>
      tpu.enqueue_dma source(%arg10 : memref<200x128xf32, #tpu.memory_space<vmem>>) target(%dma_start3A_131 : memref<200x128xf32, #tpu.memory_space<hbm>>) target_semaphore(%arg20 : memref<!tpu.dma_semaphore, #tpu.memory_space<semaphore_mem>>)
      %mul3A_132 = arith.constant 16 : i32
      %mul3A_133 = arith.muli %add3A_66, %mul3A_132 : i32
      %add3A_134 = arith.constant 3 : i32
      %add3A_135 = arith.addi %mul3A_133, %add3A_134 : i32
      %add3A_136 = arith.constant 1 : i32
      %add3A_137 = arith.addi %add3A_135, %add3A_136 : i32
      %lt3A_138 = arith.constant 512 : i32
      %lt3A_139 = arith.cmpi slt, %add3A_137, %lt3A_138 : i32
      %convert_element_type3A_140 = arith.extui %lt3A_139 : i1 to i32
      %cond3A_141 = arith.constant 0 : i32
      %cond3A_142 = arith.cmpi ne, %convert_element_type3A_140, %cond3A_141 : i32
      scf.if %cond3A_142 {
        %ge3A = arith.constant 3 : i32
        %ge3A_788 = arith.cmpi sge, %add3A_135, %ge3A : i32
        %convert_element_type3A_789 = arith.extui %ge3A_788 : i1 to i32
        %cond3A_790 = arith.constant 0 : i32
        %cond3A_791 = arith.cmpi ne, %convert_element_type3A_789, %cond3A_790 : i32
        scf.if %cond3A_791 {
          %dma_wait3A_812 = arith.constant 0 : i32
          %dma_wait3A_813 = tpu.memref_slice %arg4[%mul3A_4, %dma_wait3A_812] : memref<3276800x128xf32, #tpu.memory_space<hbm>> -> memref<200x128xf32, #tpu.memory_space<hbm>>
          %dma_wait3A_814 = arith.constant 0 : i32
          %dma_wait3A_815 = tpu.memref_slice %arg4[%mul3A_4, %dma_wait3A_814] : memref<3276800x128xf32, #tpu.memory_space<hbm>> -> memref<200x128xf32, #tpu.memory_space<hbm>>
          tpu.wait_dma2 semaphore(%arg18 : memref<!tpu.dma_semaphore, #tpu.memory_space<semaphore_mem>>) src(%arg8 : memref<200x128xf32, #tpu.memory_space<vmem>>) dst(%dma_wait3A_815 : memref<200x128xf32, #tpu.memory_space<hbm>>)
        } else {
        }
        %dma_start3A_792 = arith.constant 4 : i32
        %dma_start3A_793 = arith.constant 0 : i32
        %dma_start3A_794 = arith.constant 0 : i32
        %dma_start3A_795 = tpu.memref_slice %arg8[%dma_start3A_793, %dma_start3A_794] : memref<200x128xf32, #tpu.memory_space<vmem>> -> memref<128x128xf32, #tpu.memory_space<vmem>>
        %dma_start3A_796 = arith.constant 0 : i32
        %dma_start3A_797 = tpu.memref_slice %arg6[%dma_start3A_792, %dma_start3A_796] : memref<16x200xi32, #tpu.memory_space<vmem>> -> memref<1x128xi32, #tpu.memory_space<vmem>>
        %dma_start3A_798 = tpu.memref_squeeze %dma_start3A_797 : memref<1x128xi32, #tpu.memory_space<vmem>> -> memref<128xi32, #tpu.memory_space<vmem>>
        %dma_start3A_799 = arith.constant 0 : i32
        %dma_start3A_800 = arith.constant 0 : i32
        %dma_start3A_801 = tpu.memref_slice %arg5[%dma_start3A_799, %dma_start3A_800] : memref<1000x128xf32, #tpu.memory_space<vmem_shared>> -> memref<1000x128xf32, #tpu.memory_space<vmem_shared>>
        tpu.enqueue_indirect_dma source(%dma_start3A_801 : memref<1000x128xf32, #tpu.memory_space<vmem_shared>>) target(%dma_start3A_795 : memref<128x128xf32, #tpu.memory_space<vmem>>) offsets(%dma_start3A_798 : memref<128xi32, #tpu.memory_space<vmem>>) semaphore(%arg14 : memref<!tpu.dma_semaphore, #tpu.memory_space<semaphore_mem>>)
        %dma_start3A_802 = arith.constant 4 : i32
        %dma_start3A_803 = arith.constant 128 : i32
        %dma_start3A_804 = arith.constant 0 : i32
        %dma_start3A_805 = tpu.memref_slice %arg8[%dma_start3A_803, %dma_start3A_804] : memref<200x128xf32, #tpu.memory_space<vmem>> -> memref<72x128xf32, #tpu.memory_space<vmem>>
        %dma_start3A_806 = arith.constant 128 : i32
        %dma_start3A_807 = tpu.memref_slice %arg6[%dma_start3A_802, %dma_start3A_806] : memref<16x200xi32, #tpu.memory_space<vmem>> -> memref<1x72xi32, #tpu.memory_space<vmem>>
        %dma_start3A_808 = tpu.memref_squeeze %dma_start3A_807 : memref<1x72xi32, #tpu.memory_space<vmem>> -> memref<72xi32, #tpu.memory_space<vmem>>
        %dma_start3A_809 = arith.constant 0 : i32
        %dma_start3A_810 = arith.constant 0 : i32
        %dma_start3A_811 = tpu.memref_slice %arg5[%dma_start3A_809, %dma_start3A_810] : memref<1000x128xf32, #tpu.memory_space<vmem_shared>> -> memref<1000x128xf32, #tpu.memory_space<vmem_shared>>
        tpu.enqueue_indirect_dma source(%dma_start3A_811 : memref<1000x128xf32, #tpu.memory_space<vmem_shared>>) target(%dma_start3A_805 : memref<72x128xf32, #tpu.memory_space<vmem>>) offsets(%dma_start3A_808 : memref<72xi32, #tpu.memory_space<vmem>>) semaphore(%arg14 : memref<!tpu.dma_semaphore, #tpu.memory_space<semaphore_mem>>)
      } else {
      }
      %dma_wait3A_143 = arith.constant 0 : i32
      %dma_wait3A_144 = tpu.memref_slice %arg4[%mul3A_4, %dma_wait3A_143] : memref<3276800x128xf32, #tpu.memory_space<hbm>> -> memref<200x128xf32, #tpu.memory_space<hbm>>
      %dma_wait3A_145 = arith.constant 0 : i32
      %dma_wait3A_146 = tpu.memref_slice %arg4[%mul3A_4, %dma_wait3A_145] : memref<3276800x128xf32, #tpu.memory_space<hbm>> -> memref<200x128xf32, #tpu.memory_space<hbm>>
      tpu.wait_dma2 semaphore(%arg17 : memref<!tpu.dma_semaphore, #tpu.memory_space<semaphore_mem>>) src(%dma_wait3A_146 : memref<200x128xf32, #tpu.memory_space<hbm>>) dst(%arg11 : memref<200x128xf32, #tpu.memory_space<vmem>>)
      %mul3A_147 = arith.constant 200 : i32
      %mul3A_148 = arith.muli %add3A_135, %mul3A_147 : i32
      %add3A_149 = arith.addi %mul3A_4, %mul3A_148 : i32
      %dma_start3A_150 = arith.constant 0 : i32
      %dma_start3A_151 = tpu.memref_slice %arg4[%add3A_149, %dma_start3A_150] : memref<3276800x128xf32, #tpu.memory_space<hbm>> -> memref<200x128xf32, #tpu.memory_space<hbm>>
      %dma_start3A_152 = arith.constant 0 : i32
      %dma_start3A_153 = tpu.memref_slice %arg4[%add3A_149, %dma_start3A_152] : memref<3276800x128xf32, #tpu.memory_space<hbm>> -> memref<200x128xf32, #tpu.memory_space<hbm>>
      tpu.enqueue_dma source(%arg11 : memref<200x128xf32, #tpu.memory_space<vmem>>) target(%dma_start3A_153 : memref<200x128xf32, #tpu.memory_space<hbm>>) target_semaphore(%arg21 : memref<!tpu.dma_semaphore, #tpu.memory_space<semaphore_mem>>)
      %mul3A_154 = arith.constant 16 : i32
      %mul3A_155 = arith.muli %add3A_66, %mul3A_154 : i32
      %add3A_156 = arith.constant 4 : i32
      %add3A_157 = arith.addi %mul3A_155, %add3A_156 : i32
      %add3A_158 = arith.constant 1 : i32
      %add3A_159 = arith.addi %add3A_157, %add3A_158 : i32
      %lt3A_160 = arith.constant 512 : i32
      %lt3A_161 = arith.cmpi slt, %add3A_159, %lt3A_160 : i32
      %convert_element_type3A_162 = arith.extui %lt3A_161 : i1 to i32
      %cond3A_163 = arith.constant 0 : i32
      %cond3A_164 = arith.cmpi ne, %convert_element_type3A_162, %cond3A_163 : i32
      scf.if %cond3A_164 {
        %ge3A = arith.constant 3 : i32
        %ge3A_788 = arith.cmpi sge, %add3A_157, %ge3A : i32
        %convert_element_type3A_789 = arith.extui %ge3A_788 : i1 to i32
        %cond3A_790 = arith.constant 0 : i32
        %cond3A_791 = arith.cmpi ne, %convert_element_type3A_789, %cond3A_790 : i32
        scf.if %cond3A_791 {
          %dma_wait3A_812 = arith.constant 0 : i32
          %dma_wait3A_813 = tpu.memref_slice %arg4[%mul3A_4, %dma_wait3A_812] : memref<3276800x128xf32, #tpu.memory_space<hbm>> -> memref<200x128xf32, #tpu.memory_space<hbm>>
          %dma_wait3A_814 = arith.constant 0 : i32
          %dma_wait3A_815 = tpu.memref_slice %arg4[%mul3A_4, %dma_wait3A_814] : memref<3276800x128xf32, #tpu.memory_space<hbm>> -> memref<200x128xf32, #tpu.memory_space<hbm>>
          tpu.wait_dma2 semaphore(%arg19 : memref<!tpu.dma_semaphore, #tpu.memory_space<semaphore_mem>>) src(%arg9 : memref<200x128xf32, #tpu.memory_space<vmem>>) dst(%dma_wait3A_815 : memref<200x128xf32, #tpu.memory_space<hbm>>)
        } else {
        }
        %dma_start3A_792 = arith.constant 5 : i32
        %dma_start3A_793 = arith.constant 0 : i32
        %dma_start3A_794 = arith.constant 0 : i32
        %dma_start3A_795 = tpu.memref_slice %arg9[%dma_start3A_793, %dma_start3A_794] : memref<200x128xf32, #tpu.memory_space<vmem>> -> memref<128x128xf32, #tpu.memory_space<vmem>>
        %dma_start3A_796 = arith.constant 0 : i32
        %dma_start3A_797 = tpu.memref_slice %arg6[%dma_start3A_792, %dma_start3A_796] : memref<16x200xi32, #tpu.memory_space<vmem>> -> memref<1x128xi32, #tpu.memory_space<vmem>>
        %dma_start3A_798 = tpu.memref_squeeze %dma_start3A_797 : memref<1x128xi32, #tpu.memory_space<vmem>> -> memref<128xi32, #tpu.memory_space<vmem>>
        %dma_start3A_799 = arith.constant 0 : i32
        %dma_start3A_800 = arith.constant 0 : i32
        %dma_start3A_801 = tpu.memref_slice %arg5[%dma_start3A_799, %dma_start3A_800] : memref<1000x128xf32, #tpu.memory_space<vmem_shared>> -> memref<1000x128xf32, #tpu.memory_space<vmem_shared>>
        tpu.enqueue_indirect_dma source(%dma_start3A_801 : memref<1000x128xf32, #tpu.memory_space<vmem_shared>>) target(%dma_start3A_795 : memref<128x128xf32, #tpu.memory_space<vmem>>) offsets(%dma_start3A_798 : memref<128xi32, #tpu.memory_space<vmem>>) semaphore(%arg15 : memref<!tpu.dma_semaphore, #tpu.memory_space<semaphore_mem>>)
        %dma_start3A_802 = arith.constant 5 : i32
        %dma_start3A_803 = arith.constant 128 : i32
        %dma_start3A_804 = arith.constant 0 : i32
        %dma_start3A_805 = tpu.memref_slice %arg9[%dma_start3A_803, %dma_start3A_804] : memref<200x128xf32, #tpu.memory_space<vmem>> -> memref<72x128xf32, #tpu.memory_space<vmem>>
        %dma_start3A_806 = arith.constant 128 : i32
        %dma_start3A_807 = tpu.memref_slice %arg6[%dma_start3A_802, %dma_start3A_806] : memref<16x200xi32, #tpu.memory_space<vmem>> -> memref<1x72xi32, #tpu.memory_space<vmem>>
        %dma_start3A_808 = tpu.memref_squeeze %dma_start3A_807 : memref<1x72xi32, #tpu.memory_space<vmem>> -> memref<72xi32, #tpu.memory_space<vmem>>
        %dma_start3A_809 = arith.constant 0 : i32
        %dma_start3A_810 = arith.constant 0 : i32
        %dma_start3A_811 = tpu.memref_slice %arg5[%dma_start3A_809, %dma_start3A_810] : memref<1000x128xf32, #tpu.memory_space<vmem_shared>> -> memref<1000x128xf32, #tpu.memory_space<vmem_shared>>
        tpu.enqueue_indirect_dma source(%dma_start3A_811 : memref<1000x128xf32, #tpu.memory_space<vmem_shared>>) target(%dma_start3A_805 : memref<72x128xf32, #tpu.memory_space<vmem>>) offsets(%dma_start3A_808 : memref<72xi32, #tpu.memory_space<vmem>>) semaphore(%arg15 : memref<!tpu.dma_semaphore, #tpu.memory_space<semaphore_mem>>)
      } else {
      }
      %dma_wait3A_165 = arith.constant 0 : i32
      %dma_wait3A_166 = tpu.memref_slice %arg4[%mul3A_4, %dma_wait3A_165] : memref<3276800x128xf32, #tpu.memory_space<hbm>> -> memref<200x128xf32, #tpu.memory_space<hbm>>
      %dma_wait3A_167 = arith.constant 0 : i32
      %dma_wait3A_168 = tpu.memref_slice %arg4[%mul3A_4, %dma_wait3A_167] : memref<3276800x128xf32, #tpu.memory_space<hbm>> -> memref<200x128xf32, #tpu.memory_space<hbm>>
      tpu.wait_dma2 semaphore(%arg14 : memref<!tpu.dma_semaphore, #tpu.memory_space<semaphore_mem>>) src(%dma_wait3A_168 : memref<200x128xf32, #tpu.memory_space<hbm>>) dst(%arg8 : memref<200x128xf32, #tpu.memory_space<vmem>>)
      %mul3A_169 = arith.constant 200 : i32
      %mul3A_170 = arith.muli %add3A_157, %mul3A_169 : i32
      %add3A_171 = arith.addi %mul3A_4, %mul3A_170 : i32
      %dma_start3A_172 = arith.constant 0 : i32
      %dma_start3A_173 = tpu.memref_slice %arg4[%add3A_171, %dma_start3A_172] : memref<3276800x128xf32, #tpu.memory_space<hbm>> -> memref<200x128xf32, #tpu.memory_space<hbm>>
      %dma_start3A_174 = arith.constant 0 : i32
      %dma_start3A_175 = tpu.memref_slice %arg4[%add3A_171, %dma_start3A_174] : memref<3276800x128xf32, #tpu.memory_space<hbm>> -> memref<200x128xf32, #tpu.memory_space<hbm>>
      tpu.enqueue_dma source(%arg8 : memref<200x128xf32, #tpu.memory_space<vmem>>) target(%dma_start3A_175 : memref<200x128xf32, #tpu.memory_space<hbm>>) target_semaphore(%arg18 : memref<!tpu.dma_semaphore, #tpu.memory_space<semaphore_mem>>)
      %mul3A_176 = arith.constant 16 : i32
      %mul3A_177 = arith.muli %add3A_66, %mul3A_176 : i32
      %add3A_178 = arith.constant 5 : i32
      %add3A_179 = arith.addi %mul3A_177, %add3A_178 : i32
      %add3A_180 = arith.constant 1 : i32
      %add3A_181 = arith.addi %add3A_179, %add3A_180 : i32
      %lt3A_182 = arith.constant 512 : i32
      %lt3A_183 = arith.cmpi slt, %add3A_181, %lt3A_182 : i32
      %convert_element_type3A_184 = arith.extui %lt3A_183 : i1 to i32
      %cond3A_185 = arith.constant 0 : i32
      %cond3A_186 = arith.cmpi ne, %convert_element_type3A_184, %cond3A_185 : i32
      scf.if %cond3A_186 {
        %ge3A = arith.constant 3 : i32
        %ge3A_788 = arith.cmpi sge, %add3A_179, %ge3A : i32
        %convert_element_type3A_789 = arith.extui %ge3A_788 : i1 to i32
        %cond3A_790 = arith.constant 0 : i32
        %cond3A_791 = arith.cmpi ne, %convert_element_type3A_789, %cond3A_790 : i32
        scf.if %cond3A_791 {
          %dma_wait3A_812 = arith.constant 0 : i32
          %dma_wait3A_813 = tpu.memref_slice %arg4[%mul3A_4, %dma_wait3A_812] : memref<3276800x128xf32, #tpu.memory_space<hbm>> -> memref<200x128xf32, #tpu.memory_space<hbm>>
          %dma_wait3A_814 = arith.constant 0 : i32
          %dma_wait3A_815 = tpu.memref_slice %arg4[%mul3A_4, %dma_wait3A_814] : memref<3276800x128xf32, #tpu.memory_space<hbm>> -> memref<200x128xf32, #tpu.memory_space<hbm>>
          tpu.wait_dma2 semaphore(%arg20 : memref<!tpu.dma_semaphore, #tpu.memory_space<semaphore_mem>>) src(%arg10 : memref<200x128xf32, #tpu.memory_space<vmem>>) dst(%dma_wait3A_815 : memref<200x128xf32, #tpu.memory_space<hbm>>)
        } else {
        }
        %dma_start3A_792 = arith.constant 6 : i32
        %dma_start3A_793 = arith.constant 0 : i32
        %dma_start3A_794 = arith.constant 0 : i32
        %dma_start3A_795 = tpu.memref_slice %arg10[%dma_start3A_793, %dma_start3A_794] : memref<200x128xf32, #tpu.memory_space<vmem>> -> memref<128x128xf32, #tpu.memory_space<vmem>>
        %dma_start3A_796 = arith.constant 0 : i32
        %dma_start3A_797 = tpu.memref_slice %arg6[%dma_start3A_792, %dma_start3A_796] : memref<16x200xi32, #tpu.memory_space<vmem>> -> memref<1x128xi32, #tpu.memory_space<vmem>>
        %dma_start3A_798 = tpu.memref_squeeze %dma_start3A_797 : memref<1x128xi32, #tpu.memory_space<vmem>> -> memref<128xi32, #tpu.memory_space<vmem>>
        %dma_start3A_799 = arith.constant 0 : i32
        %dma_start3A_800 = arith.constant 0 : i32
        %dma_start3A_801 = tpu.memref_slice %arg5[%dma_start3A_799, %dma_start3A_800] : memref<1000x128xf32, #tpu.memory_space<vmem_shared>> -> memref<1000x128xf32, #tpu.memory_space<vmem_shared>>
        tpu.enqueue_indirect_dma source(%dma_start3A_801 : memref<1000x128xf32, #tpu.memory_space<vmem_shared>>) target(%dma_start3A_795 : memref<128x128xf32, #tpu.memory_space<vmem>>) offsets(%dma_start3A_798 : memref<128xi32, #tpu.memory_space<vmem>>) semaphore(%arg16 : memref<!tpu.dma_semaphore, #tpu.memory_space<semaphore_mem>>)
        %dma_start3A_802 = arith.constant 6 : i32
        %dma_start3A_803 = arith.constant 128 : i32
        %dma_start3A_804 = arith.constant 0 : i32
        %dma_start3A_805 = tpu.memref_slice %arg10[%dma_start3A_803, %dma_start3A_804] : memref<200x128xf32, #tpu.memory_space<vmem>> -> memref<72x128xf32, #tpu.memory_space<vmem>>
        %dma_start3A_806 = arith.constant 128 : i32
        %dma_start3A_807 = tpu.memref_slice %arg6[%dma_start3A_802, %dma_start3A_806] : memref<16x200xi32, #tpu.memory_space<vmem>> -> memref<1x72xi32, #tpu.memory_space<vmem>>
        %dma_start3A_808 = tpu.memref_squeeze %dma_start3A_807 : memref<1x72xi32, #tpu.memory_space<vmem>> -> memref<72xi32, #tpu.memory_space<vmem>>
        %dma_start3A_809 = arith.constant 0 : i32
        %dma_start3A_810 = arith.constant 0 : i32
        %dma_start3A_811 = tpu.memref_slice %arg5[%dma_start3A_809, %dma_start3A_810] : memref<1000x128xf32, #tpu.memory_space<vmem_shared>> -> memref<1000x128xf32, #tpu.memory_space<vmem_shared>>
        tpu.enqueue_indirect_dma source(%dma_start3A_811 : memref<1000x128xf32, #tpu.memory_space<vmem_shared>>) target(%dma_start3A_805 : memref<72x128xf32, #tpu.memory_space<vmem>>) offsets(%dma_start3A_808 : memref<72xi32, #tpu.memory_space<vmem>>) semaphore(%arg16 : memref<!tpu.dma_semaphore, #tpu.memory_space<semaphore_mem>>)
      } else {
      }
      %dma_wait3A_187 = arith.constant 0 : i32
      %dma_wait3A_188 = tpu.memref_slice %arg4[%mul3A_4, %dma_wait3A_187] : memref<3276800x128xf32, #tpu.memory_space<hbm>> -> memref<200x128xf32, #tpu.memory_space<hbm>>
      %dma_wait3A_189 = arith.constant 0 : i32
      %dma_wait3A_190 = tpu.memref_slice %arg4[%mul3A_4, %dma_wait3A_189] : memref<3276800x128xf32, #tpu.memory_space<hbm>> -> memref<200x128xf32, #tpu.memory_space<hbm>>
      tpu.wait_dma2 semaphore(%arg15 : memref<!tpu.dma_semaphore, #tpu.memory_space<semaphore_mem>>) src(%dma_wait3A_190 : memref<200x128xf32, #tpu.memory_space<hbm>>) dst(%arg9 : memref<200x128xf32, #tpu.memory_space<vmem>>)
      %mul3A_191 = arith.constant 200 : i32
      %mul3A_192 = arith.muli %add3A_179, %mul3A_191 : i32
      %add3A_193 = arith.addi %mul3A_4, %mul3A_192 : i32
      %dma_start3A_194 = arith.constant 0 : i32
      %dma_start3A_195 = tpu.memref_slice %arg4[%add3A_193, %dma_start3A_194] : memref<3276800x128xf32, #tpu.memory_space<hbm>> -> memref<200x128xf32, #tpu.memory_space<hbm>>
      %dma_start3A_196 = arith.constant 0 : i32
      %dma_start3A_197 = tpu.memref_slice %arg4[%add3A_193, %dma_start3A_196] : memref<3276800x128xf32, #tpu.memory_space<hbm>> -> memref<200x128xf32, #tpu.memory_space<hbm>>
      tpu.enqueue_dma source(%arg9 : memref<200x128xf32, #tpu.memory_space<vmem>>) target(%dma_start3A_197 : memref<200x128xf32, #tpu.memory_space<hbm>>) target_semaphore(%arg19 : memref<!tpu.dma_semaphore, #tpu.memory_space<semaphore_mem>>)
      %mul3A_198 = arith.constant 16 : i32
      %mul3A_199 = arith.muli %add3A_66, %mul3A_198 : i32
      %add3A_200 = arith.constant 6 : i32
      %add3A_201 = arith.addi %mul3A_199, %add3A_200 : i32
      %add3A_202 = arith.constant 1 : i32
      %add3A_203 = arith.addi %add3A_201, %add3A_202 : i32
      %lt3A_204 = arith.constant 512 : i32
      %lt3A_205 = arith.cmpi slt, %add3A_203, %lt3A_204 : i32
      %convert_element_type3A_206 = arith.extui %lt3A_205 : i1 to i32
      %cond3A_207 = arith.constant 0 : i32
      %cond3A_208 = arith.cmpi ne, %convert_element_type3A_206, %cond3A_207 : i32
      scf.if %cond3A_208 {
        %ge3A = arith.constant 3 : i32
        %ge3A_788 = arith.cmpi sge, %add3A_201, %ge3A : i32
        %convert_element_type3A_789 = arith.extui %ge3A_788 : i1 to i32
        %cond3A_790 = arith.constant 0 : i32
        %cond3A_791 = arith.cmpi ne, %convert_element_type3A_789, %cond3A_790 : i32
        scf.if %cond3A_791 {
          %dma_wait3A_812 = arith.constant 0 : i32
          %dma_wait3A_813 = tpu.memref_slice %arg4[%mul3A_4, %dma_wait3A_812] : memref<3276800x128xf32, #tpu.memory_space<hbm>> -> memref<200x128xf32, #tpu.memory_space<hbm>>
          %dma_wait3A_814 = arith.constant 0 : i32
          %dma_wait3A_815 = tpu.memref_slice %arg4[%mul3A_4, %dma_wait3A_814] : memref<3276800x128xf32, #tpu.memory_space<hbm>> -> memref<200x128xf32, #tpu.memory_space<hbm>>
          tpu.wait_dma2 semaphore(%arg21 : memref<!tpu.dma_semaphore, #tpu.memory_space<semaphore_mem>>) src(%arg11 : memref<200x128xf32, #tpu.memory_space<vmem>>) dst(%dma_wait3A_815 : memref<200x128xf32, #tpu.memory_space<hbm>>)
        } else {
        }
        %dma_start3A_792 = arith.constant 7 : i32
        %dma_start3A_793 = arith.constant 0 : i32
        %dma_start3A_794 = arith.constant 0 : i32
        %dma_start3A_795 = tpu.memref_slice %arg11[%dma_start3A_793, %dma_start3A_794] : memref<200x128xf32, #tpu.memory_space<vmem>> -> memref<128x128xf32, #tpu.memory_space<vmem>>
        %dma_start3A_796 = arith.constant 0 : i32
        %dma_start3A_797 = tpu.memref_slice %arg6[%dma_start3A_792, %dma_start3A_796] : memref<16x200xi32, #tpu.memory_space<vmem>> -> memref<1x128xi32, #tpu.memory_space<vmem>>
        %dma_start3A_798 = tpu.memref_squeeze %dma_start3A_797 : memref<1x128xi32, #tpu.memory_space<vmem>> -> memref<128xi32, #tpu.memory_space<vmem>>
        %dma_start3A_799 = arith.constant 0 : i32
        %dma_start3A_800 = arith.constant 0 : i32
        %dma_start3A_801 = tpu.memref_slice %arg5[%dma_start3A_799, %dma_start3A_800] : memref<1000x128xf32, #tpu.memory_space<vmem_shared>> -> memref<1000x128xf32, #tpu.memory_space<vmem_shared>>
        tpu.enqueue_indirect_dma source(%dma_start3A_801 : memref<1000x128xf32, #tpu.memory_space<vmem_shared>>) target(%dma_start3A_795 : memref<128x128xf32, #tpu.memory_space<vmem>>) offsets(%dma_start3A_798 : memref<128xi32, #tpu.memory_space<vmem>>) semaphore(%arg17 : memref<!tpu.dma_semaphore, #tpu.memory_space<semaphore_mem>>)
        %dma_start3A_802 = arith.constant 7 : i32
        %dma_start3A_803 = arith.constant 128 : i32
        %dma_start3A_804 = arith.constant 0 : i32
        %dma_start3A_805 = tpu.memref_slice %arg11[%dma_start3A_803, %dma_start3A_804] : memref<200x128xf32, #tpu.memory_space<vmem>> -> memref<72x128xf32, #tpu.memory_space<vmem>>
        %dma_start3A_806 = arith.constant 128 : i32
        %dma_start3A_807 = tpu.memref_slice %arg6[%dma_start3A_802, %dma_start3A_806] : memref<16x200xi32, #tpu.memory_space<vmem>> -> memref<1x72xi32, #tpu.memory_space<vmem>>
        %dma_start3A_808 = tpu.memref_squeeze %dma_start3A_807 : memref<1x72xi32, #tpu.memory_space<vmem>> -> memref<72xi32, #tpu.memory_space<vmem>>
        %dma_start3A_809 = arith.constant 0 : i32
        %dma_start3A_810 = arith.constant 0 : i32
        %dma_start3A_811 = tpu.memref_slice %arg5[%dma_start3A_809, %dma_start3A_810] : memref<1000x128xf32, #tpu.memory_space<vmem_shared>> -> memref<1000x128xf32, #tpu.memory_space<vmem_shared>>
        tpu.enqueue_indirect_dma source(%dma_start3A_811 : memref<1000x128xf32, #tpu.memory_space<vmem_shared>>) target(%dma_start3A_805 : memref<72x128xf32, #tpu.memory_space<vmem>>) offsets(%dma_start3A_808 : memref<72xi32, #tpu.memory_space<vmem>>) semaphore(%arg17 : memref<!tpu.dma_semaphore, #tpu.memory_space<semaphore_mem>>)
      } else {
      }
      %dma_wait3A_209 = arith.constant 0 : i32
      %dma_wait3A_210 = tpu.memref_slice %arg4[%mul3A_4, %dma_wait3A_209] : memref<3276800x128xf32, #tpu.memory_space<hbm>> -> memref<200x128xf32, #tpu.memory_space<hbm>>
      %dma_wait3A_211 = arith.constant 0 : i32
      %dma_wait3A_212 = tpu.memref_slice %arg4[%mul3A_4, %dma_wait3A_211] : memref<3276800x128xf32, #tpu.memory_space<hbm>> -> memref<200x128xf32, #tpu.memory_space<hbm>>
      tpu.wait_dma2 semaphore(%arg16 : memref<!tpu.dma_semaphore, #tpu.memory_space<semaphore_mem>>) src(%dma_wait3A_212 : memref<200x128xf32, #tpu.memory_space<hbm>>) dst(%arg10 : memref<200x128xf32, #tpu.memory_space<vmem>>)
      %mul3A_213 = arith.constant 200 : i32
      %mul3A_214 = arith.muli %add3A_201, %mul3A_213 : i32
      %add3A_215 = arith.addi %mul3A_4, %mul3A_214 : i32
      %dma_start3A_216 = arith.constant 0 : i32
      %dma_start3A_217 = tpu.memref_slice %arg4[%add3A_215, %dma_start3A_216] : memref<3276800x128xf32, #tpu.memory_space<hbm>> -> memref<200x128xf32, #tpu.memory_space<hbm>>
      %dma_start3A_218 = arith.constant 0 : i32
      %dma_start3A_219 = tpu.memref_slice %arg4[%add3A_215, %dma_start3A_218] : memref<3276800x128xf32, #tpu.memory_space<hbm>> -> memref<200x128xf32, #tpu.memory_space<hbm>>
      tpu.enqueue_dma source(%arg10 : memref<200x128xf32, #tpu.memory_space<vmem>>) target(%dma_start3A_219 : memref<200x128xf32, #tpu.memory_space<hbm>>) target_semaphore(%arg20 : memref<!tpu.dma_semaphore, #tpu.memory_space<semaphore_mem>>)
      %mul3A_220 = arith.constant 16 : i32
      %mul3A_221 = arith.muli %add3A_66, %mul3A_220 : i32
      %add3A_222 = arith.constant 7 : i32
      %add3A_223 = arith.addi %mul3A_221, %add3A_222 : i32
      %add3A_224 = arith.constant 1 : i32
      %add3A_225 = arith.addi %add3A_223, %add3A_224 : i32
      %lt3A_226 = arith.constant 512 : i32
      %lt3A_227 = arith.cmpi slt, %add3A_225, %lt3A_226 : i32
      %convert_element_type3A_228 = arith.extui %lt3A_227 : i1 to i32
      %cond3A_229 = arith.constant 0 : i32
      %cond3A_230 = arith.cmpi ne, %convert_element_type3A_228, %cond3A_229 : i32
      scf.if %cond3A_230 {
        %ge3A = arith.constant 3 : i32
        %ge3A_788 = arith.cmpi sge, %add3A_223, %ge3A : i32
        %convert_element_type3A_789 = arith.extui %ge3A_788 : i1 to i32
        %cond3A_790 = arith.constant 0 : i32
        %cond3A_791 = arith.cmpi ne, %convert_element_type3A_789, %cond3A_790 : i32
        scf.if %cond3A_791 {
          %dma_wait3A_812 = arith.constant 0 : i32
          %dma_wait3A_813 = tpu.memref_slice %arg4[%mul3A_4, %dma_wait3A_812] : memref<3276800x128xf32, #tpu.memory_space<hbm>> -> memref<200x128xf32, #tpu.memory_space<hbm>>
          %dma_wait3A_814 = arith.constant 0 : i32
          %dma_wait3A_815 = tpu.memref_slice %arg4[%mul3A_4, %dma_wait3A_814] : memref<3276800x128xf32, #tpu.memory_space<hbm>> -> memref<200x128xf32, #tpu.memory_space<hbm>>
          tpu.wait_dma2 semaphore(%arg18 : memref<!tpu.dma_semaphore, #tpu.memory_space<semaphore_mem>>) src(%arg8 : memref<200x128xf32, #tpu.memory_space<vmem>>) dst(%dma_wait3A_815 : memref<200x128xf32, #tpu.memory_space<hbm>>)
        } else {
        }
        %dma_start3A_792 = arith.constant 8 : i32
        %dma_start3A_793 = arith.constant 0 : i32
        %dma_start3A_794 = arith.constant 0 : i32
        %dma_start3A_795 = tpu.memref_slice %arg8[%dma_start3A_793, %dma_start3A_794] : memref<200x128xf32, #tpu.memory_space<vmem>> -> memref<128x128xf32, #tpu.memory_space<vmem>>
        %dma_start3A_796 = arith.constant 0 : i32
        %dma_start3A_797 = tpu.memref_slice %arg6[%dma_start3A_792, %dma_start3A_796] : memref<16x200xi32, #tpu.memory_space<vmem>> -> memref<1x128xi32, #tpu.memory_space<vmem>>
        %dma_start3A_798 = tpu.memref_squeeze %dma_start3A_797 : memref<1x128xi32, #tpu.memory_space<vmem>> -> memref<128xi32, #tpu.memory_space<vmem>>
        %dma_start3A_799 = arith.constant 0 : i32
        %dma_start3A_800 = arith.constant 0 : i32
        %dma_start3A_801 = tpu.memref_slice %arg5[%dma_start3A_799, %dma_start3A_800] : memref<1000x128xf32, #tpu.memory_space<vmem_shared>> -> memref<1000x128xf32, #tpu.memory_space<vmem_shared>>
        tpu.enqueue_indirect_dma source(%dma_start3A_801 : memref<1000x128xf32, #tpu.memory_space<vmem_shared>>) target(%dma_start3A_795 : memref<128x128xf32, #tpu.memory_space<vmem>>) offsets(%dma_start3A_798 : memref<128xi32, #tpu.memory_space<vmem>>) semaphore(%arg14 : memref<!tpu.dma_semaphore, #tpu.memory_space<semaphore_mem>>)
        %dma_start3A_802 = arith.constant 8 : i32
        %dma_start3A_803 = arith.constant 128 : i32
        %dma_start3A_804 = arith.constant 0 : i32
        %dma_start3A_805 = tpu.memref_slice %arg8[%dma_start3A_803, %dma_start3A_804] : memref<200x128xf32, #tpu.memory_space<vmem>> -> memref<72x128xf32, #tpu.memory_space<vmem>>
        %dma_start3A_806 = arith.constant 128 : i32
        %dma_start3A_807 = tpu.memref_slice %arg6[%dma_start3A_802, %dma_start3A_806] : memref<16x200xi32, #tpu.memory_space<vmem>> -> memref<1x72xi32, #tpu.memory_space<vmem>>
        %dma_start3A_808 = tpu.memref_squeeze %dma_start3A_807 : memref<1x72xi32, #tpu.memory_space<vmem>> -> memref<72xi32, #tpu.memory_space<vmem>>
        %dma_start3A_809 = arith.constant 0 : i32
        %dma_start3A_810 = arith.constant 0 : i32
        %dma_start3A_811 = tpu.memref_slice %arg5[%dma_start3A_809, %dma_start3A_810] : memref<1000x128xf32, #tpu.memory_space<vmem_shared>> -> memref<1000x128xf32, #tpu.memory_space<vmem_shared>>
        tpu.enqueue_indirect_dma source(%dma_start3A_811 : memref<1000x128xf32, #tpu.memory_space<vmem_shared>>) target(%dma_start3A_805 : memref<72x128xf32, #tpu.memory_space<vmem>>) offsets(%dma_start3A_808 : memref<72xi32, #tpu.memory_space<vmem>>) semaphore(%arg14 : memref<!tpu.dma_semaphore, #tpu.memory_space<semaphore_mem>>)
      } else {
      }
      %dma_wait3A_231 = arith.constant 0 : i32
      %dma_wait3A_232 = tpu.memref_slice %arg4[%mul3A_4, %dma_wait3A_231] : memref<3276800x128xf32, #tpu.memory_space<hbm>> -> memref<200x128xf32, #tpu.memory_space<hbm>>
      %dma_wait3A_233 = arith.constant 0 : i32
      %dma_wait3A_234 = tpu.memref_slice %arg4[%mul3A_4, %dma_wait3A_233] : memref<3276800x128xf32, #tpu.memory_space<hbm>> -> memref<200x128xf32, #tpu.memory_space<hbm>>
      tpu.wait_dma2 semaphore(%arg17 : memref<!tpu.dma_semaphore, #tpu.memory_space<semaphore_mem>>) src(%dma_wait3A_234 : memref<200x128xf32, #tpu.memory_space<hbm>>) dst(%arg11 : memref<200x128xf32, #tpu.memory_space<vmem>>)
      %mul3A_235 = arith.constant 200 : i32
      %mul3A_236 = arith.muli %add3A_223, %mul3A_235 : i32
      %add3A_237 = arith.addi %mul3A_4, %mul3A_236 : i32
      %dma_start3A_238 = arith.constant 0 : i32
      %dma_start3A_239 = tpu.memref_slice %arg4[%add3A_237, %dma_start3A_238] : memref<3276800x128xf32, #tpu.memory_space<hbm>> -> memref<200x128xf32, #tpu.memory_space<hbm>>
      %dma_start3A_240 = arith.constant 0 : i32
      %dma_start3A_241 = tpu.memref_slice %arg4[%add3A_237, %dma_start3A_240] : memref<3276800x128xf32, #tpu.memory_space<hbm>> -> memref<200x128xf32, #tpu.memory_space<hbm>>
      tpu.enqueue_dma source(%arg11 : memref<200x128xf32, #tpu.memory_space<vmem>>) target(%dma_start3A_241 : memref<200x128xf32, #tpu.memory_space<hbm>>) target_semaphore(%arg21 : memref<!tpu.dma_semaphore, #tpu.memory_space<semaphore_mem>>)
      %mul3A_242 = arith.constant 16 : i32
      %mul3A_243 = arith.muli %add3A_66, %mul3A_242 : i32
      %add3A_244 = arith.constant 8 : i32
      %add3A_245 = arith.addi %mul3A_243, %add3A_244 : i32
      %add3A_246 = arith.constant 1 : i32
      %add3A_247 = arith.addi %add3A_245, %add3A_246 : i32
      %lt3A_248 = arith.constant 512 : i32
      %lt3A_249 = arith.cmpi slt, %add3A_247, %lt3A_248 : i32
      %convert_element_type3A_250 = arith.extui %lt3A_249 : i1 to i32
      %cond3A_251 = arith.constant 0 : i32
      %cond3A_252 = arith.cmpi ne, %convert_element_type3A_250, %cond3A_251 : i32
      scf.if %cond3A_252 {
        %ge3A = arith.constant 3 : i32
        %ge3A_788 = arith.cmpi sge, %add3A_245, %ge3A : i32
        %convert_element_type3A_789 = arith.extui %ge3A_788 : i1 to i32
        %cond3A_790 = arith.constant 0 : i32
        %cond3A_791 = arith.cmpi ne, %convert_element_type3A_789, %cond3A_790 : i32
        scf.if %cond3A_791 {
          %dma_wait3A_812 = arith.constant 0 : i32
          %dma_wait3A_813 = tpu.memref_slice %arg4[%mul3A_4, %dma_wait3A_812] : memref<3276800x128xf32, #tpu.memory_space<hbm>> -> memref<200x128xf32, #tpu.memory_space<hbm>>
          %dma_wait3A_814 = arith.constant 0 : i32
          %dma_wait3A_815 = tpu.memref_slice %arg4[%mul3A_4, %dma_wait3A_814] : memref<3276800x128xf32, #tpu.memory_space<hbm>> -> memref<200x128xf32, #tpu.memory_space<hbm>>
          tpu.wait_dma2 semaphore(%arg19 : memref<!tpu.dma_semaphore, #tpu.memory_space<semaphore_mem>>) src(%arg9 : memref<200x128xf32, #tpu.memory_space<vmem>>) dst(%dma_wait3A_815 : memref<200x128xf32, #tpu.memory_space<hbm>>)
        } else {
        }
        %dma_start3A_792 = arith.constant 9 : i32
        %dma_start3A_793 = arith.constant 0 : i32
        %dma_start3A_794 = arith.constant 0 : i32
        %dma_start3A_795 = tpu.memref_slice %arg9[%dma_start3A_793, %dma_start3A_794] : memref<200x128xf32, #tpu.memory_space<vmem>> -> memref<128x128xf32, #tpu.memory_space<vmem>>
        %dma_start3A_796 = arith.constant 0 : i32
        %dma_start3A_797 = tpu.memref_slice %arg6[%dma_start3A_792, %dma_start3A_796] : memref<16x200xi32, #tpu.memory_space<vmem>> -> memref<1x128xi32, #tpu.memory_space<vmem>>
        %dma_start3A_798 = tpu.memref_squeeze %dma_start3A_797 : memref<1x128xi32, #tpu.memory_space<vmem>> -> memref<128xi32, #tpu.memory_space<vmem>>
        %dma_start3A_799 = arith.constant 0 : i32
        %dma_start3A_800 = arith.constant 0 : i32
        %dma_start3A_801 = tpu.memref_slice %arg5[%dma_start3A_799, %dma_start3A_800] : memref<1000x128xf32, #tpu.memory_space<vmem_shared>> -> memref<1000x128xf32, #tpu.memory_space<vmem_shared>>
        tpu.enqueue_indirect_dma source(%dma_start3A_801 : memref<1000x128xf32, #tpu.memory_space<vmem_shared>>) target(%dma_start3A_795 : memref<128x128xf32, #tpu.memory_space<vmem>>) offsets(%dma_start3A_798 : memref<128xi32, #tpu.memory_space<vmem>>) semaphore(%arg15 : memref<!tpu.dma_semaphore, #tpu.memory_space<semaphore_mem>>)
        %dma_start3A_802 = arith.constant 9 : i32
        %dma_start3A_803 = arith.constant 128 : i32
        %dma_start3A_804 = arith.constant 0 : i32
        %dma_start3A_805 = tpu.memref_slice %arg9[%dma_start3A_803, %dma_start3A_804] : memref<200x128xf32, #tpu.memory_space<vmem>> -> memref<72x128xf32, #tpu.memory_space<vmem>>
        %dma_start3A_806 = arith.constant 128 : i32
        %dma_start3A_807 = tpu.memref_slice %arg6[%dma_start3A_802, %dma_start3A_806] : memref<16x200xi32, #tpu.memory_space<vmem>> -> memref<1x72xi32, #tpu.memory_space<vmem>>
        %dma_start3A_808 = tpu.memref_squeeze %dma_start3A_807 : memref<1x72xi32, #tpu.memory_space<vmem>> -> memref<72xi32, #tpu.memory_space<vmem>>
        %dma_start3A_809 = arith.constant 0 : i32
        %dma_start3A_810 = arith.constant 0 : i32
        %dma_start3A_811 = tpu.memref_slice %arg5[%dma_start3A_809, %dma_start3A_810] : memref<1000x128xf32, #tpu.memory_space<vmem_shared>> -> memref<1000x128xf32, #tpu.memory_space<vmem_shared>>
        tpu.enqueue_indirect_dma source(%dma_start3A_811 : memref<1000x128xf32, #tpu.memory_space<vmem_shared>>) target(%dma_start3A_805 : memref<72x128xf32, #tpu.memory_space<vmem>>) offsets(%dma_start3A_808 : memref<72xi32, #tpu.memory_space<vmem>>) semaphore(%arg15 : memref<!tpu.dma_semaphore, #tpu.memory_space<semaphore_mem>>)
      } else {
      }
      %dma_wait3A_253 = arith.constant 0 : i32
      %dma_wait3A_254 = tpu.memref_slice %arg4[%mul3A_4, %dma_wait3A_253] : memref<3276800x128xf32, #tpu.memory_space<hbm>> -> memref<200x128xf32, #tpu.memory_space<hbm>>
      %dma_wait3A_255 = arith.constant 0 : i32
      %dma_wait3A_256 = tpu.memref_slice %arg4[%mul3A_4, %dma_wait3A_255] : memref<3276800x128xf32, #tpu.memory_space<hbm>> -> memref<200x128xf32, #tpu.memory_space<hbm>>
      tpu.wait_dma2 semaphore(%arg14 : memref<!tpu.dma_semaphore, #tpu.memory_space<semaphore_mem>>) src(%dma_wait3A_256 : memref<200x128xf32, #tpu.memory_space<hbm>>) dst(%arg8 : memref<200x128xf32, #tpu.memory_space<vmem>>)
      %mul3A_257 = arith.constant 200 : i32
      %mul3A_258 = arith.muli %add3A_245, %mul3A_257 : i32
      %add3A_259 = arith.addi %mul3A_4, %mul3A_258 : i32
      %dma_start3A_260 = arith.constant 0 : i32
      %dma_start3A_261 = tpu.memref_slice %arg4[%add3A_259, %dma_start3A_260] : memref<3276800x128xf32, #tpu.memory_space<hbm>> -> memref<200x128xf32, #tpu.memory_space<hbm>>
      %dma_start3A_262 = arith.constant 0 : i32
      %dma_start3A_263 = tpu.memref_slice %arg4[%add3A_259, %dma_start3A_262] : memref<3276800x128xf32, #tpu.memory_space<hbm>> -> memref<200x128xf32, #tpu.memory_space<hbm>>
      tpu.enqueue_dma source(%arg8 : memref<200x128xf32, #tpu.memory_space<vmem>>) target(%dma_start3A_263 : memref<200x128xf32, #tpu.memory_space<hbm>>) target_semaphore(%arg18 : memref<!tpu.dma_semaphore, #tpu.memory_space<semaphore_mem>>)
      %mul3A_264 = arith.constant 16 : i32
      %mul3A_265 = arith.muli %add3A_66, %mul3A_264 : i32
      %add3A_266 = arith.constant 9 : i32
      %add3A_267 = arith.addi %mul3A_265, %add3A_266 : i32
      %add3A_268 = arith.constant 1 : i32
      %add3A_269 = arith.addi %add3A_267, %add3A_268 : i32
      %lt3A_270 = arith.constant 512 : i32
      %lt3A_271 = arith.cmpi slt, %add3A_269, %lt3A_270 : i32
      %convert_element_type3A_272 = arith.extui %lt3A_271 : i1 to i32
      %cond3A_273 = arith.constant 0 : i32
      %cond3A_274 = arith.cmpi ne, %convert_element_type3A_272, %cond3A_273 : i32
      scf.if %cond3A_274 {
        %ge3A = arith.constant 3 : i32
        %ge3A_788 = arith.cmpi sge, %add3A_267, %ge3A : i32
        %convert_element_type3A_789 = arith.extui %ge3A_788 : i1 to i32
        %cond3A_790 = arith.constant 0 : i32
        %cond3A_791 = arith.cmpi ne, %convert_element_type3A_789, %cond3A_790 : i32
        scf.if %cond3A_791 {
          %dma_wait3A_812 = arith.constant 0 : i32
          %dma_wait3A_813 = tpu.memref_slice %arg4[%mul3A_4, %dma_wait3A_812] : memref<3276800x128xf32, #tpu.memory_space<hbm>> -> memref<200x128xf32, #tpu.memory_space<hbm>>
          %dma_wait3A_814 = arith.constant 0 : i32
          %dma_wait3A_815 = tpu.memref_slice %arg4[%mul3A_4, %dma_wait3A_814] : memref<3276800x128xf32, #tpu.memory_space<hbm>> -> memref<200x128xf32, #tpu.memory_space<hbm>>
          tpu.wait_dma2 semaphore(%arg20 : memref<!tpu.dma_semaphore, #tpu.memory_space<semaphore_mem>>) src(%arg10 : memref<200x128xf32, #tpu.memory_space<vmem>>) dst(%dma_wait3A_815 : memref<200x128xf32, #tpu.memory_space<hbm>>)
        } else {
        }
        %dma_start3A_792 = arith.constant 10 : i32
        %dma_start3A_793 = arith.constant 0 : i32
        %dma_start3A_794 = arith.constant 0 : i32
        %dma_start3A_795 = tpu.memref_slice %arg10[%dma_start3A_793, %dma_start3A_794] : memref<200x128xf32, #tpu.memory_space<vmem>> -> memref<128x128xf32, #tpu.memory_space<vmem>>
        %dma_start3A_796 = arith.constant 0 : i32
        %dma_start3A_797 = tpu.memref_slice %arg6[%dma_start3A_792, %dma_start3A_796] : memref<16x200xi32, #tpu.memory_space<vmem>> -> memref<1x128xi32, #tpu.memory_space<vmem>>
        %dma_start3A_798 = tpu.memref_squeeze %dma_start3A_797 : memref<1x128xi32, #tpu.memory_space<vmem>> -> memref<128xi32, #tpu.memory_space<vmem>>
        %dma_start3A_799 = arith.constant 0 : i32
        %dma_start3A_800 = arith.constant 0 : i32
        %dma_start3A_801 = tpu.memref_slice %arg5[%dma_start3A_799, %dma_start3A_800] : memref<1000x128xf32, #tpu.memory_space<vmem_shared>> -> memref<1000x128xf32, #tpu.memory_space<vmem_shared>>
        tpu.enqueue_indirect_dma source(%dma_start3A_801 : memref<1000x128xf32, #tpu.memory_space<vmem_shared>>) target(%dma_start3A_795 : memref<128x128xf32, #tpu.memory_space<vmem>>) offsets(%dma_start3A_798 : memref<128xi32, #tpu.memory_space<vmem>>) semaphore(%arg16 : memref<!tpu.dma_semaphore, #tpu.memory_space<semaphore_mem>>)
        %dma_start3A_802 = arith.constant 10 : i32
        %dma_start3A_803 = arith.constant 128 : i32
        %dma_start3A_804 = arith.constant 0 : i32
        %dma_start3A_805 = tpu.memref_slice %arg10[%dma_start3A_803, %dma_start3A_804] : memref<200x128xf32, #tpu.memory_space<vmem>> -> memref<72x128xf32, #tpu.memory_space<vmem>>
        %dma_start3A_806 = arith.constant 128 : i32
        %dma_start3A_807 = tpu.memref_slice %arg6[%dma_start3A_802, %dma_start3A_806] : memref<16x200xi32, #tpu.memory_space<vmem>> -> memref<1x72xi32, #tpu.memory_space<vmem>>
        %dma_start3A_808 = tpu.memref_squeeze %dma_start3A_807 : memref<1x72xi32, #tpu.memory_space<vmem>> -> memref<72xi32, #tpu.memory_space<vmem>>
        %dma_start3A_809 = arith.constant 0 : i32
        %dma_start3A_810 = arith.constant 0 : i32
        %dma_start3A_811 = tpu.memref_slice %arg5[%dma_start3A_809, %dma_start3A_810] : memref<1000x128xf32, #tpu.memory_space<vmem_shared>> -> memref<1000x128xf32, #tpu.memory_space<vmem_shared>>
        tpu.enqueue_indirect_dma source(%dma_start3A_811 : memref<1000x128xf32, #tpu.memory_space<vmem_shared>>) target(%dma_start3A_805 : memref<72x128xf32, #tpu.memory_space<vmem>>) offsets(%dma_start3A_808 : memref<72xi32, #tpu.memory_space<vmem>>) semaphore(%arg16 : memref<!tpu.dma_semaphore, #tpu.memory_space<semaphore_mem>>)
      } else {
      }
      %dma_wait3A_275 = arith.constant 0 : i32
      %dma_wait3A_276 = tpu.memref_slice %arg4[%mul3A_4, %dma_wait3A_275] : memref<3276800x128xf32, #tpu.memory_space<hbm>> -> memref<200x128xf32, #tpu.memory_space<hbm>>
      %dma_wait3A_277 = arith.constant 0 : i32
      %dma_wait3A_278 = tpu.memref_slice %arg4[%mul3A_4, %dma_wait3A_277] : memref<3276800x128xf32, #tpu.memory_space<hbm>> -> memref<200x128xf32, #tpu.memory_space<hbm>>
      tpu.wait_dma2 semaphore(%arg15 : memref<!tpu.dma_semaphore, #tpu.memory_space<semaphore_mem>>) src(%dma_wait3A_278 : memref<200x128xf32, #tpu.memory_space<hbm>>) dst(%arg9 : memref<200x128xf32, #tpu.memory_space<vmem>>)
      %mul3A_279 = arith.constant 200 : i32
      %mul3A_280 = arith.muli %add3A_267, %mul3A_279 : i32
      %add3A_281 = arith.addi %mul3A_4, %mul3A_280 : i32
      %dma_start3A_282 = arith.constant 0 : i32
      %dma_start3A_283 = tpu.memref_slice %arg4[%add3A_281, %dma_start3A_282] : memref<3276800x128xf32, #tpu.memory_space<hbm>> -> memref<200x128xf32, #tpu.memory_space<hbm>>
      %dma_start3A_284 = arith.constant 0 : i32
      %dma_start3A_285 = tpu.memref_slice %arg4[%add3A_281, %dma_start3A_284] : memref<3276800x128xf32, #tpu.memory_space<hbm>> -> memref<200x128xf32, #tpu.memory_space<hbm>>
      tpu.enqueue_dma source(%arg9 : memref<200x128xf32, #tpu.memory_space<vmem>>) target(%dma_start3A_285 : memref<200x128xf32, #tpu.memory_space<hbm>>) target_semaphore(%arg19 : memref<!tpu.dma_semaphore, #tpu.memory_space<semaphore_mem>>)
      %mul3A_286 = arith.constant 16 : i32
      %mul3A_287 = arith.muli %add3A_66, %mul3A_286 : i32
      %add3A_288 = arith.constant 10 : i32
      %add3A_289 = arith.addi %mul3A_287, %add3A_288 : i32
      %add3A_290 = arith.constant 1 : i32
      %add3A_291 = arith.addi %add3A_289, %add3A_290 : i32
      %lt3A_292 = arith.constant 512 : i32
      %lt3A_293 = arith.cmpi slt, %add3A_291, %lt3A_292 : i32
      %convert_element_type3A_294 = arith.extui %lt3A_293 : i1 to i32
      %cond3A_295 = arith.constant 0 : i32
      %cond3A_296 = arith.cmpi ne, %convert_element_type3A_294, %cond3A_295 : i32
      scf.if %cond3A_296 {
        %ge3A = arith.constant 3 : i32
        %ge3A_788 = arith.cmpi sge, %add3A_289, %ge3A : i32
        %convert_element_type3A_789 = arith.extui %ge3A_788 : i1 to i32
        %cond3A_790 = arith.constant 0 : i32
        %cond3A_791 = arith.cmpi ne, %convert_element_type3A_789, %cond3A_790 : i32
        scf.if %cond3A_791 {
          %dma_wait3A_812 = arith.constant 0 : i32
          %dma_wait3A_813 = tpu.memref_slice %arg4[%mul3A_4, %dma_wait3A_812] : memref<3276800x128xf32, #tpu.memory_space<hbm>> -> memref<200x128xf32, #tpu.memory_space<hbm>>
          %dma_wait3A_814 = arith.constant 0 : i32
          %dma_wait3A_815 = tpu.memref_slice %arg4[%mul3A_4, %dma_wait3A_814] : memref<3276800x128xf32, #tpu.memory_space<hbm>> -> memref<200x128xf32, #tpu.memory_space<hbm>>
          tpu.wait_dma2 semaphore(%arg21 : memref<!tpu.dma_semaphore, #tpu.memory_space<semaphore_mem>>) src(%arg11 : memref<200x128xf32, #tpu.memory_space<vmem>>) dst(%dma_wait3A_815 : memref<200x128xf32, #tpu.memory_space<hbm>>)
        } else {
        }
        %dma_start3A_792 = arith.constant 11 : i32
        %dma_start3A_793 = arith.constant 0 : i32
        %dma_start3A_794 = arith.constant 0 : i32
        %dma_start3A_795 = tpu.memref_slice %arg11[%dma_start3A_793, %dma_start3A_794] : memref<200x128xf32, #tpu.memory_space<vmem>> -> memref<128x128xf32, #tpu.memory_space<vmem>>
        %dma_start3A_796 = arith.constant 0 : i32
        %dma_start3A_797 = tpu.memref_slice %arg6[%dma_start3A_792, %dma_start3A_796] : memref<16x200xi32, #tpu.memory_space<vmem>> -> memref<1x128xi32, #tpu.memory_space<vmem>>
        %dma_start3A_798 = tpu.memref_squeeze %dma_start3A_797 : memref<1x128xi32, #tpu.memory_space<vmem>> -> memref<128xi32, #tpu.memory_space<vmem>>
        %dma_start3A_799 = arith.constant 0 : i32
        %dma_start3A_800 = arith.constant 0 : i32
        %dma_start3A_801 = tpu.memref_slice %arg5[%dma_start3A_799, %dma_start3A_800] : memref<1000x128xf32, #tpu.memory_space<vmem_shared>> -> memref<1000x128xf32, #tpu.memory_space<vmem_shared>>
        tpu.enqueue_indirect_dma source(%dma_start3A_801 : memref<1000x128xf32, #tpu.memory_space<vmem_shared>>) target(%dma_start3A_795 : memref<128x128xf32, #tpu.memory_space<vmem>>) offsets(%dma_start3A_798 : memref<128xi32, #tpu.memory_space<vmem>>) semaphore(%arg17 : memref<!tpu.dma_semaphore, #tpu.memory_space<semaphore_mem>>)
        %dma_start3A_802 = arith.constant 11 : i32
        %dma_start3A_803 = arith.constant 128 : i32
        %dma_start3A_804 = arith.constant 0 : i32
        %dma_start3A_805 = tpu.memref_slice %arg11[%dma_start3A_803, %dma_start3A_804] : memref<200x128xf32, #tpu.memory_space<vmem>> -> memref<72x128xf32, #tpu.memory_space<vmem>>
        %dma_start3A_806 = arith.constant 128 : i32
        %dma_start3A_807 = tpu.memref_slice %arg6[%dma_start3A_802, %dma_start3A_806] : memref<16x200xi32, #tpu.memory_space<vmem>> -> memref<1x72xi32, #tpu.memory_space<vmem>>
        %dma_start3A_808 = tpu.memref_squeeze %dma_start3A_807 : memref<1x72xi32, #tpu.memory_space<vmem>> -> memref<72xi32, #tpu.memory_space<vmem>>
        %dma_start3A_809 = arith.constant 0 : i32
        %dma_start3A_810 = arith.constant 0 : i32
        %dma_start3A_811 = tpu.memref_slice %arg5[%dma_start3A_809, %dma_start3A_810] : memref<1000x128xf32, #tpu.memory_space<vmem_shared>> -> memref<1000x128xf32, #tpu.memory_space<vmem_shared>>
        tpu.enqueue_indirect_dma source(%dma_start3A_811 : memref<1000x128xf32, #tpu.memory_space<vmem_shared>>) target(%dma_start3A_805 : memref<72x128xf32, #tpu.memory_space<vmem>>) offsets(%dma_start3A_808 : memref<72xi32, #tpu.memory_space<vmem>>) semaphore(%arg17 : memref<!tpu.dma_semaphore, #tpu.memory_space<semaphore_mem>>)
      } else {
      }
      %dma_wait3A_297 = arith.constant 0 : i32
      %dma_wait3A_298 = tpu.memref_slice %arg4[%mul3A_4, %dma_wait3A_297] : memref<3276800x128xf32, #tpu.memory_space<hbm>> -> memref<200x128xf32, #tpu.memory_space<hbm>>
      %dma_wait3A_299 = arith.constant 0 : i32
      %dma_wait3A_300 = tpu.memref_slice %arg4[%mul3A_4, %dma_wait3A_299] : memref<3276800x128xf32, #tpu.memory_space<hbm>> -> memref<200x128xf32, #tpu.memory_space<hbm>>
      tpu.wait_dma2 semaphore(%arg16 : memref<!tpu.dma_semaphore, #tpu.memory_space<semaphore_mem>>) src(%dma_wait3A_300 : memref<200x128xf32, #tpu.memory_space<hbm>>) dst(%arg10 : memref<200x128xf32, #tpu.memory_space<vmem>>)
      %mul3A_301 = arith.constant 200 : i32
      %mul3A_302 = arith.muli %add3A_289, %mul3A_301 : i32
      %add3A_303 = arith.addi %mul3A_4, %mul3A_302 : i32
      %dma_start3A_304 = arith.constant 0 : i32
      %dma_start3A_305 = tpu.memref_slice %arg4[%add3A_303, %dma_start3A_304] : memref<3276800x128xf32, #tpu.memory_space<hbm>> -> memref<200x128xf32, #tpu.memory_space<hbm>>
      %dma_start3A_306 = arith.constant 0 : i32
      %dma_start3A_307 = tpu.memref_slice %arg4[%add3A_303, %dma_start3A_306] : memref<3276800x128xf32, #tpu.memory_space<hbm>> -> memref<200x128xf32, #tpu.memory_space<hbm>>
      tpu.enqueue_dma source(%arg10 : memref<200x128xf32, #tpu.memory_space<vmem>>) target(%dma_start3A_307 : memref<200x128xf32, #tpu.memory_space<hbm>>) target_semaphore(%arg20 : memref<!tpu.dma_semaphore, #tpu.memory_space<semaphore_mem>>)
      %mul3A_308 = arith.constant 16 : i32
      %mul3A_309 = arith.muli %add3A_66, %mul3A_308 : i32
      %add3A_310 = arith.constant 11 : i32
      %add3A_311 = arith.addi %mul3A_309, %add3A_310 : i32
      %add3A_312 = arith.constant 1 : i32
      %add3A_313 = arith.addi %add3A_311, %add3A_312 : i32
      %lt3A_314 = arith.constant 512 : i32
      %lt3A_315 = arith.cmpi slt, %add3A_313, %lt3A_314 : i32
      %convert_element_type3A_316 = arith.extui %lt3A_315 : i1 to i32
      %cond3A_317 = arith.constant 0 : i32
      %cond3A_318 = arith.cmpi ne, %convert_element_type3A_316, %cond3A_317 : i32
      scf.if %cond3A_318 {
        %ge3A = arith.constant 3 : i32
        %ge3A_788 = arith.cmpi sge, %add3A_311, %ge3A : i32
        %convert_element_type3A_789 = arith.extui %ge3A_788 : i1 to i32
        %cond3A_790 = arith.constant 0 : i32
        %cond3A_791 = arith.cmpi ne, %convert_element_type3A_789, %cond3A_790 : i32
        scf.if %cond3A_791 {
          %dma_wait3A_812 = arith.constant 0 : i32
          %dma_wait3A_813 = tpu.memref_slice %arg4[%mul3A_4, %dma_wait3A_812] : memref<3276800x128xf32, #tpu.memory_space<hbm>> -> memref<200x128xf32, #tpu.memory_space<hbm>>
          %dma_wait3A_814 = arith.constant 0 : i32
          %dma_wait3A_815 = tpu.memref_slice %arg4[%mul3A_4, %dma_wait3A_814] : memref<3276800x128xf32, #tpu.memory_space<hbm>> -> memref<200x128xf32, #tpu.memory_space<hbm>>
          tpu.wait_dma2 semaphore(%arg18 : memref<!tpu.dma_semaphore, #tpu.memory_space<semaphore_mem>>) src(%arg8 : memref<200x128xf32, #tpu.memory_space<vmem>>) dst(%dma_wait3A_815 : memref<200x128xf32, #tpu.memory_space<hbm>>)
        } else {
        }
        %dma_start3A_792 = arith.constant 12 : i32
        %dma_start3A_793 = arith.constant 0 : i32
        %dma_start3A_794 = arith.constant 0 : i32
        %dma_start3A_795 = tpu.memref_slice %arg8[%dma_start3A_793, %dma_start3A_794] : memref<200x128xf32, #tpu.memory_space<vmem>> -> memref<128x128xf32, #tpu.memory_space<vmem>>
        %dma_start3A_796 = arith.constant 0 : i32
        %dma_start3A_797 = tpu.memref_slice %arg6[%dma_start3A_792, %dma_start3A_796] : memref<16x200xi32, #tpu.memory_space<vmem>> -> memref<1x128xi32, #tpu.memory_space<vmem>>
        %dma_start3A_798 = tpu.memref_squeeze %dma_start3A_797 : memref<1x128xi32, #tpu.memory_space<vmem>> -> memref<128xi32, #tpu.memory_space<vmem>>
        %dma_start3A_799 = arith.constant 0 : i32
        %dma_start3A_800 = arith.constant 0 : i32
        %dma_start3A_801 = tpu.memref_slice %arg5[%dma_start3A_799, %dma_start3A_800] : memref<1000x128xf32, #tpu.memory_space<vmem_shared>> -> memref<1000x128xf32, #tpu.memory_space<vmem_shared>>
        tpu.enqueue_indirect_dma source(%dma_start3A_801 : memref<1000x128xf32, #tpu.memory_space<vmem_shared>>) target(%dma_start3A_795 : memref<128x128xf32, #tpu.memory_space<vmem>>) offsets(%dma_start3A_798 : memref<128xi32, #tpu.memory_space<vmem>>) semaphore(%arg14 : memref<!tpu.dma_semaphore, #tpu.memory_space<semaphore_mem>>)
        %dma_start3A_802 = arith.constant 12 : i32
        %dma_start3A_803 = arith.constant 128 : i32
        %dma_start3A_804 = arith.constant 0 : i32
        %dma_start3A_805 = tpu.memref_slice %arg8[%dma_start3A_803, %dma_start3A_804] : memref<200x128xf32, #tpu.memory_space<vmem>> -> memref<72x128xf32, #tpu.memory_space<vmem>>
        %dma_start3A_806 = arith.constant 128 : i32
        %dma_start3A_807 = tpu.memref_slice %arg6[%dma_start3A_802, %dma_start3A_806] : memref<16x200xi32, #tpu.memory_space<vmem>> -> memref<1x72xi32, #tpu.memory_space<vmem>>
        %dma_start3A_808 = tpu.memref_squeeze %dma_start3A_807 : memref<1x72xi32, #tpu.memory_space<vmem>> -> memref<72xi32, #tpu.memory_space<vmem>>
        %dma_start3A_809 = arith.constant 0 : i32
        %dma_start3A_810 = arith.constant 0 : i32
        %dma_start3A_811 = tpu.memref_slice %arg5[%dma_start3A_809, %dma_start3A_810] : memref<1000x128xf32, #tpu.memory_space<vmem_shared>> -> memref<1000x128xf32, #tpu.memory_space<vmem_shared>>
        tpu.enqueue_indirect_dma source(%dma_start3A_811 : memref<1000x128xf32, #tpu.memory_space<vmem_shared>>) target(%dma_start3A_805 : memref<72x128xf32, #tpu.memory_space<vmem>>) offsets(%dma_start3A_808 : memref<72xi32, #tpu.memory_space<vmem>>) semaphore(%arg14 : memref<!tpu.dma_semaphore, #tpu.memory_space<semaphore_mem>>)
      } else {
      }
      %dma_wait3A_319 = arith.constant 0 : i32
      %dma_wait3A_320 = tpu.memref_slice %arg4[%mul3A_4, %dma_wait3A_319] : memref<3276800x128xf32, #tpu.memory_space<hbm>> -> memref<200x128xf32, #tpu.memory_space<hbm>>
      %dma_wait3A_321 = arith.constant 0 : i32
      %dma_wait3A_322 = tpu.memref_slice %arg4[%mul3A_4, %dma_wait3A_321] : memref<3276800x128xf32, #tpu.memory_space<hbm>> -> memref<200x128xf32, #tpu.memory_space<hbm>>
      tpu.wait_dma2 semaphore(%arg17 : memref<!tpu.dma_semaphore, #tpu.memory_space<semaphore_mem>>) src(%dma_wait3A_322 : memref<200x128xf32, #tpu.memory_space<hbm>>) dst(%arg11 : memref<200x128xf32, #tpu.memory_space<vmem>>)
      %mul3A_323 = arith.constant 200 : i32
      %mul3A_324 = arith.muli %add3A_311, %mul3A_323 : i32
      %add3A_325 = arith.addi %mul3A_4, %mul3A_324 : i32
      %dma_start3A_326 = arith.constant 0 : i32
      %dma_start3A_327 = tpu.memref_slice %arg4[%add3A_325, %dma_start3A_326] : memref<3276800x128xf32, #tpu.memory_space<hbm>> -> memref<200x128xf32, #tpu.memory_space<hbm>>
      %dma_start3A_328 = arith.constant 0 : i32
      %dma_start3A_329 = tpu.memref_slice %arg4[%add3A_325, %dma_start3A_328] : memref<3276800x128xf32, #tpu.memory_space<hbm>> -> memref<200x128xf32, #tpu.memory_space<hbm>>
      tpu.enqueue_dma source(%arg11 : memref<200x128xf32, #tpu.memory_space<vmem>>) target(%dma_start3A_329 : memref<200x128xf32, #tpu.memory_space<hbm>>) target_semaphore(%arg21 : memref<!tpu.dma_semaphore, #tpu.memory_space<semaphore_mem>>)
      %mul3A_330 = arith.constant 16 : i32
      %mul3A_331 = arith.muli %add3A_66, %mul3A_330 : i32
      %add3A_332 = arith.constant 12 : i32
      %add3A_333 = arith.addi %mul3A_331, %add3A_332 : i32
      %add3A_334 = arith.constant 1 : i32
      %add3A_335 = arith.addi %add3A_333, %add3A_334 : i32
      %lt3A_336 = arith.constant 512 : i32
      %lt3A_337 = arith.cmpi slt, %add3A_335, %lt3A_336 : i32
      %convert_element_type3A_338 = arith.extui %lt3A_337 : i1 to i32
      %cond3A_339 = arith.constant 0 : i32
      %cond3A_340 = arith.cmpi ne, %convert_element_type3A_338, %cond3A_339 : i32
      scf.if %cond3A_340 {
        %ge3A = arith.constant 3 : i32
        %ge3A_788 = arith.cmpi sge, %add3A_333, %ge3A : i32
        %convert_element_type3A_789 = arith.extui %ge3A_788 : i1 to i32
        %cond3A_790 = arith.constant 0 : i32
        %cond3A_791 = arith.cmpi ne, %convert_element_type3A_789, %cond3A_790 : i32
        scf.if %cond3A_791 {
          %dma_wait3A_812 = arith.constant 0 : i32
          %dma_wait3A_813 = tpu.memref_slice %arg4[%mul3A_4, %dma_wait3A_812] : memref<3276800x128xf32, #tpu.memory_space<hbm>> -> memref<200x128xf32, #tpu.memory_space<hbm>>
          %dma_wait3A_814 = arith.constant 0 : i32
          %dma_wait3A_815 = tpu.memref_slice %arg4[%mul3A_4, %dma_wait3A_814] : memref<3276800x128xf32, #tpu.memory_space<hbm>> -> memref<200x128xf32, #tpu.memory_space<hbm>>
          tpu.wait_dma2 semaphore(%arg19 : memref<!tpu.dma_semaphore, #tpu.memory_space<semaphore_mem>>) src(%arg9 : memref<200x128xf32, #tpu.memory_space<vmem>>) dst(%dma_wait3A_815 : memref<200x128xf32, #tpu.memory_space<hbm>>)
        } else {
        }
        %dma_start3A_792 = arith.constant 13 : i32
        %dma_start3A_793 = arith.constant 0 : i32
        %dma_start3A_794 = arith.constant 0 : i32
        %dma_start3A_795 = tpu.memref_slice %arg9[%dma_start3A_793, %dma_start3A_794] : memref<200x128xf32, #tpu.memory_space<vmem>> -> memref<128x128xf32, #tpu.memory_space<vmem>>
        %dma_start3A_796 = arith.constant 0 : i32
        %dma_start3A_797 = tpu.memref_slice %arg6[%dma_start3A_792, %dma_start3A_796] : memref<16x200xi32, #tpu.memory_space<vmem>> -> memref<1x128xi32, #tpu.memory_space<vmem>>
        %dma_start3A_798 = tpu.memref_squeeze %dma_start3A_797 : memref<1x128xi32, #tpu.memory_space<vmem>> -> memref<128xi32, #tpu.memory_space<vmem>>
        %dma_start3A_799 = arith.constant 0 : i32
        %dma_start3A_800 = arith.constant 0 : i32
        %dma_start3A_801 = tpu.memref_slice %arg5[%dma_start3A_799, %dma_start3A_800] : memref<1000x128xf32, #tpu.memory_space<vmem_shared>> -> memref<1000x128xf32, #tpu.memory_space<vmem_shared>>
        tpu.enqueue_indirect_dma source(%dma_start3A_801 : memref<1000x128xf32, #tpu.memory_space<vmem_shared>>) target(%dma_start3A_795 : memref<128x128xf32, #tpu.memory_space<vmem>>) offsets(%dma_start3A_798 : memref<128xi32, #tpu.memory_space<vmem>>) semaphore(%arg15 : memref<!tpu.dma_semaphore, #tpu.memory_space<semaphore_mem>>)
        %dma_start3A_802 = arith.constant 13 : i32
        %dma_start3A_803 = arith.constant 128 : i32
        %dma_start3A_804 = arith.constant 0 : i32
        %dma_start3A_805 = tpu.memref_slice %arg9[%dma_start3A_803, %dma_start3A_804] : memref<200x128xf32, #tpu.memory_space<vmem>> -> memref<72x128xf32, #tpu.memory_space<vmem>>
        %dma_start3A_806 = arith.constant 128 : i32
        %dma_start3A_807 = tpu.memref_slice %arg6[%dma_start3A_802, %dma_start3A_806] : memref<16x200xi32, #tpu.memory_space<vmem>> -> memref<1x72xi32, #tpu.memory_space<vmem>>
        %dma_start3A_808 = tpu.memref_squeeze %dma_start3A_807 : memref<1x72xi32, #tpu.memory_space<vmem>> -> memref<72xi32, #tpu.memory_space<vmem>>
        %dma_start3A_809 = arith.constant 0 : i32
        %dma_start3A_810 = arith.constant 0 : i32
        %dma_start3A_811 = tpu.memref_slice %arg5[%dma_start3A_809, %dma_start3A_810] : memref<1000x128xf32, #tpu.memory_space<vmem_shared>> -> memref<1000x128xf32, #tpu.memory_space<vmem_shared>>
        tpu.enqueue_indirect_dma source(%dma_start3A_811 : memref<1000x128xf32, #tpu.memory_space<vmem_shared>>) target(%dma_start3A_805 : memref<72x128xf32, #tpu.memory_space<vmem>>) offsets(%dma_start3A_808 : memref<72xi32, #tpu.memory_space<vmem>>) semaphore(%arg15 : memref<!tpu.dma_semaphore, #tpu.memory_space<semaphore_mem>>)
      } else {
      }
      %dma_wait3A_341 = arith.constant 0 : i32
      %dma_wait3A_342 = tpu.memref_slice %arg4[%mul3A_4, %dma_wait3A_341] : memref<3276800x128xf32, #tpu.memory_space<hbm>> -> memref<200x128xf32, #tpu.memory_space<hbm>>
      %dma_wait3A_343 = arith.constant 0 : i32
      %dma_wait3A_344 = tpu.memref_slice %arg4[%mul3A_4, %dma_wait3A_343] : memref<3276800x128xf32, #tpu.memory_space<hbm>> -> memref<200x128xf32, #tpu.memory_space<hbm>>
      tpu.wait_dma2 semaphore(%arg14 : memref<!tpu.dma_semaphore, #tpu.memory_space<semaphore_mem>>) src(%dma_wait3A_344 : memref<200x128xf32, #tpu.memory_space<hbm>>) dst(%arg8 : memref<200x128xf32, #tpu.memory_space<vmem>>)
      %mul3A_345 = arith.constant 200 : i32
      %mul3A_346 = arith.muli %add3A_333, %mul3A_345 : i32
      %add3A_347 = arith.addi %mul3A_4, %mul3A_346 : i32
      %dma_start3A_348 = arith.constant 0 : i32
      %dma_start3A_349 = tpu.memref_slice %arg4[%add3A_347, %dma_start3A_348] : memref<3276800x128xf32, #tpu.memory_space<hbm>> -> memref<200x128xf32, #tpu.memory_space<hbm>>
      %dma_start3A_350 = arith.constant 0 : i32
      %dma_start3A_351 = tpu.memref_slice %arg4[%add3A_347, %dma_start3A_350] : memref<3276800x128xf32, #tpu.memory_space<hbm>> -> memref<200x128xf32, #tpu.memory_space<hbm>>
      tpu.enqueue_dma source(%arg8 : memref<200x128xf32, #tpu.memory_space<vmem>>) target(%dma_start3A_351 : memref<200x128xf32, #tpu.memory_space<hbm>>) target_semaphore(%arg18 : memref<!tpu.dma_semaphore, #tpu.memory_space<semaphore_mem>>)
      %mul3A_352 = arith.constant 16 : i32
      %mul3A_353 = arith.muli %add3A_66, %mul3A_352 : i32
      %add3A_354 = arith.constant 13 : i32
      %add3A_355 = arith.addi %mul3A_353, %add3A_354 : i32
      %add3A_356 = arith.constant 1 : i32
      %add3A_357 = arith.addi %add3A_355, %add3A_356 : i32
      %lt3A_358 = arith.constant 512 : i32
      %lt3A_359 = arith.cmpi slt, %add3A_357, %lt3A_358 : i32
      %convert_element_type3A_360 = arith.extui %lt3A_359 : i1 to i32
      %cond3A_361 = arith.constant 0 : i32
      %cond3A_362 = arith.cmpi ne, %convert_element_type3A_360, %cond3A_361 : i32
      scf.if %cond3A_362 {
        %ge3A = arith.constant 3 : i32
        %ge3A_788 = arith.cmpi sge, %add3A_355, %ge3A : i32
        %convert_element_type3A_789 = arith.extui %ge3A_788 : i1 to i32
        %cond3A_790 = arith.constant 0 : i32
        %cond3A_791 = arith.cmpi ne, %convert_element_type3A_789, %cond3A_790 : i32
        scf.if %cond3A_791 {
          %dma_wait3A_812 = arith.constant 0 : i32
          %dma_wait3A_813 = tpu.memref_slice %arg4[%mul3A_4, %dma_wait3A_812] : memref<3276800x128xf32, #tpu.memory_space<hbm>> -> memref<200x128xf32, #tpu.memory_space<hbm>>
          %dma_wait3A_814 = arith.constant 0 : i32
          %dma_wait3A_815 = tpu.memref_slice %arg4[%mul3A_4, %dma_wait3A_814] : memref<3276800x128xf32, #tpu.memory_space<hbm>> -> memref<200x128xf32, #tpu.memory_space<hbm>>
          tpu.wait_dma2 semaphore(%arg20 : memref<!tpu.dma_semaphore, #tpu.memory_space<semaphore_mem>>) src(%arg10 : memref<200x128xf32, #tpu.memory_space<vmem>>) dst(%dma_wait3A_815 : memref<200x128xf32, #tpu.memory_space<hbm>>)
        } else {
        }
        %dma_start3A_792 = arith.constant 14 : i32
        %dma_start3A_793 = arith.constant 0 : i32
        %dma_start3A_794 = arith.constant 0 : i32
        %dma_start3A_795 = tpu.memref_slice %arg10[%dma_start3A_793, %dma_start3A_794] : memref<200x128xf32, #tpu.memory_space<vmem>> -> memref<128x128xf32, #tpu.memory_space<vmem>>
        %dma_start3A_796 = arith.constant 0 : i32
        %dma_start3A_797 = tpu.memref_slice %arg6[%dma_start3A_792, %dma_start3A_796] : memref<16x200xi32, #tpu.memory_space<vmem>> -> memref<1x128xi32, #tpu.memory_space<vmem>>
        %dma_start3A_798 = tpu.memref_squeeze %dma_start3A_797 : memref<1x128xi32, #tpu.memory_space<vmem>> -> memref<128xi32, #tpu.memory_space<vmem>>
        %dma_start3A_799 = arith.constant 0 : i32
        %dma_start3A_800 = arith.constant 0 : i32
        %dma_start3A_801 = tpu.memref_slice %arg5[%dma_start3A_799, %dma_start3A_800] : memref<1000x128xf32, #tpu.memory_space<vmem_shared>> -> memref<1000x128xf32, #tpu.memory_space<vmem_shared>>
        tpu.enqueue_indirect_dma source(%dma_start3A_801 : memref<1000x128xf32, #tpu.memory_space<vmem_shared>>) target(%dma_start3A_795 : memref<128x128xf32, #tpu.memory_space<vmem>>) offsets(%dma_start3A_798 : memref<128xi32, #tpu.memory_space<vmem>>) semaphore(%arg16 : memref<!tpu.dma_semaphore, #tpu.memory_space<semaphore_mem>>)
        %dma_start3A_802 = arith.constant 14 : i32
        %dma_start3A_803 = arith.constant 128 : i32
        %dma_start3A_804 = arith.constant 0 : i32
        %dma_start3A_805 = tpu.memref_slice %arg10[%dma_start3A_803, %dma_start3A_804] : memref<200x128xf32, #tpu.memory_space<vmem>> -> memref<72x128xf32, #tpu.memory_space<vmem>>
        %dma_start3A_806 = arith.constant 128 : i32
        %dma_start3A_807 = tpu.memref_slice %arg6[%dma_start3A_802, %dma_start3A_806] : memref<16x200xi32, #tpu.memory_space<vmem>> -> memref<1x72xi32, #tpu.memory_space<vmem>>
        %dma_start3A_808 = tpu.memref_squeeze %dma_start3A_807 : memref<1x72xi32, #tpu.memory_space<vmem>> -> memref<72xi32, #tpu.memory_space<vmem>>
        %dma_start3A_809 = arith.constant 0 : i32
        %dma_start3A_810 = arith.constant 0 : i32
        %dma_start3A_811 = tpu.memref_slice %arg5[%dma_start3A_809, %dma_start3A_810] : memref<1000x128xf32, #tpu.memory_space<vmem_shared>> -> memref<1000x128xf32, #tpu.memory_space<vmem_shared>>
        tpu.enqueue_indirect_dma source(%dma_start3A_811 : memref<1000x128xf32, #tpu.memory_space<vmem_shared>>) target(%dma_start3A_805 : memref<72x128xf32, #tpu.memory_space<vmem>>) offsets(%dma_start3A_808 : memref<72xi32, #tpu.memory_space<vmem>>) semaphore(%arg16 : memref<!tpu.dma_semaphore, #tpu.memory_space<semaphore_mem>>)
      } else {
      }
      %dma_wait3A_363 = arith.constant 0 : i32
      %dma_wait3A_364 = tpu.memref_slice %arg4[%mul3A_4, %dma_wait3A_363] : memref<3276800x128xf32, #tpu.memory_space<hbm>> -> memref<200x128xf32, #tpu.memory_space<hbm>>
      %dma_wait3A_365 = arith.constant 0 : i32
      %dma_wait3A_366 = tpu.memref_slice %arg4[%mul3A_4, %dma_wait3A_365] : memref<3276800x128xf32, #tpu.memory_space<hbm>> -> memref<200x128xf32, #tpu.memory_space<hbm>>
      tpu.wait_dma2 semaphore(%arg15 : memref<!tpu.dma_semaphore, #tpu.memory_space<semaphore_mem>>) src(%dma_wait3A_366 : memref<200x128xf32, #tpu.memory_space<hbm>>) dst(%arg9 : memref<200x128xf32, #tpu.memory_space<vmem>>)
      %mul3A_367 = arith.constant 200 : i32
      %mul3A_368 = arith.muli %add3A_355, %mul3A_367 : i32
      %add3A_369 = arith.addi %mul3A_4, %mul3A_368 : i32
      %dma_start3A_370 = arith.constant 0 : i32
      %dma_start3A_371 = tpu.memref_slice %arg4[%add3A_369, %dma_start3A_370] : memref<3276800x128xf32, #tpu.memory_space<hbm>> -> memref<200x128xf32, #tpu.memory_space<hbm>>
      %dma_start3A_372 = arith.constant 0 : i32
      %dma_start3A_373 = tpu.memref_slice %arg4[%add3A_369, %dma_start3A_372] : memref<3276800x128xf32, #tpu.memory_space<hbm>> -> memref<200x128xf32, #tpu.memory_space<hbm>>
      tpu.enqueue_dma source(%arg9 : memref<200x128xf32, #tpu.memory_space<vmem>>) target(%dma_start3A_373 : memref<200x128xf32, #tpu.memory_space<hbm>>) target_semaphore(%arg19 : memref<!tpu.dma_semaphore, #tpu.memory_space<semaphore_mem>>)
      %mul3A_374 = arith.constant 16 : i32
      %mul3A_375 = arith.muli %add3A_66, %mul3A_374 : i32
      %add3A_376 = arith.constant 14 : i32
      %add3A_377 = arith.addi %mul3A_375, %add3A_376 : i32
      %add3A_378 = arith.constant 1 : i32
      %add3A_379 = arith.addi %add3A_377, %add3A_378 : i32
      %lt3A_380 = arith.constant 512 : i32
      %lt3A_381 = arith.cmpi slt, %add3A_379, %lt3A_380 : i32
      %convert_element_type3A_382 = arith.extui %lt3A_381 : i1 to i32
      %cond3A_383 = arith.constant 0 : i32
      %cond3A_384 = arith.cmpi ne, %convert_element_type3A_382, %cond3A_383 : i32
      scf.if %cond3A_384 {
        %ge3A = arith.constant 3 : i32
        %ge3A_788 = arith.cmpi sge, %add3A_377, %ge3A : i32
        %convert_element_type3A_789 = arith.extui %ge3A_788 : i1 to i32
        %cond3A_790 = arith.constant 0 : i32
        %cond3A_791 = arith.cmpi ne, %convert_element_type3A_789, %cond3A_790 : i32
        scf.if %cond3A_791 {
          %dma_wait3A_812 = arith.constant 0 : i32
          %dma_wait3A_813 = tpu.memref_slice %arg4[%mul3A_4, %dma_wait3A_812] : memref<3276800x128xf32, #tpu.memory_space<hbm>> -> memref<200x128xf32, #tpu.memory_space<hbm>>
          %dma_wait3A_814 = arith.constant 0 : i32
          %dma_wait3A_815 = tpu.memref_slice %arg4[%mul3A_4, %dma_wait3A_814] : memref<3276800x128xf32, #tpu.memory_space<hbm>> -> memref<200x128xf32, #tpu.memory_space<hbm>>
          tpu.wait_dma2 semaphore(%arg21 : memref<!tpu.dma_semaphore, #tpu.memory_space<semaphore_mem>>) src(%arg11 : memref<200x128xf32, #tpu.memory_space<vmem>>) dst(%dma_wait3A_815 : memref<200x128xf32, #tpu.memory_space<hbm>>)
        } else {
        }
        %dma_start3A_792 = arith.constant 15 : i32
        %dma_start3A_793 = arith.constant 0 : i32
        %dma_start3A_794 = arith.constant 0 : i32
        %dma_start3A_795 = tpu.memref_slice %arg11[%dma_start3A_793, %dma_start3A_794] : memref<200x128xf32, #tpu.memory_space<vmem>> -> memref<128x128xf32, #tpu.memory_space<vmem>>
        %dma_start3A_796 = arith.constant 0 : i32
        %dma_start3A_797 = tpu.memref_slice %arg6[%dma_start3A_792, %dma_start3A_796] : memref<16x200xi32, #tpu.memory_space<vmem>> -> memref<1x128xi32, #tpu.memory_space<vmem>>
        %dma_start3A_798 = tpu.memref_squeeze %dma_start3A_797 : memref<1x128xi32, #tpu.memory_space<vmem>> -> memref<128xi32, #tpu.memory_space<vmem>>
        %dma_start3A_799 = arith.constant 0 : i32
        %dma_start3A_800 = arith.constant 0 : i32
        %dma_start3A_801 = tpu.memref_slice %arg5[%dma_start3A_799, %dma_start3A_800] : memref<1000x128xf32, #tpu.memory_space<vmem_shared>> -> memref<1000x128xf32, #tpu.memory_space<vmem_shared>>
        tpu.enqueue_indirect_dma source(%dma_start3A_801 : memref<1000x128xf32, #tpu.memory_space<vmem_shared>>) target(%dma_start3A_795 : memref<128x128xf32, #tpu.memory_space<vmem>>) offsets(%dma_start3A_798 : memref<128xi32, #tpu.memory_space<vmem>>) semaphore(%arg17 : memref<!tpu.dma_semaphore, #tpu.memory_space<semaphore_mem>>)
        %dma_start3A_802 = arith.constant 15 : i32
        %dma_start3A_803 = arith.constant 128 : i32
        %dma_start3A_804 = arith.constant 0 : i32
        %dma_start3A_805 = tpu.memref_slice %arg11[%dma_start3A_803, %dma_start3A_804] : memref<200x128xf32, #tpu.memory_space<vmem>> -> memref<72x128xf32, #tpu.memory_space<vmem>>
        %dma_start3A_806 = arith.constant 128 : i32
        %dma_start3A_807 = tpu.memref_slice %arg6[%dma_start3A_802, %dma_start3A_806] : memref<16x200xi32, #tpu.memory_space<vmem>> -> memref<1x72xi32, #tpu.memory_space<vmem>>
        %dma_start3A_808 = tpu.memref_squeeze %dma_start3A_807 : memref<1x72xi32, #tpu.memory_space<vmem>> -> memref<72xi32, #tpu.memory_space<vmem>>
        %dma_start3A_809 = arith.constant 0 : i32
        %dma_start3A_810 = arith.constant 0 : i32
        %dma_start3A_811 = tpu.memref_slice %arg5[%dma_start3A_809, %dma_start3A_810] : memref<1000x128xf32, #tpu.memory_space<vmem_shared>> -> memref<1000x128xf32, #tpu.memory_space<vmem_shared>>
        tpu.enqueue_indirect_dma source(%dma_start3A_811 : memref<1000x128xf32, #tpu.memory_space<vmem_shared>>) target(%dma_start3A_805 : memref<72x128xf32, #tpu.memory_space<vmem>>) offsets(%dma_start3A_808 : memref<72xi32, #tpu.memory_space<vmem>>) semaphore(%arg17 : memref<!tpu.dma_semaphore, #tpu.memory_space<semaphore_mem>>)
      } else {
      }
      %dma_wait3A_385 = arith.constant 0 : i32
      %dma_wait3A_386 = tpu.memref_slice %arg4[%mul3A_4, %dma_wait3A_385] : memref<3276800x128xf32, #tpu.memory_space<hbm>> -> memref<200x128xf32, #tpu.memory_space<hbm>>
      %dma_wait3A_387 = arith.constant 0 : i32
      %dma_wait3A_388 = tpu.memref_slice %arg4[%mul3A_4, %dma_wait3A_387] : memref<3276800x128xf32, #tpu.memory_space<hbm>> -> memref<200x128xf32, #tpu.memory_space<hbm>>
      tpu.wait_dma2 semaphore(%arg16 : memref<!tpu.dma_semaphore, #tpu.memory_space<semaphore_mem>>) src(%dma_wait3A_388 : memref<200x128xf32, #tpu.memory_space<hbm>>) dst(%arg10 : memref<200x128xf32, #tpu.memory_space<vmem>>)
      %mul3A_389 = arith.constant 200 : i32
      %mul3A_390 = arith.muli %add3A_377, %mul3A_389 : i32
      %add3A_391 = arith.addi %mul3A_4, %mul3A_390 : i32
      %dma_start3A_392 = arith.constant 0 : i32
      %dma_start3A_393 = tpu.memref_slice %arg4[%add3A_391, %dma_start3A_392] : memref<3276800x128xf32, #tpu.memory_space<hbm>> -> memref<200x128xf32, #tpu.memory_space<hbm>>
      %dma_start3A_394 = arith.constant 0 : i32
      %dma_start3A_395 = tpu.memref_slice %arg4[%add3A_391, %dma_start3A_394] : memref<3276800x128xf32, #tpu.memory_space<hbm>> -> memref<200x128xf32, #tpu.memory_space<hbm>>
      tpu.enqueue_dma source(%arg10 : memref<200x128xf32, #tpu.memory_space<vmem>>) target(%dma_start3A_395 : memref<200x128xf32, #tpu.memory_space<hbm>>) target_semaphore(%arg20 : memref<!tpu.dma_semaphore, #tpu.memory_space<semaphore_mem>>)
      %mul3A_396 = arith.constant 16 : i32
      %mul3A_397 = arith.muli %add3A_66, %mul3A_396 : i32
      %add3A_398 = arith.constant 15 : i32
      %add3A_399 = arith.addi %mul3A_397, %add3A_398 : i32
      %add3A_400 = arith.constant 1 : i32
      %add3A_401 = arith.addi %add3A_399, %add3A_400 : i32
      %lt3A_402 = arith.constant 512 : i32
      %lt3A_403 = arith.cmpi slt, %add3A_401, %lt3A_402 : i32
      %convert_element_type3A_404 = arith.extui %lt3A_403 : i1 to i32
      %cond3A_405 = arith.constant 0 : i32
      %cond3A_406 = arith.cmpi ne, %convert_element_type3A_404, %cond3A_405 : i32
      scf.if %cond3A_406 {
        %ge3A = arith.constant 3 : i32
        %ge3A_788 = arith.cmpi sge, %add3A_399, %ge3A : i32
        %convert_element_type3A_789 = arith.extui %ge3A_788 : i1 to i32
        %cond3A_790 = arith.constant 0 : i32
        %cond3A_791 = arith.cmpi ne, %convert_element_type3A_789, %cond3A_790 : i32
        scf.if %cond3A_791 {
          %dma_wait3A_816 = arith.constant 0 : i32
          %dma_wait3A_817 = tpu.memref_slice %arg4[%mul3A_4, %dma_wait3A_816] : memref<3276800x128xf32, #tpu.memory_space<hbm>> -> memref<200x128xf32, #tpu.memory_space<hbm>>
          %dma_wait3A_818 = arith.constant 0 : i32
          %dma_wait3A_819 = tpu.memref_slice %arg4[%mul3A_4, %dma_wait3A_818] : memref<3276800x128xf32, #tpu.memory_space<hbm>> -> memref<200x128xf32, #tpu.memory_space<hbm>>
          tpu.wait_dma2 semaphore(%arg18 : memref<!tpu.dma_semaphore, #tpu.memory_space<semaphore_mem>>) src(%arg8 : memref<200x128xf32, #tpu.memory_space<vmem>>) dst(%dma_wait3A_819 : memref<200x128xf32, #tpu.memory_space<hbm>>)
        } else {
        }
        %dma_wait3A_792 = arith.constant 0 : i32
        %dma_wait3A_793 = tpu.memref_slice %arg2[%mul3A_2, %dma_wait3A_792] : memref<16384x200xi32, #tpu.memory_space<hbm>> -> memref<16x200xi32, #tpu.memory_space<hbm>>
        %dma_wait3A_794 = arith.constant 0 : i32
        %dma_wait3A_795 = tpu.memref_slice %arg2[%mul3A_2, %dma_wait3A_794] : memref<16384x200xi32, #tpu.memory_space<hbm>> -> memref<16x200xi32, #tpu.memory_space<hbm>>
        tpu.wait_dma2 semaphore(%arg13 : memref<!tpu.dma_semaphore, #tpu.memory_space<semaphore_mem>>) src(%dma_wait3A_795 : memref<16x200xi32, #tpu.memory_space<hbm>>) dst(%arg7 : memref<16x200xi32, #tpu.memory_space<vmem>>)
        %dma_start3A_796 = arith.constant 0 : i32
        %dma_start3A_797 = arith.constant 0 : i32
        %dma_start3A_798 = arith.constant 0 : i32
        %dma_start3A_799 = tpu.memref_slice %arg8[%dma_start3A_797, %dma_start3A_798] : memref<200x128xf32, #tpu.memory_space<vmem>> -> memref<128x128xf32, #tpu.memory_space<vmem>>
        %dma_start3A_800 = arith.constant 0 : i32
        %dma_start3A_801 = tpu.memref_slice %arg7[%dma_start3A_796, %dma_start3A_800] : memref<16x200xi32, #tpu.memory_space<vmem>> -> memref<1x128xi32, #tpu.memory_space<vmem>>
        %dma_start3A_802 = tpu.memref_squeeze %dma_start3A_801 : memref<1x128xi32, #tpu.memory_space<vmem>> -> memref<128xi32, #tpu.memory_space<vmem>>
        %dma_start3A_803 = arith.constant 0 : i32
        %dma_start3A_804 = arith.constant 0 : i32
        %dma_start3A_805 = tpu.memref_slice %arg5[%dma_start3A_803, %dma_start3A_804] : memref<1000x128xf32, #tpu.memory_space<vmem_shared>> -> memref<1000x128xf32, #tpu.memory_space<vmem_shared>>
        tpu.enqueue_indirect_dma source(%dma_start3A_805 : memref<1000x128xf32, #tpu.memory_space<vmem_shared>>) target(%dma_start3A_799 : memref<128x128xf32, #tpu.memory_space<vmem>>) offsets(%dma_start3A_802 : memref<128xi32, #tpu.memory_space<vmem>>) semaphore(%arg14 : memref<!tpu.dma_semaphore, #tpu.memory_space<semaphore_mem>>)
        %dma_start3A_806 = arith.constant 0 : i32
        %dma_start3A_807 = arith.constant 128 : i32
        %dma_start3A_808 = arith.constant 0 : i32
        %dma_start3A_809 = tpu.memref_slice %arg8[%dma_start3A_807, %dma_start3A_808] : memref<200x128xf32, #tpu.memory_space<vmem>> -> memref<72x128xf32, #tpu.memory_space<vmem>>
        %dma_start3A_810 = arith.constant 128 : i32
        %dma_start3A_811 = tpu.memref_slice %arg7[%dma_start3A_806, %dma_start3A_810] : memref<16x200xi32, #tpu.memory_space<vmem>> -> memref<1x72xi32, #tpu.memory_space<vmem>>
        %dma_start3A_812 = tpu.memref_squeeze %dma_start3A_811 : memref<1x72xi32, #tpu.memory_space<vmem>> -> memref<72xi32, #tpu.memory_space<vmem>>
        %dma_start3A_813 = arith.constant 0 : i32
        %dma_start3A_814 = arith.constant 0 : i32
        %dma_start3A_815 = tpu.memref_slice %arg5[%dma_start3A_813, %dma_start3A_814] : memref<1000x128xf32, #tpu.memory_space<vmem_shared>> -> memref<1000x128xf32, #tpu.memory_space<vmem_shared>>
        tpu.enqueue_indirect_dma source(%dma_start3A_815 : memref<1000x128xf32, #tpu.memory_space<vmem_shared>>) target(%dma_start3A_809 : memref<72x128xf32, #tpu.memory_space<vmem>>) offsets(%dma_start3A_812 : memref<72xi32, #tpu.memory_space<vmem>>) semaphore(%arg14 : memref<!tpu.dma_semaphore, #tpu.memory_space<semaphore_mem>>)
      } else {
      }
      %dma_wait3A_407 = arith.constant 0 : i32
      %dma_wait3A_408 = tpu.memref_slice %arg4[%mul3A_4, %dma_wait3A_407] : memref<3276800x128xf32, #tpu.memory_space<hbm>> -> memref<200x128xf32, #tpu.memory_space<hbm>>
      %dma_wait3A_409 = arith.constant 0 : i32
      %dma_wait3A_410 = tpu.memref_slice %arg4[%mul3A_4, %dma_wait3A_409] : memref<3276800x128xf32, #tpu.memory_space<hbm>> -> memref<200x128xf32, #tpu.memory_space<hbm>>
      tpu.wait_dma2 semaphore(%arg17 : memref<!tpu.dma_semaphore, #tpu.memory_space<semaphore_mem>>) src(%dma_wait3A_410 : memref<200x128xf32, #tpu.memory_space<hbm>>) dst(%arg11 : memref<200x128xf32, #tpu.memory_space<vmem>>)
      %mul3A_411 = arith.constant 200 : i32
      %mul3A_412 = arith.muli %add3A_399, %mul3A_411 : i32
      %add3A_413 = arith.addi %mul3A_4, %mul3A_412 : i32
      %dma_start3A_414 = arith.constant 0 : i32
      %dma_start3A_415 = tpu.memref_slice %arg4[%add3A_413, %dma_start3A_414] : memref<3276800x128xf32, #tpu.memory_space<hbm>> -> memref<200x128xf32, #tpu.memory_space<hbm>>
      %dma_start3A_416 = arith.constant 0 : i32
      %dma_start3A_417 = tpu.memref_slice %arg4[%add3A_413, %dma_start3A_416] : memref<3276800x128xf32, #tpu.memory_space<hbm>> -> memref<200x128xf32, #tpu.memory_space<hbm>>
      tpu.enqueue_dma source(%arg11 : memref<200x128xf32, #tpu.memory_space<vmem>>) target(%dma_start3A_417 : memref<200x128xf32, #tpu.memory_space<hbm>>) target_semaphore(%arg21 : memref<!tpu.dma_semaphore, #tpu.memory_space<semaphore_mem>>)
      %add3A_418 = arith.constant 2 : i32
      %add3A_419 = arith.addi %add3A_66, %add3A_418 : i32
      %lt3A_420 = arith.constant 32 : i32
      %lt3A_421 = arith.cmpi slt, %add3A_419, %lt3A_420 : i32
      %convert_element_type3A_422 = arith.extui %lt3A_421 : i1 to i32
      %cond3A_423 = arith.constant 0 : i32
      %cond3A_424 = arith.cmpi ne, %convert_element_type3A_422, %cond3A_423 : i32
      scf.if %cond3A_424 {
        %add3A_788 = arith.constant 2 : i32
        %add3A_789 = arith.addi %add3A_66, %add3A_788 : i32
        %mul3A_790 = arith.constant 16 : i32
        %mul3A_791 = arith.muli %add3A_789, %mul3A_790 : i32
        %add3A_792 = arith.addi %mul3A_2, %mul3A_791 : i32
        %dma_start3A_793 = arith.constant 0 : i32
        %dma_start3A_794 = tpu.memref_slice %arg2[%add3A_792, %dma_start3A_793] : memref<16384x200xi32, #tpu.memory_space<hbm>> -> memref<16x200xi32, #tpu.memory_space<hbm>>
        %dma_start3A_795 = arith.constant 0 : i32
        %dma_start3A_796 = tpu.memref_slice %arg2[%add3A_792, %dma_start3A_795] : memref<16384x200xi32, #tpu.memory_space<hbm>> -> memref<16x200xi32, #tpu.memory_space<hbm>>
        tpu.enqueue_dma source(%dma_start3A_796 : memref<16x200xi32, #tpu.memory_space<hbm>>) target(%arg6 : memref<16x200xi32, #tpu.memory_space<vmem>>) target_semaphore(%arg12 : memref<!tpu.dma_semaphore, #tpu.memory_space<semaphore_mem>>)
      } else {
      }
      %mul3A_425 = arith.constant 2 : i32
      %mul3A_426 = arith.muli %mul3A_425, %scan3A_62 : i32
      %add3A_427 = arith.constant 1 : i32
      %add3A_428 = arith.addi %mul3A_426, %add3A_427 : i32
      %mul3A_429 = arith.constant 16 : i32
      %mul3A_430 = arith.muli %add3A_428, %mul3A_429 : i32
      %add3A_431 = arith.constant 0 : i32
      %add3A_432 = arith.addi %mul3A_430, %add3A_431 : i32
      %add3A_433 = arith.constant 1 : i32
      %add3A_434 = arith.addi %add3A_432, %add3A_433 : i32
      %lt3A_435 = arith.constant 512 : i32
      %lt3A_436 = arith.cmpi slt, %add3A_434, %lt3A_435 : i32
      %convert_element_type3A_437 = arith.extui %lt3A_436 : i1 to i32
      %cond3A_438 = arith.constant 0 : i32
      %cond3A_439 = arith.cmpi ne, %convert_element_type3A_437, %cond3A_438 : i32
      scf.if %cond3A_439 {
        %ge3A = arith.constant 3 : i32
        %ge3A_788 = arith.cmpi sge, %add3A_432, %ge3A : i32
        %convert_element_type3A_789 = arith.extui %ge3A_788 : i1 to i32
        %cond3A_790 = arith.constant 0 : i32
        %cond3A_791 = arith.cmpi ne, %convert_element_type3A_789, %cond3A_790 : i32
        scf.if %cond3A_791 {
          %dma_wait3A_812 = arith.constant 0 : i32
          %dma_wait3A_813 = tpu.memref_slice %arg4[%mul3A_4, %dma_wait3A_812] : memref<3276800x128xf32, #tpu.memory_space<hbm>> -> memref<200x128xf32, #tpu.memory_space<hbm>>
          %dma_wait3A_814 = arith.constant 0 : i32
          %dma_wait3A_815 = tpu.memref_slice %arg4[%mul3A_4, %dma_wait3A_814] : memref<3276800x128xf32, #tpu.memory_space<hbm>> -> memref<200x128xf32, #tpu.memory_space<hbm>>
          tpu.wait_dma2 semaphore(%arg19 : memref<!tpu.dma_semaphore, #tpu.memory_space<semaphore_mem>>) src(%arg9 : memref<200x128xf32, #tpu.memory_space<vmem>>) dst(%dma_wait3A_815 : memref<200x128xf32, #tpu.memory_space<hbm>>)
        } else {
        }
        %dma_start3A_792 = arith.constant 1 : i32
        %dma_start3A_793 = arith.constant 0 : i32
        %dma_start3A_794 = arith.constant 0 : i32
        %dma_start3A_795 = tpu.memref_slice %arg9[%dma_start3A_793, %dma_start3A_794] : memref<200x128xf32, #tpu.memory_space<vmem>> -> memref<128x128xf32, #tpu.memory_space<vmem>>
        %dma_start3A_796 = arith.constant 0 : i32
        %dma_start3A_797 = tpu.memref_slice %arg7[%dma_start3A_792, %dma_start3A_796] : memref<16x200xi32, #tpu.memory_space<vmem>> -> memref<1x128xi32, #tpu.memory_space<vmem>>
        %dma_start3A_798 = tpu.memref_squeeze %dma_start3A_797 : memref<1x128xi32, #tpu.memory_space<vmem>> -> memref<128xi32, #tpu.memory_space<vmem>>
        %dma_start3A_799 = arith.constant 0 : i32
        %dma_start3A_800 = arith.constant 0 : i32
        %dma_start3A_801 = tpu.memref_slice %arg5[%dma_start3A_799, %dma_start3A_800] : memref<1000x128xf32, #tpu.memory_space<vmem_shared>> -> memref<1000x128xf32, #tpu.memory_space<vmem_shared>>
        tpu.enqueue_indirect_dma source(%dma_start3A_801 : memref<1000x128xf32, #tpu.memory_space<vmem_shared>>) target(%dma_start3A_795 : memref<128x128xf32, #tpu.memory_space<vmem>>) offsets(%dma_start3A_798 : memref<128xi32, #tpu.memory_space<vmem>>) semaphore(%arg15 : memref<!tpu.dma_semaphore, #tpu.memory_space<semaphore_mem>>)
        %dma_start3A_802 = arith.constant 1 : i32
        %dma_start3A_803 = arith.constant 128 : i32
        %dma_start3A_804 = arith.constant 0 : i32
        %dma_start3A_805 = tpu.memref_slice %arg9[%dma_start3A_803, %dma_start3A_804] : memref<200x128xf32, #tpu.memory_space<vmem>> -> memref<72x128xf32, #tpu.memory_space<vmem>>
        %dma_start3A_806 = arith.constant 128 : i32
        %dma_start3A_807 = tpu.memref_slice %arg7[%dma_start3A_802, %dma_start3A_806] : memref<16x200xi32, #tpu.memory_space<vmem>> -> memref<1x72xi32, #tpu.memory_space<vmem>>
        %dma_start3A_808 = tpu.memref_squeeze %dma_start3A_807 : memref<1x72xi32, #tpu.memory_space<vmem>> -> memref<72xi32, #tpu.memory_space<vmem>>
        %dma_start3A_809 = arith.constant 0 : i32
        %dma_start3A_810 = arith.constant 0 : i32
        %dma_start3A_811 = tpu.memref_slice %arg5[%dma_start3A_809, %dma_start3A_810] : memref<1000x128xf32, #tpu.memory_space<vmem_shared>> -> memref<1000x128xf32, #tpu.memory_space<vmem_shared>>
        tpu.enqueue_indirect_dma source(%dma_start3A_811 : memref<1000x128xf32, #tpu.memory_space<vmem_shared>>) target(%dma_start3A_805 : memref<72x128xf32, #tpu.memory_space<vmem>>) offsets(%dma_start3A_808 : memref<72xi32, #tpu.memory_space<vmem>>) semaphore(%arg15 : memref<!tpu.dma_semaphore, #tpu.memory_space<semaphore_mem>>)
      } else {
      }
      %dma_wait3A_440 = arith.constant 0 : i32
      %dma_wait3A_441 = tpu.memref_slice %arg4[%mul3A_4, %dma_wait3A_440] : memref<3276800x128xf32, #tpu.memory_space<hbm>> -> memref<200x128xf32, #tpu.memory_space<hbm>>
      %dma_wait3A_442 = arith.constant 0 : i32
      %dma_wait3A_443 = tpu.memref_slice %arg4[%mul3A_4, %dma_wait3A_442] : memref<3276800x128xf32, #tpu.memory_space<hbm>> -> memref<200x128xf32, #tpu.memory_space<hbm>>
      tpu.wait_dma2 semaphore(%arg14 : memref<!tpu.dma_semaphore, #tpu.memory_space<semaphore_mem>>) src(%dma_wait3A_443 : memref<200x128xf32, #tpu.memory_space<hbm>>) dst(%arg8 : memref<200x128xf32, #tpu.memory_space<vmem>>)
      %mul3A_444 = arith.constant 200 : i32
      %mul3A_445 = arith.muli %add3A_432, %mul3A_444 : i32
      %add3A_446 = arith.addi %mul3A_4, %mul3A_445 : i32
      %dma_start3A_447 = arith.constant 0 : i32
      %dma_start3A_448 = tpu.memref_slice %arg4[%add3A_446, %dma_start3A_447] : memref<3276800x128xf32, #tpu.memory_space<hbm>> -> memref<200x128xf32, #tpu.memory_space<hbm>>
      %dma_start3A_449 = arith.constant 0 : i32
      %dma_start3A_450 = tpu.memref_slice %arg4[%add3A_446, %dma_start3A_449] : memref<3276800x128xf32, #tpu.memory_space<hbm>> -> memref<200x128xf32, #tpu.memory_space<hbm>>
      tpu.enqueue_dma source(%arg8 : memref<200x128xf32, #tpu.memory_space<vmem>>) target(%dma_start3A_450 : memref<200x128xf32, #tpu.memory_space<hbm>>) target_semaphore(%arg18 : memref<!tpu.dma_semaphore, #tpu.memory_space<semaphore_mem>>)
      %mul3A_451 = arith.constant 16 : i32
      %mul3A_452 = arith.muli %add3A_428, %mul3A_451 : i32
      %add3A_453 = arith.constant 1 : i32
      %add3A_454 = arith.addi %mul3A_452, %add3A_453 : i32
      %add3A_455 = arith.constant 1 : i32
      %add3A_456 = arith.addi %add3A_454, %add3A_455 : i32
      %lt3A_457 = arith.constant 512 : i32
      %lt3A_458 = arith.cmpi slt, %add3A_456, %lt3A_457 : i32
      %convert_element_type3A_459 = arith.extui %lt3A_458 : i1 to i32
      %cond3A_460 = arith.constant 0 : i32
      %cond3A_461 = arith.cmpi ne, %convert_element_type3A_459, %cond3A_460 : i32
      scf.if %cond3A_461 {
        %ge3A = arith.constant 3 : i32
        %ge3A_788 = arith.cmpi sge, %add3A_454, %ge3A : i32
        %convert_element_type3A_789 = arith.extui %ge3A_788 : i1 to i32
        %cond3A_790 = arith.constant 0 : i32
        %cond3A_791 = arith.cmpi ne, %convert_element_type3A_789, %cond3A_790 : i32
        scf.if %cond3A_791 {
          %dma_wait3A_812 = arith.constant 0 : i32
          %dma_wait3A_813 = tpu.memref_slice %arg4[%mul3A_4, %dma_wait3A_812] : memref<3276800x128xf32, #tpu.memory_space<hbm>> -> memref<200x128xf32, #tpu.memory_space<hbm>>
          %dma_wait3A_814 = arith.constant 0 : i32
          %dma_wait3A_815 = tpu.memref_slice %arg4[%mul3A_4, %dma_wait3A_814] : memref<3276800x128xf32, #tpu.memory_space<hbm>> -> memref<200x128xf32, #tpu.memory_space<hbm>>
          tpu.wait_dma2 semaphore(%arg20 : memref<!tpu.dma_semaphore, #tpu.memory_space<semaphore_mem>>) src(%arg10 : memref<200x128xf32, #tpu.memory_space<vmem>>) dst(%dma_wait3A_815 : memref<200x128xf32, #tpu.memory_space<hbm>>)
        } else {
        }
        %dma_start3A_792 = arith.constant 2 : i32
        %dma_start3A_793 = arith.constant 0 : i32
        %dma_start3A_794 = arith.constant 0 : i32
        %dma_start3A_795 = tpu.memref_slice %arg10[%dma_start3A_793, %dma_start3A_794] : memref<200x128xf32, #tpu.memory_space<vmem>> -> memref<128x128xf32, #tpu.memory_space<vmem>>
        %dma_start3A_796 = arith.constant 0 : i32
        %dma_start3A_797 = tpu.memref_slice %arg7[%dma_start3A_792, %dma_start3A_796] : memref<16x200xi32, #tpu.memory_space<vmem>> -> memref<1x128xi32, #tpu.memory_space<vmem>>
        %dma_start3A_798 = tpu.memref_squeeze %dma_start3A_797 : memref<1x128xi32, #tpu.memory_space<vmem>> -> memref<128xi32, #tpu.memory_space<vmem>>
        %dma_start3A_799 = arith.constant 0 : i32
        %dma_start3A_800 = arith.constant 0 : i32
        %dma_start3A_801 = tpu.memref_slice %arg5[%dma_start3A_799, %dma_start3A_800] : memref<1000x128xf32, #tpu.memory_space<vmem_shared>> -> memref<1000x128xf32, #tpu.memory_space<vmem_shared>>
        tpu.enqueue_indirect_dma source(%dma_start3A_801 : memref<1000x128xf32, #tpu.memory_space<vmem_shared>>) target(%dma_start3A_795 : memref<128x128xf32, #tpu.memory_space<vmem>>) offsets(%dma_start3A_798 : memref<128xi32, #tpu.memory_space<vmem>>) semaphore(%arg16 : memref<!tpu.dma_semaphore, #tpu.memory_space<semaphore_mem>>)
        %dma_start3A_802 = arith.constant 2 : i32
        %dma_start3A_803 = arith.constant 128 : i32
        %dma_start3A_804 = arith.constant 0 : i32
        %dma_start3A_805 = tpu.memref_slice %arg10[%dma_start3A_803, %dma_start3A_804] : memref<200x128xf32, #tpu.memory_space<vmem>> -> memref<72x128xf32, #tpu.memory_space<vmem>>
        %dma_start3A_806 = arith.constant 128 : i32
        %dma_start3A_807 = tpu.memref_slice %arg7[%dma_start3A_802, %dma_start3A_806] : memref<16x200xi32, #tpu.memory_space<vmem>> -> memref<1x72xi32, #tpu.memory_space<vmem>>
        %dma_start3A_808 = tpu.memref_squeeze %dma_start3A_807 : memref<1x72xi32, #tpu.memory_space<vmem>> -> memref<72xi32, #tpu.memory_space<vmem>>
        %dma_start3A_809 = arith.constant 0 : i32
        %dma_start3A_810 = arith.constant 0 : i32
        %dma_start3A_811 = tpu.memref_slice %arg5[%dma_start3A_809, %dma_start3A_810] : memref<1000x128xf32, #tpu.memory_space<vmem_shared>> -> memref<1000x128xf32, #tpu.memory_space<vmem_shared>>
        tpu.enqueue_indirect_dma source(%dma_start3A_811 : memref<1000x128xf32, #tpu.memory_space<vmem_shared>>) target(%dma_start3A_805 : memref<72x128xf32, #tpu.memory_space<vmem>>) offsets(%dma_start3A_808 : memref<72xi32, #tpu.memory_space<vmem>>) semaphore(%arg16 : memref<!tpu.dma_semaphore, #tpu.memory_space<semaphore_mem>>)
      } else {
      }
      %dma_wait3A_462 = arith.constant 0 : i32
      %dma_wait3A_463 = tpu.memref_slice %arg4[%mul3A_4, %dma_wait3A_462] : memref<3276800x128xf32, #tpu.memory_space<hbm>> -> memref<200x128xf32, #tpu.memory_space<hbm>>
      %dma_wait3A_464 = arith.constant 0 : i32
      %dma_wait3A_465 = tpu.memref_slice %arg4[%mul3A_4, %dma_wait3A_464] : memref<3276800x128xf32, #tpu.memory_space<hbm>> -> memref<200x128xf32, #tpu.memory_space<hbm>>
      tpu.wait_dma2 semaphore(%arg15 : memref<!tpu.dma_semaphore, #tpu.memory_space<semaphore_mem>>) src(%dma_wait3A_465 : memref<200x128xf32, #tpu.memory_space<hbm>>) dst(%arg9 : memref<200x128xf32, #tpu.memory_space<vmem>>)
      %mul3A_466 = arith.constant 200 : i32
      %mul3A_467 = arith.muli %add3A_454, %mul3A_466 : i32
      %add3A_468 = arith.addi %mul3A_4, %mul3A_467 : i32
      %dma_start3A_469 = arith.constant 0 : i32
      %dma_start3A_470 = tpu.memref_slice %arg4[%add3A_468, %dma_start3A_469] : memref<3276800x128xf32, #tpu.memory_space<hbm>> -> memref<200x128xf32, #tpu.memory_space<hbm>>
      %dma_start3A_471 = arith.constant 0 : i32
      %dma_start3A_472 = tpu.memref_slice %arg4[%add3A_468, %dma_start3A_471] : memref<3276800x128xf32, #tpu.memory_space<hbm>> -> memref<200x128xf32, #tpu.memory_space<hbm>>
      tpu.enqueue_dma source(%arg9 : memref<200x128xf32, #tpu.memory_space<vmem>>) target(%dma_start3A_472 : memref<200x128xf32, #tpu.memory_space<hbm>>) target_semaphore(%arg19 : memref<!tpu.dma_semaphore, #tpu.memory_space<semaphore_mem>>)
      %mul3A_473 = arith.constant 16 : i32
      %mul3A_474 = arith.muli %add3A_428, %mul3A_473 : i32
      %add3A_475 = arith.constant 2 : i32
      %add3A_476 = arith.addi %mul3A_474, %add3A_475 : i32
      %add3A_477 = arith.constant 1 : i32
      %add3A_478 = arith.addi %add3A_476, %add3A_477 : i32
      %lt3A_479 = arith.constant 512 : i32
      %lt3A_480 = arith.cmpi slt, %add3A_478, %lt3A_479 : i32
      %convert_element_type3A_481 = arith.extui %lt3A_480 : i1 to i32
      %cond3A_482 = arith.constant 0 : i32
      %cond3A_483 = arith.cmpi ne, %convert_element_type3A_481, %cond3A_482 : i32
      scf.if %cond3A_483 {
        %ge3A = arith.constant 3 : i32
        %ge3A_788 = arith.cmpi sge, %add3A_476, %ge3A : i32
        %convert_element_type3A_789 = arith.extui %ge3A_788 : i1 to i32
        %cond3A_790 = arith.constant 0 : i32
        %cond3A_791 = arith.cmpi ne, %convert_element_type3A_789, %cond3A_790 : i32
        scf.if %cond3A_791 {
          %dma_wait3A_812 = arith.constant 0 : i32
          %dma_wait3A_813 = tpu.memref_slice %arg4[%mul3A_4, %dma_wait3A_812] : memref<3276800x128xf32, #tpu.memory_space<hbm>> -> memref<200x128xf32, #tpu.memory_space<hbm>>
          %dma_wait3A_814 = arith.constant 0 : i32
          %dma_wait3A_815 = tpu.memref_slice %arg4[%mul3A_4, %dma_wait3A_814] : memref<3276800x128xf32, #tpu.memory_space<hbm>> -> memref<200x128xf32, #tpu.memory_space<hbm>>
          tpu.wait_dma2 semaphore(%arg21 : memref<!tpu.dma_semaphore, #tpu.memory_space<semaphore_mem>>) src(%arg11 : memref<200x128xf32, #tpu.memory_space<vmem>>) dst(%dma_wait3A_815 : memref<200x128xf32, #tpu.memory_space<hbm>>)
        } else {
        }
        %dma_start3A_792 = arith.constant 3 : i32
        %dma_start3A_793 = arith.constant 0 : i32
        %dma_start3A_794 = arith.constant 0 : i32
        %dma_start3A_795 = tpu.memref_slice %arg11[%dma_start3A_793, %dma_start3A_794] : memref<200x128xf32, #tpu.memory_space<vmem>> -> memref<128x128xf32, #tpu.memory_space<vmem>>
        %dma_start3A_796 = arith.constant 0 : i32
        %dma_start3A_797 = tpu.memref_slice %arg7[%dma_start3A_792, %dma_start3A_796] : memref<16x200xi32, #tpu.memory_space<vmem>> -> memref<1x128xi32, #tpu.memory_space<vmem>>
        %dma_start3A_798 = tpu.memref_squeeze %dma_start3A_797 : memref<1x128xi32, #tpu.memory_space<vmem>> -> memref<128xi32, #tpu.memory_space<vmem>>
        %dma_start3A_799 = arith.constant 0 : i32
        %dma_start3A_800 = arith.constant 0 : i32
        %dma_start3A_801 = tpu.memref_slice %arg5[%dma_start3A_799, %dma_start3A_800] : memref<1000x128xf32, #tpu.memory_space<vmem_shared>> -> memref<1000x128xf32, #tpu.memory_space<vmem_shared>>
        tpu.enqueue_indirect_dma source(%dma_start3A_801 : memref<1000x128xf32, #tpu.memory_space<vmem_shared>>) target(%dma_start3A_795 : memref<128x128xf32, #tpu.memory_space<vmem>>) offsets(%dma_start3A_798 : memref<128xi32, #tpu.memory_space<vmem>>) semaphore(%arg17 : memref<!tpu.dma_semaphore, #tpu.memory_space<semaphore_mem>>)
        %dma_start3A_802 = arith.constant 3 : i32
        %dma_start3A_803 = arith.constant 128 : i32
        %dma_start3A_804 = arith.constant 0 : i32
        %dma_start3A_805 = tpu.memref_slice %arg11[%dma_start3A_803, %dma_start3A_804] : memref<200x128xf32, #tpu.memory_space<vmem>> -> memref<72x128xf32, #tpu.memory_space<vmem>>
        %dma_start3A_806 = arith.constant 128 : i32
        %dma_start3A_807 = tpu.memref_slice %arg7[%dma_start3A_802, %dma_start3A_806] : memref<16x200xi32, #tpu.memory_space<vmem>> -> memref<1x72xi32, #tpu.memory_space<vmem>>
        %dma_start3A_808 = tpu.memref_squeeze %dma_start3A_807 : memref<1x72xi32, #tpu.memory_space<vmem>> -> memref<72xi32, #tpu.memory_space<vmem>>
        %dma_start3A_809 = arith.constant 0 : i32
        %dma_start3A_810 = arith.constant 0 : i32
        %dma_start3A_811 = tpu.memref_slice %arg5[%dma_start3A_809, %dma_start3A_810] : memref<1000x128xf32, #tpu.memory_space<vmem_shared>> -> memref<1000x128xf32, #tpu.memory_space<vmem_shared>>
        tpu.enqueue_indirect_dma source(%dma_start3A_811 : memref<1000x128xf32, #tpu.memory_space<vmem_shared>>) target(%dma_start3A_805 : memref<72x128xf32, #tpu.memory_space<vmem>>) offsets(%dma_start3A_808 : memref<72xi32, #tpu.memory_space<vmem>>) semaphore(%arg17 : memref<!tpu.dma_semaphore, #tpu.memory_space<semaphore_mem>>)
      } else {
      }
      %dma_wait3A_484 = arith.constant 0 : i32
      %dma_wait3A_485 = tpu.memref_slice %arg4[%mul3A_4, %dma_wait3A_484] : memref<3276800x128xf32, #tpu.memory_space<hbm>> -> memref<200x128xf32, #tpu.memory_space<hbm>>
      %dma_wait3A_486 = arith.constant 0 : i32
      %dma_wait3A_487 = tpu.memref_slice %arg4[%mul3A_4, %dma_wait3A_486] : memref<3276800x128xf32, #tpu.memory_space<hbm>> -> memref<200x128xf32, #tpu.memory_space<hbm>>
      tpu.wait_dma2 semaphore(%arg16 : memref<!tpu.dma_semaphore, #tpu.memory_space<semaphore_mem>>) src(%dma_wait3A_487 : memref<200x128xf32, #tpu.memory_space<hbm>>) dst(%arg10 : memref<200x128xf32, #tpu.memory_space<vmem>>)
      %mul3A_488 = arith.constant 200 : i32
      %mul3A_489 = arith.muli %add3A_476, %mul3A_488 : i32
      %add3A_490 = arith.addi %mul3A_4, %mul3A_489 : i32
      %dma_start3A_491 = arith.constant 0 : i32
      %dma_start3A_492 = tpu.memref_slice %arg4[%add3A_490, %dma_start3A_491] : memref<3276800x128xf32, #tpu.memory_space<hbm>> -> memref<200x128xf32, #tpu.memory_space<hbm>>
      %dma_start3A_493 = arith.constant 0 : i32
      %dma_start3A_494 = tpu.memref_slice %arg4[%add3A_490, %dma_start3A_493] : memref<3276800x128xf32, #tpu.memory_space<hbm>> -> memref<200x128xf32, #tpu.memory_space<hbm>>
      tpu.enqueue_dma source(%arg10 : memref<200x128xf32, #tpu.memory_space<vmem>>) target(%dma_start3A_494 : memref<200x128xf32, #tpu.memory_space<hbm>>) target_semaphore(%arg20 : memref<!tpu.dma_semaphore, #tpu.memory_space<semaphore_mem>>)
      %mul3A_495 = arith.constant 16 : i32
      %mul3A_496 = arith.muli %add3A_428, %mul3A_495 : i32
      %add3A_497 = arith.constant 3 : i32
      %add3A_498 = arith.addi %mul3A_496, %add3A_497 : i32
      %add3A_499 = arith.constant 1 : i32
      %add3A_500 = arith.addi %add3A_498, %add3A_499 : i32
      %lt3A_501 = arith.constant 512 : i32
      %lt3A_502 = arith.cmpi slt, %add3A_500, %lt3A_501 : i32
      %convert_element_type3A_503 = arith.extui %lt3A_502 : i1 to i32
      %cond3A_504 = arith.constant 0 : i32
      %cond3A_505 = arith.cmpi ne, %convert_element_type3A_503, %cond3A_504 : i32
      scf.if %cond3A_505 {
        %ge3A = arith.constant 3 : i32
        %ge3A_788 = arith.cmpi sge, %add3A_498, %ge3A : i32
        %convert_element_type3A_789 = arith.extui %ge3A_788 : i1 to i32
        %cond3A_790 = arith.constant 0 : i32
        %cond3A_791 = arith.cmpi ne, %convert_element_type3A_789, %cond3A_790 : i32
        scf.if %cond3A_791 {
          %dma_wait3A_812 = arith.constant 0 : i32
          %dma_wait3A_813 = tpu.memref_slice %arg4[%mul3A_4, %dma_wait3A_812] : memref<3276800x128xf32, #tpu.memory_space<hbm>> -> memref<200x128xf32, #tpu.memory_space<hbm>>
          %dma_wait3A_814 = arith.constant 0 : i32
          %dma_wait3A_815 = tpu.memref_slice %arg4[%mul3A_4, %dma_wait3A_814] : memref<3276800x128xf32, #tpu.memory_space<hbm>> -> memref<200x128xf32, #tpu.memory_space<hbm>>
          tpu.wait_dma2 semaphore(%arg18 : memref<!tpu.dma_semaphore, #tpu.memory_space<semaphore_mem>>) src(%arg8 : memref<200x128xf32, #tpu.memory_space<vmem>>) dst(%dma_wait3A_815 : memref<200x128xf32, #tpu.memory_space<hbm>>)
        } else {
        }
        %dma_start3A_792 = arith.constant 4 : i32
        %dma_start3A_793 = arith.constant 0 : i32
        %dma_start3A_794 = arith.constant 0 : i32
        %dma_start3A_795 = tpu.memref_slice %arg8[%dma_start3A_793, %dma_start3A_794] : memref<200x128xf32, #tpu.memory_space<vmem>> -> memref<128x128xf32, #tpu.memory_space<vmem>>
        %dma_start3A_796 = arith.constant 0 : i32
        %dma_start3A_797 = tpu.memref_slice %arg7[%dma_start3A_792, %dma_start3A_796] : memref<16x200xi32, #tpu.memory_space<vmem>> -> memref<1x128xi32, #tpu.memory_space<vmem>>
        %dma_start3A_798 = tpu.memref_squeeze %dma_start3A_797 : memref<1x128xi32, #tpu.memory_space<vmem>> -> memref<128xi32, #tpu.memory_space<vmem>>
        %dma_start3A_799 = arith.constant 0 : i32
        %dma_start3A_800 = arith.constant 0 : i32
        %dma_start3A_801 = tpu.memref_slice %arg5[%dma_start3A_799, %dma_start3A_800] : memref<1000x128xf32, #tpu.memory_space<vmem_shared>> -> memref<1000x128xf32, #tpu.memory_space<vmem_shared>>
        tpu.enqueue_indirect_dma source(%dma_start3A_801 : memref<1000x128xf32, #tpu.memory_space<vmem_shared>>) target(%dma_start3A_795 : memref<128x128xf32, #tpu.memory_space<vmem>>) offsets(%dma_start3A_798 : memref<128xi32, #tpu.memory_space<vmem>>) semaphore(%arg14 : memref<!tpu.dma_semaphore, #tpu.memory_space<semaphore_mem>>)
        %dma_start3A_802 = arith.constant 4 : i32
        %dma_start3A_803 = arith.constant 128 : i32
        %dma_start3A_804 = arith.constant 0 : i32
        %dma_start3A_805 = tpu.memref_slice %arg8[%dma_start3A_803, %dma_start3A_804] : memref<200x128xf32, #tpu.memory_space<vmem>> -> memref<72x128xf32, #tpu.memory_space<vmem>>
        %dma_start3A_806 = arith.constant 128 : i32
        %dma_start3A_807 = tpu.memref_slice %arg7[%dma_start3A_802, %dma_start3A_806] : memref<16x200xi32, #tpu.memory_space<vmem>> -> memref<1x72xi32, #tpu.memory_space<vmem>>
        %dma_start3A_808 = tpu.memref_squeeze %dma_start3A_807 : memref<1x72xi32, #tpu.memory_space<vmem>> -> memref<72xi32, #tpu.memory_space<vmem>>
        %dma_start3A_809 = arith.constant 0 : i32
        %dma_start3A_810 = arith.constant 0 : i32
        %dma_start3A_811 = tpu.memref_slice %arg5[%dma_start3A_809, %dma_start3A_810] : memref<1000x128xf32, #tpu.memory_space<vmem_shared>> -> memref<1000x128xf32, #tpu.memory_space<vmem_shared>>
        tpu.enqueue_indirect_dma source(%dma_start3A_811 : memref<1000x128xf32, #tpu.memory_space<vmem_shared>>) target(%dma_start3A_805 : memref<72x128xf32, #tpu.memory_space<vmem>>) offsets(%dma_start3A_808 : memref<72xi32, #tpu.memory_space<vmem>>) semaphore(%arg14 : memref<!tpu.dma_semaphore, #tpu.memory_space<semaphore_mem>>)
      } else {
      }
      %dma_wait3A_506 = arith.constant 0 : i32
      %dma_wait3A_507 = tpu.memref_slice %arg4[%mul3A_4, %dma_wait3A_506] : memref<3276800x128xf32, #tpu.memory_space<hbm>> -> memref<200x128xf32, #tpu.memory_space<hbm>>
      %dma_wait3A_508 = arith.constant 0 : i32
      %dma_wait3A_509 = tpu.memref_slice %arg4[%mul3A_4, %dma_wait3A_508] : memref<3276800x128xf32, #tpu.memory_space<hbm>> -> memref<200x128xf32, #tpu.memory_space<hbm>>
      tpu.wait_dma2 semaphore(%arg17 : memref<!tpu.dma_semaphore, #tpu.memory_space<semaphore_mem>>) src(%dma_wait3A_509 : memref<200x128xf32, #tpu.memory_space<hbm>>) dst(%arg11 : memref<200x128xf32, #tpu.memory_space<vmem>>)
      %mul3A_510 = arith.constant 200 : i32
      %mul3A_511 = arith.muli %add3A_498, %mul3A_510 : i32
      %add3A_512 = arith.addi %mul3A_4, %mul3A_511 : i32
      %dma_start3A_513 = arith.constant 0 : i32
      %dma_start3A_514 = tpu.memref_slice %arg4[%add3A_512, %dma_start3A_513] : memref<3276800x128xf32, #tpu.memory_space<hbm>> -> memref<200x128xf32, #tpu.memory_space<hbm>>
      %dma_start3A_515 = arith.constant 0 : i32
      %dma_start3A_516 = tpu.memref_slice %arg4[%add3A_512, %dma_start3A_515] : memref<3276800x128xf32, #tpu.memory_space<hbm>> -> memref<200x128xf32, #tpu.memory_space<hbm>>
      tpu.enqueue_dma source(%arg11 : memref<200x128xf32, #tpu.memory_space<vmem>>) target(%dma_start3A_516 : memref<200x128xf32, #tpu.memory_space<hbm>>) target_semaphore(%arg21 : memref<!tpu.dma_semaphore, #tpu.memory_space<semaphore_mem>>)
      %mul3A_517 = arith.constant 16 : i32
      %mul3A_518 = arith.muli %add3A_428, %mul3A_517 : i32
      %add3A_519 = arith.constant 4 : i32
      %add3A_520 = arith.addi %mul3A_518, %add3A_519 : i32
      %add3A_521 = arith.constant 1 : i32
      %add3A_522 = arith.addi %add3A_520, %add3A_521 : i32
      %lt3A_523 = arith.constant 512 : i32
      %lt3A_524 = arith.cmpi slt, %add3A_522, %lt3A_523 : i32
      %convert_element_type3A_525 = arith.extui %lt3A_524 : i1 to i32
      %cond3A_526 = arith.constant 0 : i32
      %cond3A_527 = arith.cmpi ne, %convert_element_type3A_525, %cond3A_526 : i32
      scf.if %cond3A_527 {
        %ge3A = arith.constant 3 : i32
        %ge3A_788 = arith.cmpi sge, %add3A_520, %ge3A : i32
        %convert_element_type3A_789 = arith.extui %ge3A_788 : i1 to i32
        %cond3A_790 = arith.constant 0 : i32
        %cond3A_791 = arith.cmpi ne, %convert_element_type3A_789, %cond3A_790 : i32
        scf.if %cond3A_791 {
          %dma_wait3A_812 = arith.constant 0 : i32
          %dma_wait3A_813 = tpu.memref_slice %arg4[%mul3A_4, %dma_wait3A_812] : memref<3276800x128xf32, #tpu.memory_space<hbm>> -> memref<200x128xf32, #tpu.memory_space<hbm>>
          %dma_wait3A_814 = arith.constant 0 : i32
          %dma_wait3A_815 = tpu.memref_slice %arg4[%mul3A_4, %dma_wait3A_814] : memref<3276800x128xf32, #tpu.memory_space<hbm>> -> memref<200x128xf32, #tpu.memory_space<hbm>>
          tpu.wait_dma2 semaphore(%arg19 : memref<!tpu.dma_semaphore, #tpu.memory_space<semaphore_mem>>) src(%arg9 : memref<200x128xf32, #tpu.memory_space<vmem>>) dst(%dma_wait3A_815 : memref<200x128xf32, #tpu.memory_space<hbm>>)
        } else {
        }
        %dma_start3A_792 = arith.constant 5 : i32
        %dma_start3A_793 = arith.constant 0 : i32
        %dma_start3A_794 = arith.constant 0 : i32
        %dma_start3A_795 = tpu.memref_slice %arg9[%dma_start3A_793, %dma_start3A_794] : memref<200x128xf32, #tpu.memory_space<vmem>> -> memref<128x128xf32, #tpu.memory_space<vmem>>
        %dma_start3A_796 = arith.constant 0 : i32
        %dma_start3A_797 = tpu.memref_slice %arg7[%dma_start3A_792, %dma_start3A_796] : memref<16x200xi32, #tpu.memory_space<vmem>> -> memref<1x128xi32, #tpu.memory_space<vmem>>
        %dma_start3A_798 = tpu.memref_squeeze %dma_start3A_797 : memref<1x128xi32, #tpu.memory_space<vmem>> -> memref<128xi32, #tpu.memory_space<vmem>>
        %dma_start3A_799 = arith.constant 0 : i32
        %dma_start3A_800 = arith.constant 0 : i32
        %dma_start3A_801 = tpu.memref_slice %arg5[%dma_start3A_799, %dma_start3A_800] : memref<1000x128xf32, #tpu.memory_space<vmem_shared>> -> memref<1000x128xf32, #tpu.memory_space<vmem_shared>>
        tpu.enqueue_indirect_dma source(%dma_start3A_801 : memref<1000x128xf32, #tpu.memory_space<vmem_shared>>) target(%dma_start3A_795 : memref<128x128xf32, #tpu.memory_space<vmem>>) offsets(%dma_start3A_798 : memref<128xi32, #tpu.memory_space<vmem>>) semaphore(%arg15 : memref<!tpu.dma_semaphore, #tpu.memory_space<semaphore_mem>>)
        %dma_start3A_802 = arith.constant 5 : i32
        %dma_start3A_803 = arith.constant 128 : i32
        %dma_start3A_804 = arith.constant 0 : i32
        %dma_start3A_805 = tpu.memref_slice %arg9[%dma_start3A_803, %dma_start3A_804] : memref<200x128xf32, #tpu.memory_space<vmem>> -> memref<72x128xf32, #tpu.memory_space<vmem>>
        %dma_start3A_806 = arith.constant 128 : i32
        %dma_start3A_807 = tpu.memref_slice %arg7[%dma_start3A_802, %dma_start3A_806] : memref<16x200xi32, #tpu.memory_space<vmem>> -> memref<1x72xi32, #tpu.memory_space<vmem>>
        %dma_start3A_808 = tpu.memref_squeeze %dma_start3A_807 : memref<1x72xi32, #tpu.memory_space<vmem>> -> memref<72xi32, #tpu.memory_space<vmem>>
        %dma_start3A_809 = arith.constant 0 : i32
        %dma_start3A_810 = arith.constant 0 : i32
        %dma_start3A_811 = tpu.memref_slice %arg5[%dma_start3A_809, %dma_start3A_810] : memref<1000x128xf32, #tpu.memory_space<vmem_shared>> -> memref<1000x128xf32, #tpu.memory_space<vmem_shared>>
        tpu.enqueue_indirect_dma source(%dma_start3A_811 : memref<1000x128xf32, #tpu.memory_space<vmem_shared>>) target(%dma_start3A_805 : memref<72x128xf32, #tpu.memory_space<vmem>>) offsets(%dma_start3A_808 : memref<72xi32, #tpu.memory_space<vmem>>) semaphore(%arg15 : memref<!tpu.dma_semaphore, #tpu.memory_space<semaphore_mem>>)
      } else {
      }
      %dma_wait3A_528 = arith.constant 0 : i32
      %dma_wait3A_529 = tpu.memref_slice %arg4[%mul3A_4, %dma_wait3A_528] : memref<3276800x128xf32, #tpu.memory_space<hbm>> -> memref<200x128xf32, #tpu.memory_space<hbm>>
      %dma_wait3A_530 = arith.constant 0 : i32
      %dma_wait3A_531 = tpu.memref_slice %arg4[%mul3A_4, %dma_wait3A_530] : memref<3276800x128xf32, #tpu.memory_space<hbm>> -> memref<200x128xf32, #tpu.memory_space<hbm>>
      tpu.wait_dma2 semaphore(%arg14 : memref<!tpu.dma_semaphore, #tpu.memory_space<semaphore_mem>>) src(%dma_wait3A_531 : memref<200x128xf32, #tpu.memory_space<hbm>>) dst(%arg8 : memref<200x128xf32, #tpu.memory_space<vmem>>)
      %mul3A_532 = arith.constant 200 : i32
      %mul3A_533 = arith.muli %add3A_520, %mul3A_532 : i32
      %add3A_534 = arith.addi %mul3A_4, %mul3A_533 : i32
      %dma_start3A_535 = arith.constant 0 : i32
      %dma_start3A_536 = tpu.memref_slice %arg4[%add3A_534, %dma_start3A_535] : memref<3276800x128xf32, #tpu.memory_space<hbm>> -> memref<200x128xf32, #tpu.memory_space<hbm>>
      %dma_start3A_537 = arith.constant 0 : i32
      %dma_start3A_538 = tpu.memref_slice %arg4[%add3A_534, %dma_start3A_537] : memref<3276800x128xf32, #tpu.memory_space<hbm>> -> memref<200x128xf32, #tpu.memory_space<hbm>>
      tpu.enqueue_dma source(%arg8 : memref<200x128xf32, #tpu.memory_space<vmem>>) target(%dma_start3A_538 : memref<200x128xf32, #tpu.memory_space<hbm>>) target_semaphore(%arg18 : memref<!tpu.dma_semaphore, #tpu.memory_space<semaphore_mem>>)
      %mul3A_539 = arith.constant 16 : i32
      %mul3A_540 = arith.muli %add3A_428, %mul3A_539 : i32
      %add3A_541 = arith.constant 5 : i32
      %add3A_542 = arith.addi %mul3A_540, %add3A_541 : i32
      %add3A_543 = arith.constant 1 : i32
      %add3A_544 = arith.addi %add3A_542, %add3A_543 : i32
      %lt3A_545 = arith.constant 512 : i32
      %lt3A_546 = arith.cmpi slt, %add3A_544, %lt3A_545 : i32
      %convert_element_type3A_547 = arith.extui %lt3A_546 : i1 to i32
      %cond3A_548 = arith.constant 0 : i32
      %cond3A_549 = arith.cmpi ne, %convert_element_type3A_547, %cond3A_548 : i32
      scf.if %cond3A_549 {
        %ge3A = arith.constant 3 : i32
        %ge3A_788 = arith.cmpi sge, %add3A_542, %ge3A : i32
        %convert_element_type3A_789 = arith.extui %ge3A_788 : i1 to i32
        %cond3A_790 = arith.constant 0 : i32
        %cond3A_791 = arith.cmpi ne, %convert_element_type3A_789, %cond3A_790 : i32
        scf.if %cond3A_791 {
          %dma_wait3A_812 = arith.constant 0 : i32
          %dma_wait3A_813 = tpu.memref_slice %arg4[%mul3A_4, %dma_wait3A_812] : memref<3276800x128xf32, #tpu.memory_space<hbm>> -> memref<200x128xf32, #tpu.memory_space<hbm>>
          %dma_wait3A_814 = arith.constant 0 : i32
          %dma_wait3A_815 = tpu.memref_slice %arg4[%mul3A_4, %dma_wait3A_814] : memref<3276800x128xf32, #tpu.memory_space<hbm>> -> memref<200x128xf32, #tpu.memory_space<hbm>>
          tpu.wait_dma2 semaphore(%arg20 : memref<!tpu.dma_semaphore, #tpu.memory_space<semaphore_mem>>) src(%arg10 : memref<200x128xf32, #tpu.memory_space<vmem>>) dst(%dma_wait3A_815 : memref<200x128xf32, #tpu.memory_space<hbm>>)
        } else {
        }
        %dma_start3A_792 = arith.constant 6 : i32
        %dma_start3A_793 = arith.constant 0 : i32
        %dma_start3A_794 = arith.constant 0 : i32
        %dma_start3A_795 = tpu.memref_slice %arg10[%dma_start3A_793, %dma_start3A_794] : memref<200x128xf32, #tpu.memory_space<vmem>> -> memref<128x128xf32, #tpu.memory_space<vmem>>
        %dma_start3A_796 = arith.constant 0 : i32
        %dma_start3A_797 = tpu.memref_slice %arg7[%dma_start3A_792, %dma_start3A_796] : memref<16x200xi32, #tpu.memory_space<vmem>> -> memref<1x128xi32, #tpu.memory_space<vmem>>
        %dma_start3A_798 = tpu.memref_squeeze %dma_start3A_797 : memref<1x128xi32, #tpu.memory_space<vmem>> -> memref<128xi32, #tpu.memory_space<vmem>>
        %dma_start3A_799 = arith.constant 0 : i32
        %dma_start3A_800 = arith.constant 0 : i32
        %dma_start3A_801 = tpu.memref_slice %arg5[%dma_start3A_799, %dma_start3A_800] : memref<1000x128xf32, #tpu.memory_space<vmem_shared>> -> memref<1000x128xf32, #tpu.memory_space<vmem_shared>>
        tpu.enqueue_indirect_dma source(%dma_start3A_801 : memref<1000x128xf32, #tpu.memory_space<vmem_shared>>) target(%dma_start3A_795 : memref<128x128xf32, #tpu.memory_space<vmem>>) offsets(%dma_start3A_798 : memref<128xi32, #tpu.memory_space<vmem>>) semaphore(%arg16 : memref<!tpu.dma_semaphore, #tpu.memory_space<semaphore_mem>>)
        %dma_start3A_802 = arith.constant 6 : i32
        %dma_start3A_803 = arith.constant 128 : i32
        %dma_start3A_804 = arith.constant 0 : i32
        %dma_start3A_805 = tpu.memref_slice %arg10[%dma_start3A_803, %dma_start3A_804] : memref<200x128xf32, #tpu.memory_space<vmem>> -> memref<72x128xf32, #tpu.memory_space<vmem>>
        %dma_start3A_806 = arith.constant 128 : i32
        %dma_start3A_807 = tpu.memref_slice %arg7[%dma_start3A_802, %dma_start3A_806] : memref<16x200xi32, #tpu.memory_space<vmem>> -> memref<1x72xi32, #tpu.memory_space<vmem>>
        %dma_start3A_808 = tpu.memref_squeeze %dma_start3A_807 : memref<1x72xi32, #tpu.memory_space<vmem>> -> memref<72xi32, #tpu.memory_space<vmem>>
        %dma_start3A_809 = arith.constant 0 : i32
        %dma_start3A_810 = arith.constant 0 : i32
        %dma_start3A_811 = tpu.memref_slice %arg5[%dma_start3A_809, %dma_start3A_810] : memref<1000x128xf32, #tpu.memory_space<vmem_shared>> -> memref<1000x128xf32, #tpu.memory_space<vmem_shared>>
        tpu.enqueue_indirect_dma source(%dma_start3A_811 : memref<1000x128xf32, #tpu.memory_space<vmem_shared>>) target(%dma_start3A_805 : memref<72x128xf32, #tpu.memory_space<vmem>>) offsets(%dma_start3A_808 : memref<72xi32, #tpu.memory_space<vmem>>) semaphore(%arg16 : memref<!tpu.dma_semaphore, #tpu.memory_space<semaphore_mem>>)
      } else {
      }
      %dma_wait3A_550 = arith.constant 0 : i32
      %dma_wait3A_551 = tpu.memref_slice %arg4[%mul3A_4, %dma_wait3A_550] : memref<3276800x128xf32, #tpu.memory_space<hbm>> -> memref<200x128xf32, #tpu.memory_space<hbm>>
      %dma_wait3A_552 = arith.constant 0 : i32
      %dma_wait3A_553 = tpu.memref_slice %arg4[%mul3A_4, %dma_wait3A_552] : memref<3276800x128xf32, #tpu.memory_space<hbm>> -> memref<200x128xf32, #tpu.memory_space<hbm>>
      tpu.wait_dma2 semaphore(%arg15 : memref<!tpu.dma_semaphore, #tpu.memory_space<semaphore_mem>>) src(%dma_wait3A_553 : memref<200x128xf32, #tpu.memory_space<hbm>>) dst(%arg9 : memref<200x128xf32, #tpu.memory_space<vmem>>)
      %mul3A_554 = arith.constant 200 : i32
      %mul3A_555 = arith.muli %add3A_542, %mul3A_554 : i32
      %add3A_556 = arith.addi %mul3A_4, %mul3A_555 : i32
      %dma_start3A_557 = arith.constant 0 : i32
      %dma_start3A_558 = tpu.memref_slice %arg4[%add3A_556, %dma_start3A_557] : memref<3276800x128xf32, #tpu.memory_space<hbm>> -> memref<200x128xf32, #tpu.memory_space<hbm>>
      %dma_start3A_559 = arith.constant 0 : i32
      %dma_start3A_560 = tpu.memref_slice %arg4[%add3A_556, %dma_start3A_559] : memref<3276800x128xf32, #tpu.memory_space<hbm>> -> memref<200x128xf32, #tpu.memory_space<hbm>>
      tpu.enqueue_dma source(%arg9 : memref<200x128xf32, #tpu.memory_space<vmem>>) target(%dma_start3A_560 : memref<200x128xf32, #tpu.memory_space<hbm>>) target_semaphore(%arg19 : memref<!tpu.dma_semaphore, #tpu.memory_space<semaphore_mem>>)
      %mul3A_561 = arith.constant 16 : i32
      %mul3A_562 = arith.muli %add3A_428, %mul3A_561 : i32
      %add3A_563 = arith.constant 6 : i32
      %add3A_564 = arith.addi %mul3A_562, %add3A_563 : i32
      %add3A_565 = arith.constant 1 : i32
      %add3A_566 = arith.addi %add3A_564, %add3A_565 : i32
      %lt3A_567 = arith.constant 512 : i32
      %lt3A_568 = arith.cmpi slt, %add3A_566, %lt3A_567 : i32
      %convert_element_type3A_569 = arith.extui %lt3A_568 : i1 to i32
      %cond3A_570 = arith.constant 0 : i32
      %cond3A_571 = arith.cmpi ne, %convert_element_type3A_569, %cond3A_570 : i32
      scf.if %cond3A_571 {
        %ge3A = arith.constant 3 : i32
        %ge3A_788 = arith.cmpi sge, %add3A_564, %ge3A : i32
        %convert_element_type3A_789 = arith.extui %ge3A_788 : i1 to i32
        %cond3A_790 = arith.constant 0 : i32
        %cond3A_791 = arith.cmpi ne, %convert_element_type3A_789, %cond3A_790 : i32
        scf.if %cond3A_791 {
          %dma_wait3A_812 = arith.constant 0 : i32
          %dma_wait3A_813 = tpu.memref_slice %arg4[%mul3A_4, %dma_wait3A_812] : memref<3276800x128xf32, #tpu.memory_space<hbm>> -> memref<200x128xf32, #tpu.memory_space<hbm>>
          %dma_wait3A_814 = arith.constant 0 : i32
          %dma_wait3A_815 = tpu.memref_slice %arg4[%mul3A_4, %dma_wait3A_814] : memref<3276800x128xf32, #tpu.memory_space<hbm>> -> memref<200x128xf32, #tpu.memory_space<hbm>>
          tpu.wait_dma2 semaphore(%arg21 : memref<!tpu.dma_semaphore, #tpu.memory_space<semaphore_mem>>) src(%arg11 : memref<200x128xf32, #tpu.memory_space<vmem>>) dst(%dma_wait3A_815 : memref<200x128xf32, #tpu.memory_space<hbm>>)
        } else {
        }
        %dma_start3A_792 = arith.constant 7 : i32
        %dma_start3A_793 = arith.constant 0 : i32
        %dma_start3A_794 = arith.constant 0 : i32
        %dma_start3A_795 = tpu.memref_slice %arg11[%dma_start3A_793, %dma_start3A_794] : memref<200x128xf32, #tpu.memory_space<vmem>> -> memref<128x128xf32, #tpu.memory_space<vmem>>
        %dma_start3A_796 = arith.constant 0 : i32
        %dma_start3A_797 = tpu.memref_slice %arg7[%dma_start3A_792, %dma_start3A_796] : memref<16x200xi32, #tpu.memory_space<vmem>> -> memref<1x128xi32, #tpu.memory_space<vmem>>
        %dma_start3A_798 = tpu.memref_squeeze %dma_start3A_797 : memref<1x128xi32, #tpu.memory_space<vmem>> -> memref<128xi32, #tpu.memory_space<vmem>>
        %dma_start3A_799 = arith.constant 0 : i32
        %dma_start3A_800 = arith.constant 0 : i32
        %dma_start3A_801 = tpu.memref_slice %arg5[%dma_start3A_799, %dma_start3A_800] : memref<1000x128xf32, #tpu.memory_space<vmem_shared>> -> memref<1000x128xf32, #tpu.memory_space<vmem_shared>>
        tpu.enqueue_indirect_dma source(%dma_start3A_801 : memref<1000x128xf32, #tpu.memory_space<vmem_shared>>) target(%dma_start3A_795 : memref<128x128xf32, #tpu.memory_space<vmem>>) offsets(%dma_start3A_798 : memref<128xi32, #tpu.memory_space<vmem>>) semaphore(%arg17 : memref<!tpu.dma_semaphore, #tpu.memory_space<semaphore_mem>>)
        %dma_start3A_802 = arith.constant 7 : i32
        %dma_start3A_803 = arith.constant 128 : i32
        %dma_start3A_804 = arith.constant 0 : i32
        %dma_start3A_805 = tpu.memref_slice %arg11[%dma_start3A_803, %dma_start3A_804] : memref<200x128xf32, #tpu.memory_space<vmem>> -> memref<72x128xf32, #tpu.memory_space<vmem>>
        %dma_start3A_806 = arith.constant 128 : i32
        %dma_start3A_807 = tpu.memref_slice %arg7[%dma_start3A_802, %dma_start3A_806] : memref<16x200xi32, #tpu.memory_space<vmem>> -> memref<1x72xi32, #tpu.memory_space<vmem>>
        %dma_start3A_808 = tpu.memref_squeeze %dma_start3A_807 : memref<1x72xi32, #tpu.memory_space<vmem>> -> memref<72xi32, #tpu.memory_space<vmem>>
        %dma_start3A_809 = arith.constant 0 : i32
        %dma_start3A_810 = arith.constant 0 : i32
        %dma_start3A_811 = tpu.memref_slice %arg5[%dma_start3A_809, %dma_start3A_810] : memref<1000x128xf32, #tpu.memory_space<vmem_shared>> -> memref<1000x128xf32, #tpu.memory_space<vmem_shared>>
        tpu.enqueue_indirect_dma source(%dma_start3A_811 : memref<1000x128xf32, #tpu.memory_space<vmem_shared>>) target(%dma_start3A_805 : memref<72x128xf32, #tpu.memory_space<vmem>>) offsets(%dma_start3A_808 : memref<72xi32, #tpu.memory_space<vmem>>) semaphore(%arg17 : memref<!tpu.dma_semaphore, #tpu.memory_space<semaphore_mem>>)
      } else {
      }
      %dma_wait3A_572 = arith.constant 0 : i32
      %dma_wait3A_573 = tpu.memref_slice %arg4[%mul3A_4, %dma_wait3A_572] : memref<3276800x128xf32, #tpu.memory_space<hbm>> -> memref<200x128xf32, #tpu.memory_space<hbm>>
      %dma_wait3A_574 = arith.constant 0 : i32
      %dma_wait3A_575 = tpu.memref_slice %arg4[%mul3A_4, %dma_wait3A_574] : memref<3276800x128xf32, #tpu.memory_space<hbm>> -> memref<200x128xf32, #tpu.memory_space<hbm>>
      tpu.wait_dma2 semaphore(%arg16 : memref<!tpu.dma_semaphore, #tpu.memory_space<semaphore_mem>>) src(%dma_wait3A_575 : memref<200x128xf32, #tpu.memory_space<hbm>>) dst(%arg10 : memref<200x128xf32, #tpu.memory_space<vmem>>)
      %mul3A_576 = arith.constant 200 : i32
      %mul3A_577 = arith.muli %add3A_564, %mul3A_576 : i32
      %add3A_578 = arith.addi %mul3A_4, %mul3A_577 : i32
      %dma_start3A_579 = arith.constant 0 : i32
      %dma_start3A_580 = tpu.memref_slice %arg4[%add3A_578, %dma_start3A_579] : memref<3276800x128xf32, #tpu.memory_space<hbm>> -> memref<200x128xf32, #tpu.memory_space<hbm>>
      %dma_start3A_581 = arith.constant 0 : i32
      %dma_start3A_582 = tpu.memref_slice %arg4[%add3A_578, %dma_start3A_581] : memref<3276800x128xf32, #tpu.memory_space<hbm>> -> memref<200x128xf32, #tpu.memory_space<hbm>>
      tpu.enqueue_dma source(%arg10 : memref<200x128xf32, #tpu.memory_space<vmem>>) target(%dma_start3A_582 : memref<200x128xf32, #tpu.memory_space<hbm>>) target_semaphore(%arg20 : memref<!tpu.dma_semaphore, #tpu.memory_space<semaphore_mem>>)
      %mul3A_583 = arith.constant 16 : i32
      %mul3A_584 = arith.muli %add3A_428, %mul3A_583 : i32
      %add3A_585 = arith.constant 7 : i32
      %add3A_586 = arith.addi %mul3A_584, %add3A_585 : i32
      %add3A_587 = arith.constant 1 : i32
      %add3A_588 = arith.addi %add3A_586, %add3A_587 : i32
      %lt3A_589 = arith.constant 512 : i32
      %lt3A_590 = arith.cmpi slt, %add3A_588, %lt3A_589 : i32
      %convert_element_type3A_591 = arith.extui %lt3A_590 : i1 to i32
      %cond3A_592 = arith.constant 0 : i32
      %cond3A_593 = arith.cmpi ne, %convert_element_type3A_591, %cond3A_592 : i32
      scf.if %cond3A_593 {
        %ge3A = arith.constant 3 : i32
        %ge3A_788 = arith.cmpi sge, %add3A_586, %ge3A : i32
        %convert_element_type3A_789 = arith.extui %ge3A_788 : i1 to i32
        %cond3A_790 = arith.constant 0 : i32
        %cond3A_791 = arith.cmpi ne, %convert_element_type3A_789, %cond3A_790 : i32
        scf.if %cond3A_791 {
          %dma_wait3A_812 = arith.constant 0 : i32
          %dma_wait3A_813 = tpu.memref_slice %arg4[%mul3A_4, %dma_wait3A_812] : memref<3276800x128xf32, #tpu.memory_space<hbm>> -> memref<200x128xf32, #tpu.memory_space<hbm>>
          %dma_wait3A_814 = arith.constant 0 : i32
          %dma_wait3A_815 = tpu.memref_slice %arg4[%mul3A_4, %dma_wait3A_814] : memref<3276800x128xf32, #tpu.memory_space<hbm>> -> memref<200x128xf32, #tpu.memory_space<hbm>>
          tpu.wait_dma2 semaphore(%arg18 : memref<!tpu.dma_semaphore, #tpu.memory_space<semaphore_mem>>) src(%arg8 : memref<200x128xf32, #tpu.memory_space<vmem>>) dst(%dma_wait3A_815 : memref<200x128xf32, #tpu.memory_space<hbm>>)
        } else {
        }
        %dma_start3A_792 = arith.constant 8 : i32
        %dma_start3A_793 = arith.constant 0 : i32
        %dma_start3A_794 = arith.constant 0 : i32
        %dma_start3A_795 = tpu.memref_slice %arg8[%dma_start3A_793, %dma_start3A_794] : memref<200x128xf32, #tpu.memory_space<vmem>> -> memref<128x128xf32, #tpu.memory_space<vmem>>
        %dma_start3A_796 = arith.constant 0 : i32
        %dma_start3A_797 = tpu.memref_slice %arg7[%dma_start3A_792, %dma_start3A_796] : memref<16x200xi32, #tpu.memory_space<vmem>> -> memref<1x128xi32, #tpu.memory_space<vmem>>
        %dma_start3A_798 = tpu.memref_squeeze %dma_start3A_797 : memref<1x128xi32, #tpu.memory_space<vmem>> -> memref<128xi32, #tpu.memory_space<vmem>>
        %dma_start3A_799 = arith.constant 0 : i32
        %dma_start3A_800 = arith.constant 0 : i32
        %dma_start3A_801 = tpu.memref_slice %arg5[%dma_start3A_799, %dma_start3A_800] : memref<1000x128xf32, #tpu.memory_space<vmem_shared>> -> memref<1000x128xf32, #tpu.memory_space<vmem_shared>>
        tpu.enqueue_indirect_dma source(%dma_start3A_801 : memref<1000x128xf32, #tpu.memory_space<vmem_shared>>) target(%dma_start3A_795 : memref<128x128xf32, #tpu.memory_space<vmem>>) offsets(%dma_start3A_798 : memref<128xi32, #tpu.memory_space<vmem>>) semaphore(%arg14 : memref<!tpu.dma_semaphore, #tpu.memory_space<semaphore_mem>>)
        %dma_start3A_802 = arith.constant 8 : i32
        %dma_start3A_803 = arith.constant 128 : i32
        %dma_start3A_804 = arith.constant 0 : i32
        %dma_start3A_805 = tpu.memref_slice %arg8[%dma_start3A_803, %dma_start3A_804] : memref<200x128xf32, #tpu.memory_space<vmem>> -> memref<72x128xf32, #tpu.memory_space<vmem>>
        %dma_start3A_806 = arith.constant 128 : i32
        %dma_start3A_807 = tpu.memref_slice %arg7[%dma_start3A_802, %dma_start3A_806] : memref<16x200xi32, #tpu.memory_space<vmem>> -> memref<1x72xi32, #tpu.memory_space<vmem>>
        %dma_start3A_808 = tpu.memref_squeeze %dma_start3A_807 : memref<1x72xi32, #tpu.memory_space<vmem>> -> memref<72xi32, #tpu.memory_space<vmem>>
        %dma_start3A_809 = arith.constant 0 : i32
        %dma_start3A_810 = arith.constant 0 : i32
        %dma_start3A_811 = tpu.memref_slice %arg5[%dma_start3A_809, %dma_start3A_810] : memref<1000x128xf32, #tpu.memory_space<vmem_shared>> -> memref<1000x128xf32, #tpu.memory_space<vmem_shared>>
        tpu.enqueue_indirect_dma source(%dma_start3A_811 : memref<1000x128xf32, #tpu.memory_space<vmem_shared>>) target(%dma_start3A_805 : memref<72x128xf32, #tpu.memory_space<vmem>>) offsets(%dma_start3A_808 : memref<72xi32, #tpu.memory_space<vmem>>) semaphore(%arg14 : memref<!tpu.dma_semaphore, #tpu.memory_space<semaphore_mem>>)
      } else {
      }
      %dma_wait3A_594 = arith.constant 0 : i32
      %dma_wait3A_595 = tpu.memref_slice %arg4[%mul3A_4, %dma_wait3A_594] : memref<3276800x128xf32, #tpu.memory_space<hbm>> -> memref<200x128xf32, #tpu.memory_space<hbm>>
      %dma_wait3A_596 = arith.constant 0 : i32
      %dma_wait3A_597 = tpu.memref_slice %arg4[%mul3A_4, %dma_wait3A_596] : memref<3276800x128xf32, #tpu.memory_space<hbm>> -> memref<200x128xf32, #tpu.memory_space<hbm>>
      tpu.wait_dma2 semaphore(%arg17 : memref<!tpu.dma_semaphore, #tpu.memory_space<semaphore_mem>>) src(%dma_wait3A_597 : memref<200x128xf32, #tpu.memory_space<hbm>>) dst(%arg11 : memref<200x128xf32, #tpu.memory_space<vmem>>)
      %mul3A_598 = arith.constant 200 : i32
      %mul3A_599 = arith.muli %add3A_586, %mul3A_598 : i32
      %add3A_600 = arith.addi %mul3A_4, %mul3A_599 : i32
      %dma_start3A_601 = arith.constant 0 : i32
      %dma_start3A_602 = tpu.memref_slice %arg4[%add3A_600, %dma_start3A_601] : memref<3276800x128xf32, #tpu.memory_space<hbm>> -> memref<200x128xf32, #tpu.memory_space<hbm>>
      %dma_start3A_603 = arith.constant 0 : i32
      %dma_start3A_604 = tpu.memref_slice %arg4[%add3A_600, %dma_start3A_603] : memref<3276800x128xf32, #tpu.memory_space<hbm>> -> memref<200x128xf32, #tpu.memory_space<hbm>>
      tpu.enqueue_dma source(%arg11 : memref<200x128xf32, #tpu.memory_space<vmem>>) target(%dma_start3A_604 : memref<200x128xf32, #tpu.memory_space<hbm>>) target_semaphore(%arg21 : memref<!tpu.dma_semaphore, #tpu.memory_space<semaphore_mem>>)
      %mul3A_605 = arith.constant 16 : i32
      %mul3A_606 = arith.muli %add3A_428, %mul3A_605 : i32
      %add3A_607 = arith.constant 8 : i32
      %add3A_608 = arith.addi %mul3A_606, %add3A_607 : i32
      %add3A_609 = arith.constant 1 : i32
      %add3A_610 = arith.addi %add3A_608, %add3A_609 : i32
      %lt3A_611 = arith.constant 512 : i32
      %lt3A_612 = arith.cmpi slt, %add3A_610, %lt3A_611 : i32
      %convert_element_type3A_613 = arith.extui %lt3A_612 : i1 to i32
      %cond3A_614 = arith.constant 0 : i32
      %cond3A_615 = arith.cmpi ne, %convert_element_type3A_613, %cond3A_614 : i32
      scf.if %cond3A_615 {
        %ge3A = arith.constant 3 : i32
        %ge3A_788 = arith.cmpi sge, %add3A_608, %ge3A : i32
        %convert_element_type3A_789 = arith.extui %ge3A_788 : i1 to i32
        %cond3A_790 = arith.constant 0 : i32
        %cond3A_791 = arith.cmpi ne, %convert_element_type3A_789, %cond3A_790 : i32
        scf.if %cond3A_791 {
          %dma_wait3A_812 = arith.constant 0 : i32
          %dma_wait3A_813 = tpu.memref_slice %arg4[%mul3A_4, %dma_wait3A_812] : memref<3276800x128xf32, #tpu.memory_space<hbm>> -> memref<200x128xf32, #tpu.memory_space<hbm>>
          %dma_wait3A_814 = arith.constant 0 : i32
          %dma_wait3A_815 = tpu.memref_slice %arg4[%mul3A_4, %dma_wait3A_814] : memref<3276800x128xf32, #tpu.memory_space<hbm>> -> memref<200x128xf32, #tpu.memory_space<hbm>>
          tpu.wait_dma2 semaphore(%arg19 : memref<!tpu.dma_semaphore, #tpu.memory_space<semaphore_mem>>) src(%arg9 : memref<200x128xf32, #tpu.memory_space<vmem>>) dst(%dma_wait3A_815 : memref<200x128xf32, #tpu.memory_space<hbm>>)
        } else {
        }
        %dma_start3A_792 = arith.constant 9 : i32
        %dma_start3A_793 = arith.constant 0 : i32
        %dma_start3A_794 = arith.constant 0 : i32
        %dma_start3A_795 = tpu.memref_slice %arg9[%dma_start3A_793, %dma_start3A_794] : memref<200x128xf32, #tpu.memory_space<vmem>> -> memref<128x128xf32, #tpu.memory_space<vmem>>
        %dma_start3A_796 = arith.constant 0 : i32
        %dma_start3A_797 = tpu.memref_slice %arg7[%dma_start3A_792, %dma_start3A_796] : memref<16x200xi32, #tpu.memory_space<vmem>> -> memref<1x128xi32, #tpu.memory_space<vmem>>
        %dma_start3A_798 = tpu.memref_squeeze %dma_start3A_797 : memref<1x128xi32, #tpu.memory_space<vmem>> -> memref<128xi32, #tpu.memory_space<vmem>>
        %dma_start3A_799 = arith.constant 0 : i32
        %dma_start3A_800 = arith.constant 0 : i32
        %dma_start3A_801 = tpu.memref_slice %arg5[%dma_start3A_799, %dma_start3A_800] : memref<1000x128xf32, #tpu.memory_space<vmem_shared>> -> memref<1000x128xf32, #tpu.memory_space<vmem_shared>>
        tpu.enqueue_indirect_dma source(%dma_start3A_801 : memref<1000x128xf32, #tpu.memory_space<vmem_shared>>) target(%dma_start3A_795 : memref<128x128xf32, #tpu.memory_space<vmem>>) offsets(%dma_start3A_798 : memref<128xi32, #tpu.memory_space<vmem>>) semaphore(%arg15 : memref<!tpu.dma_semaphore, #tpu.memory_space<semaphore_mem>>)
        %dma_start3A_802 = arith.constant 9 : i32
        %dma_start3A_803 = arith.constant 128 : i32
        %dma_start3A_804 = arith.constant 0 : i32
        %dma_start3A_805 = tpu.memref_slice %arg9[%dma_start3A_803, %dma_start3A_804] : memref<200x128xf32, #tpu.memory_space<vmem>> -> memref<72x128xf32, #tpu.memory_space<vmem>>
        %dma_start3A_806 = arith.constant 128 : i32
        %dma_start3A_807 = tpu.memref_slice %arg7[%dma_start3A_802, %dma_start3A_806] : memref<16x200xi32, #tpu.memory_space<vmem>> -> memref<1x72xi32, #tpu.memory_space<vmem>>
        %dma_start3A_808 = tpu.memref_squeeze %dma_start3A_807 : memref<1x72xi32, #tpu.memory_space<vmem>> -> memref<72xi32, #tpu.memory_space<vmem>>
        %dma_start3A_809 = arith.constant 0 : i32
        %dma_start3A_810 = arith.constant 0 : i32
        %dma_start3A_811 = tpu.memref_slice %arg5[%dma_start3A_809, %dma_start3A_810] : memref<1000x128xf32, #tpu.memory_space<vmem_shared>> -> memref<1000x128xf32, #tpu.memory_space<vmem_shared>>
        tpu.enqueue_indirect_dma source(%dma_start3A_811 : memref<1000x128xf32, #tpu.memory_space<vmem_shared>>) target(%dma_start3A_805 : memref<72x128xf32, #tpu.memory_space<vmem>>) offsets(%dma_start3A_808 : memref<72xi32, #tpu.memory_space<vmem>>) semaphore(%arg15 : memref<!tpu.dma_semaphore, #tpu.memory_space<semaphore_mem>>)
      } else {
      }
      %dma_wait3A_616 = arith.constant 0 : i32
      %dma_wait3A_617 = tpu.memref_slice %arg4[%mul3A_4, %dma_wait3A_616] : memref<3276800x128xf32, #tpu.memory_space<hbm>> -> memref<200x128xf32, #tpu.memory_space<hbm>>
      %dma_wait3A_618 = arith.constant 0 : i32
      %dma_wait3A_619 = tpu.memref_slice %arg4[%mul3A_4, %dma_wait3A_618] : memref<3276800x128xf32, #tpu.memory_space<hbm>> -> memref<200x128xf32, #tpu.memory_space<hbm>>
      tpu.wait_dma2 semaphore(%arg14 : memref<!tpu.dma_semaphore, #tpu.memory_space<semaphore_mem>>) src(%dma_wait3A_619 : memref<200x128xf32, #tpu.memory_space<hbm>>) dst(%arg8 : memref<200x128xf32, #tpu.memory_space<vmem>>)
      %mul3A_620 = arith.constant 200 : i32
      %mul3A_621 = arith.muli %add3A_608, %mul3A_620 : i32
      %add3A_622 = arith.addi %mul3A_4, %mul3A_621 : i32
      %dma_start3A_623 = arith.constant 0 : i32
      %dma_start3A_624 = tpu.memref_slice %arg4[%add3A_622, %dma_start3A_623] : memref<3276800x128xf32, #tpu.memory_space<hbm>> -> memref<200x128xf32, #tpu.memory_space<hbm>>
      %dma_start3A_625 = arith.constant 0 : i32
      %dma_start3A_626 = tpu.memref_slice %arg4[%add3A_622, %dma_start3A_625] : memref<3276800x128xf32, #tpu.memory_space<hbm>> -> memref<200x128xf32, #tpu.memory_space<hbm>>
      tpu.enqueue_dma source(%arg8 : memref<200x128xf32, #tpu.memory_space<vmem>>) target(%dma_start3A_626 : memref<200x128xf32, #tpu.memory_space<hbm>>) target_semaphore(%arg18 : memref<!tpu.dma_semaphore, #tpu.memory_space<semaphore_mem>>)
      %mul3A_627 = arith.constant 16 : i32
      %mul3A_628 = arith.muli %add3A_428, %mul3A_627 : i32
      %add3A_629 = arith.constant 9 : i32
      %add3A_630 = arith.addi %mul3A_628, %add3A_629 : i32
      %add3A_631 = arith.constant 1 : i32
      %add3A_632 = arith.addi %add3A_630, %add3A_631 : i32
      %lt3A_633 = arith.constant 512 : i32
      %lt3A_634 = arith.cmpi slt, %add3A_632, %lt3A_633 : i32
      %convert_element_type3A_635 = arith.extui %lt3A_634 : i1 to i32
      %cond3A_636 = arith.constant 0 : i32
      %cond3A_637 = arith.cmpi ne, %convert_element_type3A_635, %cond3A_636 : i32
      scf.if %cond3A_637 {
        %ge3A = arith.constant 3 : i32
        %ge3A_788 = arith.cmpi sge, %add3A_630, %ge3A : i32
        %convert_element_type3A_789 = arith.extui %ge3A_788 : i1 to i32
        %cond3A_790 = arith.constant 0 : i32
        %cond3A_791 = arith.cmpi ne, %convert_element_type3A_789, %cond3A_790 : i32
        scf.if %cond3A_791 {
          %dma_wait3A_812 = arith.constant 0 : i32
          %dma_wait3A_813 = tpu.memref_slice %arg4[%mul3A_4, %dma_wait3A_812] : memref<3276800x128xf32, #tpu.memory_space<hbm>> -> memref<200x128xf32, #tpu.memory_space<hbm>>
          %dma_wait3A_814 = arith.constant 0 : i32
          %dma_wait3A_815 = tpu.memref_slice %arg4[%mul3A_4, %dma_wait3A_814] : memref<3276800x128xf32, #tpu.memory_space<hbm>> -> memref<200x128xf32, #tpu.memory_space<hbm>>
          tpu.wait_dma2 semaphore(%arg20 : memref<!tpu.dma_semaphore, #tpu.memory_space<semaphore_mem>>) src(%arg10 : memref<200x128xf32, #tpu.memory_space<vmem>>) dst(%dma_wait3A_815 : memref<200x128xf32, #tpu.memory_space<hbm>>)
        } else {
        }
        %dma_start3A_792 = arith.constant 10 : i32
        %dma_start3A_793 = arith.constant 0 : i32
        %dma_start3A_794 = arith.constant 0 : i32
        %dma_start3A_795 = tpu.memref_slice %arg10[%dma_start3A_793, %dma_start3A_794] : memref<200x128xf32, #tpu.memory_space<vmem>> -> memref<128x128xf32, #tpu.memory_space<vmem>>
        %dma_start3A_796 = arith.constant 0 : i32
        %dma_start3A_797 = tpu.memref_slice %arg7[%dma_start3A_792, %dma_start3A_796] : memref<16x200xi32, #tpu.memory_space<vmem>> -> memref<1x128xi32, #tpu.memory_space<vmem>>
        %dma_start3A_798 = tpu.memref_squeeze %dma_start3A_797 : memref<1x128xi32, #tpu.memory_space<vmem>> -> memref<128xi32, #tpu.memory_space<vmem>>
        %dma_start3A_799 = arith.constant 0 : i32
        %dma_start3A_800 = arith.constant 0 : i32
        %dma_start3A_801 = tpu.memref_slice %arg5[%dma_start3A_799, %dma_start3A_800] : memref<1000x128xf32, #tpu.memory_space<vmem_shared>> -> memref<1000x128xf32, #tpu.memory_space<vmem_shared>>
        tpu.enqueue_indirect_dma source(%dma_start3A_801 : memref<1000x128xf32, #tpu.memory_space<vmem_shared>>) target(%dma_start3A_795 : memref<128x128xf32, #tpu.memory_space<vmem>>) offsets(%dma_start3A_798 : memref<128xi32, #tpu.memory_space<vmem>>) semaphore(%arg16 : memref<!tpu.dma_semaphore, #tpu.memory_space<semaphore_mem>>)
        %dma_start3A_802 = arith.constant 10 : i32
        %dma_start3A_803 = arith.constant 128 : i32
        %dma_start3A_804 = arith.constant 0 : i32
        %dma_start3A_805 = tpu.memref_slice %arg10[%dma_start3A_803, %dma_start3A_804] : memref<200x128xf32, #tpu.memory_space<vmem>> -> memref<72x128xf32, #tpu.memory_space<vmem>>
        %dma_start3A_806 = arith.constant 128 : i32
        %dma_start3A_807 = tpu.memref_slice %arg7[%dma_start3A_802, %dma_start3A_806] : memref<16x200xi32, #tpu.memory_space<vmem>> -> memref<1x72xi32, #tpu.memory_space<vmem>>
        %dma_start3A_808 = tpu.memref_squeeze %dma_start3A_807 : memref<1x72xi32, #tpu.memory_space<vmem>> -> memref<72xi32, #tpu.memory_space<vmem>>
        %dma_start3A_809 = arith.constant 0 : i32
        %dma_start3A_810 = arith.constant 0 : i32
        %dma_start3A_811 = tpu.memref_slice %arg5[%dma_start3A_809, %dma_start3A_810] : memref<1000x128xf32, #tpu.memory_space<vmem_shared>> -> memref<1000x128xf32, #tpu.memory_space<vmem_shared>>
        tpu.enqueue_indirect_dma source(%dma_start3A_811 : memref<1000x128xf32, #tpu.memory_space<vmem_shared>>) target(%dma_start3A_805 : memref<72x128xf32, #tpu.memory_space<vmem>>) offsets(%dma_start3A_808 : memref<72xi32, #tpu.memory_space<vmem>>) semaphore(%arg16 : memref<!tpu.dma_semaphore, #tpu.memory_space<semaphore_mem>>)
      } else {
      }
      %dma_wait3A_638 = arith.constant 0 : i32
      %dma_wait3A_639 = tpu.memref_slice %arg4[%mul3A_4, %dma_wait3A_638] : memref<3276800x128xf32, #tpu.memory_space<hbm>> -> memref<200x128xf32, #tpu.memory_space<hbm>>
      %dma_wait3A_640 = arith.constant 0 : i32
      %dma_wait3A_641 = tpu.memref_slice %arg4[%mul3A_4, %dma_wait3A_640] : memref<3276800x128xf32, #tpu.memory_space<hbm>> -> memref<200x128xf32, #tpu.memory_space<hbm>>
      tpu.wait_dma2 semaphore(%arg15 : memref<!tpu.dma_semaphore, #tpu.memory_space<semaphore_mem>>) src(%dma_wait3A_641 : memref<200x128xf32, #tpu.memory_space<hbm>>) dst(%arg9 : memref<200x128xf32, #tpu.memory_space<vmem>>)
      %mul3A_642 = arith.constant 200 : i32
      %mul3A_643 = arith.muli %add3A_630, %mul3A_642 : i32
      %add3A_644 = arith.addi %mul3A_4, %mul3A_643 : i32
      %dma_start3A_645 = arith.constant 0 : i32
      %dma_start3A_646 = tpu.memref_slice %arg4[%add3A_644, %dma_start3A_645] : memref<3276800x128xf32, #tpu.memory_space<hbm>> -> memref<200x128xf32, #tpu.memory_space<hbm>>
      %dma_start3A_647 = arith.constant 0 : i32
      %dma_start3A_648 = tpu.memref_slice %arg4[%add3A_644, %dma_start3A_647] : memref<3276800x128xf32, #tpu.memory_space<hbm>> -> memref<200x128xf32, #tpu.memory_space<hbm>>
      tpu.enqueue_dma source(%arg9 : memref<200x128xf32, #tpu.memory_space<vmem>>) target(%dma_start3A_648 : memref<200x128xf32, #tpu.memory_space<hbm>>) target_semaphore(%arg19 : memref<!tpu.dma_semaphore, #tpu.memory_space<semaphore_mem>>)
      %mul3A_649 = arith.constant 16 : i32
      %mul3A_650 = arith.muli %add3A_428, %mul3A_649 : i32
      %add3A_651 = arith.constant 10 : i32
      %add3A_652 = arith.addi %mul3A_650, %add3A_651 : i32
      %add3A_653 = arith.constant 1 : i32
      %add3A_654 = arith.addi %add3A_652, %add3A_653 : i32
      %lt3A_655 = arith.constant 512 : i32
      %lt3A_656 = arith.cmpi slt, %add3A_654, %lt3A_655 : i32
      %convert_element_type3A_657 = arith.extui %lt3A_656 : i1 to i32
      %cond3A_658 = arith.constant 0 : i32
      %cond3A_659 = arith.cmpi ne, %convert_element_type3A_657, %cond3A_658 : i32
      scf.if %cond3A_659 {
        %ge3A = arith.constant 3 : i32
        %ge3A_788 = arith.cmpi sge, %add3A_652, %ge3A : i32
        %convert_element_type3A_789 = arith.extui %ge3A_788 : i1 to i32
        %cond3A_790 = arith.constant 0 : i32
        %cond3A_791 = arith.cmpi ne, %convert_element_type3A_789, %cond3A_790 : i32
        scf.if %cond3A_791 {
          %dma_wait3A_812 = arith.constant 0 : i32
          %dma_wait3A_813 = tpu.memref_slice %arg4[%mul3A_4, %dma_wait3A_812] : memref<3276800x128xf32, #tpu.memory_space<hbm>> -> memref<200x128xf32, #tpu.memory_space<hbm>>
          %dma_wait3A_814 = arith.constant 0 : i32
          %dma_wait3A_815 = tpu.memref_slice %arg4[%mul3A_4, %dma_wait3A_814] : memref<3276800x128xf32, #tpu.memory_space<hbm>> -> memref<200x128xf32, #tpu.memory_space<hbm>>
          tpu.wait_dma2 semaphore(%arg21 : memref<!tpu.dma_semaphore, #tpu.memory_space<semaphore_mem>>) src(%arg11 : memref<200x128xf32, #tpu.memory_space<vmem>>) dst(%dma_wait3A_815 : memref<200x128xf32, #tpu.memory_space<hbm>>)
        } else {
        }
        %dma_start3A_792 = arith.constant 11 : i32
        %dma_start3A_793 = arith.constant 0 : i32
        %dma_start3A_794 = arith.constant 0 : i32
        %dma_start3A_795 = tpu.memref_slice %arg11[%dma_start3A_793, %dma_start3A_794] : memref<200x128xf32, #tpu.memory_space<vmem>> -> memref<128x128xf32, #tpu.memory_space<vmem>>
        %dma_start3A_796 = arith.constant 0 : i32
        %dma_start3A_797 = tpu.memref_slice %arg7[%dma_start3A_792, %dma_start3A_796] : memref<16x200xi32, #tpu.memory_space<vmem>> -> memref<1x128xi32, #tpu.memory_space<vmem>>
        %dma_start3A_798 = tpu.memref_squeeze %dma_start3A_797 : memref<1x128xi32, #tpu.memory_space<vmem>> -> memref<128xi32, #tpu.memory_space<vmem>>
        %dma_start3A_799 = arith.constant 0 : i32
        %dma_start3A_800 = arith.constant 0 : i32
        %dma_start3A_801 = tpu.memref_slice %arg5[%dma_start3A_799, %dma_start3A_800] : memref<1000x128xf32, #tpu.memory_space<vmem_shared>> -> memref<1000x128xf32, #tpu.memory_space<vmem_shared>>
        tpu.enqueue_indirect_dma source(%dma_start3A_801 : memref<1000x128xf32, #tpu.memory_space<vmem_shared>>) target(%dma_start3A_795 : memref<128x128xf32, #tpu.memory_space<vmem>>) offsets(%dma_start3A_798 : memref<128xi32, #tpu.memory_space<vmem>>) semaphore(%arg17 : memref<!tpu.dma_semaphore, #tpu.memory_space<semaphore_mem>>)
        %dma_start3A_802 = arith.constant 11 : i32
        %dma_start3A_803 = arith.constant 128 : i32
        %dma_start3A_804 = arith.constant 0 : i32
        %dma_start3A_805 = tpu.memref_slice %arg11[%dma_start3A_803, %dma_start3A_804] : memref<200x128xf32, #tpu.memory_space<vmem>> -> memref<72x128xf32, #tpu.memory_space<vmem>>
        %dma_start3A_806 = arith.constant 128 : i32
        %dma_start3A_807 = tpu.memref_slice %arg7[%dma_start3A_802, %dma_start3A_806] : memref<16x200xi32, #tpu.memory_space<vmem>> -> memref<1x72xi32, #tpu.memory_space<vmem>>
        %dma_start3A_808 = tpu.memref_squeeze %dma_start3A_807 : memref<1x72xi32, #tpu.memory_space<vmem>> -> memref<72xi32, #tpu.memory_space<vmem>>
        %dma_start3A_809 = arith.constant 0 : i32
        %dma_start3A_810 = arith.constant 0 : i32
        %dma_start3A_811 = tpu.memref_slice %arg5[%dma_start3A_809, %dma_start3A_810] : memref<1000x128xf32, #tpu.memory_space<vmem_shared>> -> memref<1000x128xf32, #tpu.memory_space<vmem_shared>>
        tpu.enqueue_indirect_dma source(%dma_start3A_811 : memref<1000x128xf32, #tpu.memory_space<vmem_shared>>) target(%dma_start3A_805 : memref<72x128xf32, #tpu.memory_space<vmem>>) offsets(%dma_start3A_808 : memref<72xi32, #tpu.memory_space<vmem>>) semaphore(%arg17 : memref<!tpu.dma_semaphore, #tpu.memory_space<semaphore_mem>>)
      } else {
      }
      %dma_wait3A_660 = arith.constant 0 : i32
      %dma_wait3A_661 = tpu.memref_slice %arg4[%mul3A_4, %dma_wait3A_660] : memref<3276800x128xf32, #tpu.memory_space<hbm>> -> memref<200x128xf32, #tpu.memory_space<hbm>>
      %dma_wait3A_662 = arith.constant 0 : i32
      %dma_wait3A_663 = tpu.memref_slice %arg4[%mul3A_4, %dma_wait3A_662] : memref<3276800x128xf32, #tpu.memory_space<hbm>> -> memref<200x128xf32, #tpu.memory_space<hbm>>
      tpu.wait_dma2 semaphore(%arg16 : memref<!tpu.dma_semaphore, #tpu.memory_space<semaphore_mem>>) src(%dma_wait3A_663 : memref<200x128xf32, #tpu.memory_space<hbm>>) dst(%arg10 : memref<200x128xf32, #tpu.memory_space<vmem>>)
      %mul3A_664 = arith.constant 200 : i32
      %mul3A_665 = arith.muli %add3A_652, %mul3A_664 : i32
      %add3A_666 = arith.addi %mul3A_4, %mul3A_665 : i32
      %dma_start3A_667 = arith.constant 0 : i32
      %dma_start3A_668 = tpu.memref_slice %arg4[%add3A_666, %dma_start3A_667] : memref<3276800x128xf32, #tpu.memory_space<hbm>> -> memref<200x128xf32, #tpu.memory_space<hbm>>
      %dma_start3A_669 = arith.constant 0 : i32
      %dma_start3A_670 = tpu.memref_slice %arg4[%add3A_666, %dma_start3A_669] : memref<3276800x128xf32, #tpu.memory_space<hbm>> -> memref<200x128xf32, #tpu.memory_space<hbm>>
      tpu.enqueue_dma source(%arg10 : memref<200x128xf32, #tpu.memory_space<vmem>>) target(%dma_start3A_670 : memref<200x128xf32, #tpu.memory_space<hbm>>) target_semaphore(%arg20 : memref<!tpu.dma_semaphore, #tpu.memory_space<semaphore_mem>>)
      %mul3A_671 = arith.constant 16 : i32
      %mul3A_672 = arith.muli %add3A_428, %mul3A_671 : i32
      %add3A_673 = arith.constant 11 : i32
      %add3A_674 = arith.addi %mul3A_672, %add3A_673 : i32
      %add3A_675 = arith.constant 1 : i32
      %add3A_676 = arith.addi %add3A_674, %add3A_675 : i32
      %lt3A_677 = arith.constant 512 : i32
      %lt3A_678 = arith.cmpi slt, %add3A_676, %lt3A_677 : i32
      %convert_element_type3A_679 = arith.extui %lt3A_678 : i1 to i32
      %cond3A_680 = arith.constant 0 : i32
      %cond3A_681 = arith.cmpi ne, %convert_element_type3A_679, %cond3A_680 : i32
      scf.if %cond3A_681 {
        %ge3A = arith.constant 3 : i32
        %ge3A_788 = arith.cmpi sge, %add3A_674, %ge3A : i32
        %convert_element_type3A_789 = arith.extui %ge3A_788 : i1 to i32
        %cond3A_790 = arith.constant 0 : i32
        %cond3A_791 = arith.cmpi ne, %convert_element_type3A_789, %cond3A_790 : i32
        scf.if %cond3A_791 {
          %dma_wait3A_812 = arith.constant 0 : i32
          %dma_wait3A_813 = tpu.memref_slice %arg4[%mul3A_4, %dma_wait3A_812] : memref<3276800x128xf32, #tpu.memory_space<hbm>> -> memref<200x128xf32, #tpu.memory_space<hbm>>
          %dma_wait3A_814 = arith.constant 0 : i32
          %dma_wait3A_815 = tpu.memref_slice %arg4[%mul3A_4, %dma_wait3A_814] : memref<3276800x128xf32, #tpu.memory_space<hbm>> -> memref<200x128xf32, #tpu.memory_space<hbm>>
          tpu.wait_dma2 semaphore(%arg18 : memref<!tpu.dma_semaphore, #tpu.memory_space<semaphore_mem>>) src(%arg8 : memref<200x128xf32, #tpu.memory_space<vmem>>) dst(%dma_wait3A_815 : memref<200x128xf32, #tpu.memory_space<hbm>>)
        } else {
        }
        %dma_start3A_792 = arith.constant 12 : i32
        %dma_start3A_793 = arith.constant 0 : i32
        %dma_start3A_794 = arith.constant 0 : i32
        %dma_start3A_795 = tpu.memref_slice %arg8[%dma_start3A_793, %dma_start3A_794] : memref<200x128xf32, #tpu.memory_space<vmem>> -> memref<128x128xf32, #tpu.memory_space<vmem>>
        %dma_start3A_796 = arith.constant 0 : i32
        %dma_start3A_797 = tpu.memref_slice %arg7[%dma_start3A_792, %dma_start3A_796] : memref<16x200xi32, #tpu.memory_space<vmem>> -> memref<1x128xi32, #tpu.memory_space<vmem>>
        %dma_start3A_798 = tpu.memref_squeeze %dma_start3A_797 : memref<1x128xi32, #tpu.memory_space<vmem>> -> memref<128xi32, #tpu.memory_space<vmem>>
        %dma_start3A_799 = arith.constant 0 : i32
        %dma_start3A_800 = arith.constant 0 : i32
        %dma_start3A_801 = tpu.memref_slice %arg5[%dma_start3A_799, %dma_start3A_800] : memref<1000x128xf32, #tpu.memory_space<vmem_shared>> -> memref<1000x128xf32, #tpu.memory_space<vmem_shared>>
        tpu.enqueue_indirect_dma source(%dma_start3A_801 : memref<1000x128xf32, #tpu.memory_space<vmem_shared>>) target(%dma_start3A_795 : memref<128x128xf32, #tpu.memory_space<vmem>>) offsets(%dma_start3A_798 : memref<128xi32, #tpu.memory_space<vmem>>) semaphore(%arg14 : memref<!tpu.dma_semaphore, #tpu.memory_space<semaphore_mem>>)
        %dma_start3A_802 = arith.constant 12 : i32
        %dma_start3A_803 = arith.constant 128 : i32
        %dma_start3A_804 = arith.constant 0 : i32
        %dma_start3A_805 = tpu.memref_slice %arg8[%dma_start3A_803, %dma_start3A_804] : memref<200x128xf32, #tpu.memory_space<vmem>> -> memref<72x128xf32, #tpu.memory_space<vmem>>
        %dma_start3A_806 = arith.constant 128 : i32
        %dma_start3A_807 = tpu.memref_slice %arg7[%dma_start3A_802, %dma_start3A_806] : memref<16x200xi32, #tpu.memory_space<vmem>> -> memref<1x72xi32, #tpu.memory_space<vmem>>
        %dma_start3A_808 = tpu.memref_squeeze %dma_start3A_807 : memref<1x72xi32, #tpu.memory_space<vmem>> -> memref<72xi32, #tpu.memory_space<vmem>>
        %dma_start3A_809 = arith.constant 0 : i32
        %dma_start3A_810 = arith.constant 0 : i32
        %dma_start3A_811 = tpu.memref_slice %arg5[%dma_start3A_809, %dma_start3A_810] : memref<1000x128xf32, #tpu.memory_space<vmem_shared>> -> memref<1000x128xf32, #tpu.memory_space<vmem_shared>>
        tpu.enqueue_indirect_dma source(%dma_start3A_811 : memref<1000x128xf32, #tpu.memory_space<vmem_shared>>) target(%dma_start3A_805 : memref<72x128xf32, #tpu.memory_space<vmem>>) offsets(%dma_start3A_808 : memref<72xi32, #tpu.memory_space<vmem>>) semaphore(%arg14 : memref<!tpu.dma_semaphore, #tpu.memory_space<semaphore_mem>>)
      } else {
      }
      %dma_wait3A_682 = arith.constant 0 : i32
      %dma_wait3A_683 = tpu.memref_slice %arg4[%mul3A_4, %dma_wait3A_682] : memref<3276800x128xf32, #tpu.memory_space<hbm>> -> memref<200x128xf32, #tpu.memory_space<hbm>>
      %dma_wait3A_684 = arith.constant 0 : i32
      %dma_wait3A_685 = tpu.memref_slice %arg4[%mul3A_4, %dma_wait3A_684] : memref<3276800x128xf32, #tpu.memory_space<hbm>> -> memref<200x128xf32, #tpu.memory_space<hbm>>
      tpu.wait_dma2 semaphore(%arg17 : memref<!tpu.dma_semaphore, #tpu.memory_space<semaphore_mem>>) src(%dma_wait3A_685 : memref<200x128xf32, #tpu.memory_space<hbm>>) dst(%arg11 : memref<200x128xf32, #tpu.memory_space<vmem>>)
      %mul3A_686 = arith.constant 200 : i32
      %mul3A_687 = arith.muli %add3A_674, %mul3A_686 : i32
      %add3A_688 = arith.addi %mul3A_4, %mul3A_687 : i32
      %dma_start3A_689 = arith.constant 0 : i32
      %dma_start3A_690 = tpu.memref_slice %arg4[%add3A_688, %dma_start3A_689] : memref<3276800x128xf32, #tpu.memory_space<hbm>> -> memref<200x128xf32, #tpu.memory_space<hbm>>
      %dma_start3A_691 = arith.constant 0 : i32
      %dma_start3A_692 = tpu.memref_slice %arg4[%add3A_688, %dma_start3A_691] : memref<3276800x128xf32, #tpu.memory_space<hbm>> -> memref<200x128xf32, #tpu.memory_space<hbm>>
      tpu.enqueue_dma source(%arg11 : memref<200x128xf32, #tpu.memory_space<vmem>>) target(%dma_start3A_692 : memref<200x128xf32, #tpu.memory_space<hbm>>) target_semaphore(%arg21 : memref<!tpu.dma_semaphore, #tpu.memory_space<semaphore_mem>>)
      %mul3A_693 = arith.constant 16 : i32
      %mul3A_694 = arith.muli %add3A_428, %mul3A_693 : i32
      %add3A_695 = arith.constant 12 : i32
      %add3A_696 = arith.addi %mul3A_694, %add3A_695 : i32
      %add3A_697 = arith.constant 1 : i32
      %add3A_698 = arith.addi %add3A_696, %add3A_697 : i32
      %lt3A_699 = arith.constant 512 : i32
      %lt3A_700 = arith.cmpi slt, %add3A_698, %lt3A_699 : i32
      %convert_element_type3A_701 = arith.extui %lt3A_700 : i1 to i32
      %cond3A_702 = arith.constant 0 : i32
      %cond3A_703 = arith.cmpi ne, %convert_element_type3A_701, %cond3A_702 : i32
      scf.if %cond3A_703 {
        %ge3A = arith.constant 3 : i32
        %ge3A_788 = arith.cmpi sge, %add3A_696, %ge3A : i32
        %convert_element_type3A_789 = arith.extui %ge3A_788 : i1 to i32
        %cond3A_790 = arith.constant 0 : i32
        %cond3A_791 = arith.cmpi ne, %convert_element_type3A_789, %cond3A_790 : i32
        scf.if %cond3A_791 {
          %dma_wait3A_812 = arith.constant 0 : i32
          %dma_wait3A_813 = tpu.memref_slice %arg4[%mul3A_4, %dma_wait3A_812] : memref<3276800x128xf32, #tpu.memory_space<hbm>> -> memref<200x128xf32, #tpu.memory_space<hbm>>
          %dma_wait3A_814 = arith.constant 0 : i32
          %dma_wait3A_815 = tpu.memref_slice %arg4[%mul3A_4, %dma_wait3A_814] : memref<3276800x128xf32, #tpu.memory_space<hbm>> -> memref<200x128xf32, #tpu.memory_space<hbm>>
          tpu.wait_dma2 semaphore(%arg19 : memref<!tpu.dma_semaphore, #tpu.memory_space<semaphore_mem>>) src(%arg9 : memref<200x128xf32, #tpu.memory_space<vmem>>) dst(%dma_wait3A_815 : memref<200x128xf32, #tpu.memory_space<hbm>>)
        } else {
        }
        %dma_start3A_792 = arith.constant 13 : i32
        %dma_start3A_793 = arith.constant 0 : i32
        %dma_start3A_794 = arith.constant 0 : i32
        %dma_start3A_795 = tpu.memref_slice %arg9[%dma_start3A_793, %dma_start3A_794] : memref<200x128xf32, #tpu.memory_space<vmem>> -> memref<128x128xf32, #tpu.memory_space<vmem>>
        %dma_start3A_796 = arith.constant 0 : i32
        %dma_start3A_797 = tpu.memref_slice %arg7[%dma_start3A_792, %dma_start3A_796] : memref<16x200xi32, #tpu.memory_space<vmem>> -> memref<1x128xi32, #tpu.memory_space<vmem>>
        %dma_start3A_798 = tpu.memref_squeeze %dma_start3A_797 : memref<1x128xi32, #tpu.memory_space<vmem>> -> memref<128xi32, #tpu.memory_space<vmem>>
        %dma_start3A_799 = arith.constant 0 : i32
        %dma_start3A_800 = arith.constant 0 : i32
        %dma_start3A_801 = tpu.memref_slice %arg5[%dma_start3A_799, %dma_start3A_800] : memref<1000x128xf32, #tpu.memory_space<vmem_shared>> -> memref<1000x128xf32, #tpu.memory_space<vmem_shared>>
        tpu.enqueue_indirect_dma source(%dma_start3A_801 : memref<1000x128xf32, #tpu.memory_space<vmem_shared>>) target(%dma_start3A_795 : memref<128x128xf32, #tpu.memory_space<vmem>>) offsets(%dma_start3A_798 : memref<128xi32, #tpu.memory_space<vmem>>) semaphore(%arg15 : memref<!tpu.dma_semaphore, #tpu.memory_space<semaphore_mem>>)
        %dma_start3A_802 = arith.constant 13 : i32
        %dma_start3A_803 = arith.constant 128 : i32
        %dma_start3A_804 = arith.constant 0 : i32
        %dma_start3A_805 = tpu.memref_slice %arg9[%dma_start3A_803, %dma_start3A_804] : memref<200x128xf32, #tpu.memory_space<vmem>> -> memref<72x128xf32, #tpu.memory_space<vmem>>
        %dma_start3A_806 = arith.constant 128 : i32
        %dma_start3A_807 = tpu.memref_slice %arg7[%dma_start3A_802, %dma_start3A_806] : memref<16x200xi32, #tpu.memory_space<vmem>> -> memref<1x72xi32, #tpu.memory_space<vmem>>
        %dma_start3A_808 = tpu.memref_squeeze %dma_start3A_807 : memref<1x72xi32, #tpu.memory_space<vmem>> -> memref<72xi32, #tpu.memory_space<vmem>>
        %dma_start3A_809 = arith.constant 0 : i32
        %dma_start3A_810 = arith.constant 0 : i32
        %dma_start3A_811 = tpu.memref_slice %arg5[%dma_start3A_809, %dma_start3A_810] : memref<1000x128xf32, #tpu.memory_space<vmem_shared>> -> memref<1000x128xf32, #tpu.memory_space<vmem_shared>>
        tpu.enqueue_indirect_dma source(%dma_start3A_811 : memref<1000x128xf32, #tpu.memory_space<vmem_shared>>) target(%dma_start3A_805 : memref<72x128xf32, #tpu.memory_space<vmem>>) offsets(%dma_start3A_808 : memref<72xi32, #tpu.memory_space<vmem>>) semaphore(%arg15 : memref<!tpu.dma_semaphore, #tpu.memory_space<semaphore_mem>>)
      } else {
      }
      %dma_wait3A_704 = arith.constant 0 : i32
      %dma_wait3A_705 = tpu.memref_slice %arg4[%mul3A_4, %dma_wait3A_704] : memref<3276800x128xf32, #tpu.memory_space<hbm>> -> memref<200x128xf32, #tpu.memory_space<hbm>>
      %dma_wait3A_706 = arith.constant 0 : i32
      %dma_wait3A_707 = tpu.memref_slice %arg4[%mul3A_4, %dma_wait3A_706] : memref<3276800x128xf32, #tpu.memory_space<hbm>> -> memref<200x128xf32, #tpu.memory_space<hbm>>
      tpu.wait_dma2 semaphore(%arg14 : memref<!tpu.dma_semaphore, #tpu.memory_space<semaphore_mem>>) src(%dma_wait3A_707 : memref<200x128xf32, #tpu.memory_space<hbm>>) dst(%arg8 : memref<200x128xf32, #tpu.memory_space<vmem>>)
      %mul3A_708 = arith.constant 200 : i32
      %mul3A_709 = arith.muli %add3A_696, %mul3A_708 : i32
      %add3A_710 = arith.addi %mul3A_4, %mul3A_709 : i32
      %dma_start3A_711 = arith.constant 0 : i32
      %dma_start3A_712 = tpu.memref_slice %arg4[%add3A_710, %dma_start3A_711] : memref<3276800x128xf32, #tpu.memory_space<hbm>> -> memref<200x128xf32, #tpu.memory_space<hbm>>
      %dma_start3A_713 = arith.constant 0 : i32
      %dma_start3A_714 = tpu.memref_slice %arg4[%add3A_710, %dma_start3A_713] : memref<3276800x128xf32, #tpu.memory_space<hbm>> -> memref<200x128xf32, #tpu.memory_space<hbm>>
      tpu.enqueue_dma source(%arg8 : memref<200x128xf32, #tpu.memory_space<vmem>>) target(%dma_start3A_714 : memref<200x128xf32, #tpu.memory_space<hbm>>) target_semaphore(%arg18 : memref<!tpu.dma_semaphore, #tpu.memory_space<semaphore_mem>>)
      %mul3A_715 = arith.constant 16 : i32
      %mul3A_716 = arith.muli %add3A_428, %mul3A_715 : i32
      %add3A_717 = arith.constant 13 : i32
      %add3A_718 = arith.addi %mul3A_716, %add3A_717 : i32
      %add3A_719 = arith.constant 1 : i32
      %add3A_720 = arith.addi %add3A_718, %add3A_719 : i32
      %lt3A_721 = arith.constant 512 : i32
      %lt3A_722 = arith.cmpi slt, %add3A_720, %lt3A_721 : i32
      %convert_element_type3A_723 = arith.extui %lt3A_722 : i1 to i32
      %cond3A_724 = arith.constant 0 : i32
      %cond3A_725 = arith.cmpi ne, %convert_element_type3A_723, %cond3A_724 : i32
      scf.if %cond3A_725 {
        %ge3A = arith.constant 3 : i32
        %ge3A_788 = arith.cmpi sge, %add3A_718, %ge3A : i32
        %convert_element_type3A_789 = arith.extui %ge3A_788 : i1 to i32
        %cond3A_790 = arith.constant 0 : i32
        %cond3A_791 = arith.cmpi ne, %convert_element_type3A_789, %cond3A_790 : i32
        scf.if %cond3A_791 {
          %dma_wait3A_812 = arith.constant 0 : i32
          %dma_wait3A_813 = tpu.memref_slice %arg4[%mul3A_4, %dma_wait3A_812] : memref<3276800x128xf32, #tpu.memory_space<hbm>> -> memref<200x128xf32, #tpu.memory_space<hbm>>
          %dma_wait3A_814 = arith.constant 0 : i32
          %dma_wait3A_815 = tpu.memref_slice %arg4[%mul3A_4, %dma_wait3A_814] : memref<3276800x128xf32, #tpu.memory_space<hbm>> -> memref<200x128xf32, #tpu.memory_space<hbm>>
          tpu.wait_dma2 semaphore(%arg20 : memref<!tpu.dma_semaphore, #tpu.memory_space<semaphore_mem>>) src(%arg10 : memref<200x128xf32, #tpu.memory_space<vmem>>) dst(%dma_wait3A_815 : memref<200x128xf32, #tpu.memory_space<hbm>>)
        } else {
        }
        %dma_start3A_792 = arith.constant 14 : i32
        %dma_start3A_793 = arith.constant 0 : i32
        %dma_start3A_794 = arith.constant 0 : i32
        %dma_start3A_795 = tpu.memref_slice %arg10[%dma_start3A_793, %dma_start3A_794] : memref<200x128xf32, #tpu.memory_space<vmem>> -> memref<128x128xf32, #tpu.memory_space<vmem>>
        %dma_start3A_796 = arith.constant 0 : i32
        %dma_start3A_797 = tpu.memref_slice %arg7[%dma_start3A_792, %dma_start3A_796] : memref<16x200xi32, #tpu.memory_space<vmem>> -> memref<1x128xi32, #tpu.memory_space<vmem>>
        %dma_start3A_798 = tpu.memref_squeeze %dma_start3A_797 : memref<1x128xi32, #tpu.memory_space<vmem>> -> memref<128xi32, #tpu.memory_space<vmem>>
        %dma_start3A_799 = arith.constant 0 : i32
        %dma_start3A_800 = arith.constant 0 : i32
        %dma_start3A_801 = tpu.memref_slice %arg5[%dma_start3A_799, %dma_start3A_800] : memref<1000x128xf32, #tpu.memory_space<vmem_shared>> -> memref<1000x128xf32, #tpu.memory_space<vmem_shared>>
        tpu.enqueue_indirect_dma source(%dma_start3A_801 : memref<1000x128xf32, #tpu.memory_space<vmem_shared>>) target(%dma_start3A_795 : memref<128x128xf32, #tpu.memory_space<vmem>>) offsets(%dma_start3A_798 : memref<128xi32, #tpu.memory_space<vmem>>) semaphore(%arg16 : memref<!tpu.dma_semaphore, #tpu.memory_space<semaphore_mem>>)
        %dma_start3A_802 = arith.constant 14 : i32
        %dma_start3A_803 = arith.constant 128 : i32
        %dma_start3A_804 = arith.constant 0 : i32
        %dma_start3A_805 = tpu.memref_slice %arg10[%dma_start3A_803, %dma_start3A_804] : memref<200x128xf32, #tpu.memory_space<vmem>> -> memref<72x128xf32, #tpu.memory_space<vmem>>
        %dma_start3A_806 = arith.constant 128 : i32
        %dma_start3A_807 = tpu.memref_slice %arg7[%dma_start3A_802, %dma_start3A_806] : memref<16x200xi32, #tpu.memory_space<vmem>> -> memref<1x72xi32, #tpu.memory_space<vmem>>
        %dma_start3A_808 = tpu.memref_squeeze %dma_start3A_807 : memref<1x72xi32, #tpu.memory_space<vmem>> -> memref<72xi32, #tpu.memory_space<vmem>>
        %dma_start3A_809 = arith.constant 0 : i32
        %dma_start3A_810 = arith.constant 0 : i32
        %dma_start3A_811 = tpu.memref_slice %arg5[%dma_start3A_809, %dma_start3A_810] : memref<1000x128xf32, #tpu.memory_space<vmem_shared>> -> memref<1000x128xf32, #tpu.memory_space<vmem_shared>>
        tpu.enqueue_indirect_dma source(%dma_start3A_811 : memref<1000x128xf32, #tpu.memory_space<vmem_shared>>) target(%dma_start3A_805 : memref<72x128xf32, #tpu.memory_space<vmem>>) offsets(%dma_start3A_808 : memref<72xi32, #tpu.memory_space<vmem>>) semaphore(%arg16 : memref<!tpu.dma_semaphore, #tpu.memory_space<semaphore_mem>>)
      } else {
      }
      %dma_wait3A_726 = arith.constant 0 : i32
      %dma_wait3A_727 = tpu.memref_slice %arg4[%mul3A_4, %dma_wait3A_726] : memref<3276800x128xf32, #tpu.memory_space<hbm>> -> memref<200x128xf32, #tpu.memory_space<hbm>>
      %dma_wait3A_728 = arith.constant 0 : i32
      %dma_wait3A_729 = tpu.memref_slice %arg4[%mul3A_4, %dma_wait3A_728] : memref<3276800x128xf32, #tpu.memory_space<hbm>> -> memref<200x128xf32, #tpu.memory_space<hbm>>
      tpu.wait_dma2 semaphore(%arg15 : memref<!tpu.dma_semaphore, #tpu.memory_space<semaphore_mem>>) src(%dma_wait3A_729 : memref<200x128xf32, #tpu.memory_space<hbm>>) dst(%arg9 : memref<200x128xf32, #tpu.memory_space<vmem>>)
      %mul3A_730 = arith.constant 200 : i32
      %mul3A_731 = arith.muli %add3A_718, %mul3A_730 : i32
      %add3A_732 = arith.addi %mul3A_4, %mul3A_731 : i32
      %dma_start3A_733 = arith.constant 0 : i32
      %dma_start3A_734 = tpu.memref_slice %arg4[%add3A_732, %dma_start3A_733] : memref<3276800x128xf32, #tpu.memory_space<hbm>> -> memref<200x128xf32, #tpu.memory_space<hbm>>
      %dma_start3A_735 = arith.constant 0 : i32
      %dma_start3A_736 = tpu.memref_slice %arg4[%add3A_732, %dma_start3A_735] : memref<3276800x128xf32, #tpu.memory_space<hbm>> -> memref<200x128xf32, #tpu.memory_space<hbm>>
      tpu.enqueue_dma source(%arg9 : memref<200x128xf32, #tpu.memory_space<vmem>>) target(%dma_start3A_736 : memref<200x128xf32, #tpu.memory_space<hbm>>) target_semaphore(%arg19 : memref<!tpu.dma_semaphore, #tpu.memory_space<semaphore_mem>>)
      %mul3A_737 = arith.constant 16 : i32
      %mul3A_738 = arith.muli %add3A_428, %mul3A_737 : i32
      %add3A_739 = arith.constant 14 : i32
      %add3A_740 = arith.addi %mul3A_738, %add3A_739 : i32
      %add3A_741 = arith.constant 1 : i32
      %add3A_742 = arith.addi %add3A_740, %add3A_741 : i32
      %lt3A_743 = arith.constant 512 : i32
      %lt3A_744 = arith.cmpi slt, %add3A_742, %lt3A_743 : i32
      %convert_element_type3A_745 = arith.extui %lt3A_744 : i1 to i32
      %cond3A_746 = arith.constant 0 : i32
      %cond3A_747 = arith.cmpi ne, %convert_element_type3A_745, %cond3A_746 : i32
      scf.if %cond3A_747 {
        %ge3A = arith.constant 3 : i32
        %ge3A_788 = arith.cmpi sge, %add3A_740, %ge3A : i32
        %convert_element_type3A_789 = arith.extui %ge3A_788 : i1 to i32
        %cond3A_790 = arith.constant 0 : i32
        %cond3A_791 = arith.cmpi ne, %convert_element_type3A_789, %cond3A_790 : i32
        scf.if %cond3A_791 {
          %dma_wait3A_812 = arith.constant 0 : i32
          %dma_wait3A_813 = tpu.memref_slice %arg4[%mul3A_4, %dma_wait3A_812] : memref<3276800x128xf32, #tpu.memory_space<hbm>> -> memref<200x128xf32, #tpu.memory_space<hbm>>
          %dma_wait3A_814 = arith.constant 0 : i32
          %dma_wait3A_815 = tpu.memref_slice %arg4[%mul3A_4, %dma_wait3A_814] : memref<3276800x128xf32, #tpu.memory_space<hbm>> -> memref<200x128xf32, #tpu.memory_space<hbm>>
          tpu.wait_dma2 semaphore(%arg21 : memref<!tpu.dma_semaphore, #tpu.memory_space<semaphore_mem>>) src(%arg11 : memref<200x128xf32, #tpu.memory_space<vmem>>) dst(%dma_wait3A_815 : memref<200x128xf32, #tpu.memory_space<hbm>>)
        } else {
        }
        %dma_start3A_792 = arith.constant 15 : i32
        %dma_start3A_793 = arith.constant 0 : i32
        %dma_start3A_794 = arith.constant 0 : i32
        %dma_start3A_795 = tpu.memref_slice %arg11[%dma_start3A_793, %dma_start3A_794] : memref<200x128xf32, #tpu.memory_space<vmem>> -> memref<128x128xf32, #tpu.memory_space<vmem>>
        %dma_start3A_796 = arith.constant 0 : i32
        %dma_start3A_797 = tpu.memref_slice %arg7[%dma_start3A_792, %dma_start3A_796] : memref<16x200xi32, #tpu.memory_space<vmem>> -> memref<1x128xi32, #tpu.memory_space<vmem>>
        %dma_start3A_798 = tpu.memref_squeeze %dma_start3A_797 : memref<1x128xi32, #tpu.memory_space<vmem>> -> memref<128xi32, #tpu.memory_space<vmem>>
        %dma_start3A_799 = arith.constant 0 : i32
        %dma_start3A_800 = arith.constant 0 : i32
        %dma_start3A_801 = tpu.memref_slice %arg5[%dma_start3A_799, %dma_start3A_800] : memref<1000x128xf32, #tpu.memory_space<vmem_shared>> -> memref<1000x128xf32, #tpu.memory_space<vmem_shared>>
        tpu.enqueue_indirect_dma source(%dma_start3A_801 : memref<1000x128xf32, #tpu.memory_space<vmem_shared>>) target(%dma_start3A_795 : memref<128x128xf32, #tpu.memory_space<vmem>>) offsets(%dma_start3A_798 : memref<128xi32, #tpu.memory_space<vmem>>) semaphore(%arg17 : memref<!tpu.dma_semaphore, #tpu.memory_space<semaphore_mem>>)
        %dma_start3A_802 = arith.constant 15 : i32
        %dma_start3A_803 = arith.constant 128 : i32
        %dma_start3A_804 = arith.constant 0 : i32
        %dma_start3A_805 = tpu.memref_slice %arg11[%dma_start3A_803, %dma_start3A_804] : memref<200x128xf32, #tpu.memory_space<vmem>> -> memref<72x128xf32, #tpu.memory_space<vmem>>
        %dma_start3A_806 = arith.constant 128 : i32
        %dma_start3A_807 = tpu.memref_slice %arg7[%dma_start3A_802, %dma_start3A_806] : memref<16x200xi32, #tpu.memory_space<vmem>> -> memref<1x72xi32, #tpu.memory_space<vmem>>
        %dma_start3A_808 = tpu.memref_squeeze %dma_start3A_807 : memref<1x72xi32, #tpu.memory_space<vmem>> -> memref<72xi32, #tpu.memory_space<vmem>>
        %dma_start3A_809 = arith.constant 0 : i32
        %dma_start3A_810 = arith.constant 0 : i32
        %dma_start3A_811 = tpu.memref_slice %arg5[%dma_start3A_809, %dma_start3A_810] : memref<1000x128xf32, #tpu.memory_space<vmem_shared>> -> memref<1000x128xf32, #tpu.memory_space<vmem_shared>>
        tpu.enqueue_indirect_dma source(%dma_start3A_811 : memref<1000x128xf32, #tpu.memory_space<vmem_shared>>) target(%dma_start3A_805 : memref<72x128xf32, #tpu.memory_space<vmem>>) offsets(%dma_start3A_808 : memref<72xi32, #tpu.memory_space<vmem>>) semaphore(%arg17 : memref<!tpu.dma_semaphore, #tpu.memory_space<semaphore_mem>>)
      } else {
      }
      %dma_wait3A_748 = arith.constant 0 : i32
      %dma_wait3A_749 = tpu.memref_slice %arg4[%mul3A_4, %dma_wait3A_748] : memref<3276800x128xf32, #tpu.memory_space<hbm>> -> memref<200x128xf32, #tpu.memory_space<hbm>>
      %dma_wait3A_750 = arith.constant 0 : i32
      %dma_wait3A_751 = tpu.memref_slice %arg4[%mul3A_4, %dma_wait3A_750] : memref<3276800x128xf32, #tpu.memory_space<hbm>> -> memref<200x128xf32, #tpu.memory_space<hbm>>
      tpu.wait_dma2 semaphore(%arg16 : memref<!tpu.dma_semaphore, #tpu.memory_space<semaphore_mem>>) src(%dma_wait3A_751 : memref<200x128xf32, #tpu.memory_space<hbm>>) dst(%arg10 : memref<200x128xf32, #tpu.memory_space<vmem>>)
      %mul3A_752 = arith.constant 200 : i32
      %mul3A_753 = arith.muli %add3A_740, %mul3A_752 : i32
      %add3A_754 = arith.addi %mul3A_4, %mul3A_753 : i32
      %dma_start3A_755 = arith.constant 0 : i32
      %dma_start3A_756 = tpu.memref_slice %arg4[%add3A_754, %dma_start3A_755] : memref<3276800x128xf32, #tpu.memory_space<hbm>> -> memref<200x128xf32, #tpu.memory_space<hbm>>
      %dma_start3A_757 = arith.constant 0 : i32
      %dma_start3A_758 = tpu.memref_slice %arg4[%add3A_754, %dma_start3A_757] : memref<3276800x128xf32, #tpu.memory_space<hbm>> -> memref<200x128xf32, #tpu.memory_space<hbm>>
      tpu.enqueue_dma source(%arg10 : memref<200x128xf32, #tpu.memory_space<vmem>>) target(%dma_start3A_758 : memref<200x128xf32, #tpu.memory_space<hbm>>) target_semaphore(%arg20 : memref<!tpu.dma_semaphore, #tpu.memory_space<semaphore_mem>>)
      %mul3A_759 = arith.constant 16 : i32
      %mul3A_760 = arith.muli %add3A_428, %mul3A_759 : i32
      %add3A_761 = arith.constant 15 : i32
      %add3A_762 = arith.addi %mul3A_760, %add3A_761 : i32
      %add3A_763 = arith.constant 1 : i32
      %add3A_764 = arith.addi %add3A_762, %add3A_763 : i32
      %lt3A_765 = arith.constant 512 : i32
      %lt3A_766 = arith.cmpi slt, %add3A_764, %lt3A_765 : i32
      %convert_element_type3A_767 = arith.extui %lt3A_766 : i1 to i32
      %cond3A_768 = arith.constant 0 : i32
      %cond3A_769 = arith.cmpi ne, %convert_element_type3A_767, %cond3A_768 : i32
      scf.if %cond3A_769 {
        %ge3A = arith.constant 3 : i32
        %ge3A_788 = arith.cmpi sge, %add3A_762, %ge3A : i32
        %convert_element_type3A_789 = arith.extui %ge3A_788 : i1 to i32
        %cond3A_790 = arith.constant 0 : i32
        %cond3A_791 = arith.cmpi ne, %convert_element_type3A_789, %cond3A_790 : i32
        scf.if %cond3A_791 {
          %dma_wait3A_816 = arith.constant 0 : i32
          %dma_wait3A_817 = tpu.memref_slice %arg4[%mul3A_4, %dma_wait3A_816] : memref<3276800x128xf32, #tpu.memory_space<hbm>> -> memref<200x128xf32, #tpu.memory_space<hbm>>
          %dma_wait3A_818 = arith.constant 0 : i32
          %dma_wait3A_819 = tpu.memref_slice %arg4[%mul3A_4, %dma_wait3A_818] : memref<3276800x128xf32, #tpu.memory_space<hbm>> -> memref<200x128xf32, #tpu.memory_space<hbm>>
          tpu.wait_dma2 semaphore(%arg18 : memref<!tpu.dma_semaphore, #tpu.memory_space<semaphore_mem>>) src(%arg8 : memref<200x128xf32, #tpu.memory_space<vmem>>) dst(%dma_wait3A_819 : memref<200x128xf32, #tpu.memory_space<hbm>>)
        } else {
        }
        %dma_wait3A_792 = arith.constant 0 : i32
        %dma_wait3A_793 = tpu.memref_slice %arg2[%mul3A_2, %dma_wait3A_792] : memref<16384x200xi32, #tpu.memory_space<hbm>> -> memref<16x200xi32, #tpu.memory_space<hbm>>
        %dma_wait3A_794 = arith.constant 0 : i32
        %dma_wait3A_795 = tpu.memref_slice %arg2[%mul3A_2, %dma_wait3A_794] : memref<16384x200xi32, #tpu.memory_space<hbm>> -> memref<16x200xi32, #tpu.memory_space<hbm>>
        tpu.wait_dma2 semaphore(%arg12 : memref<!tpu.dma_semaphore, #tpu.memory_space<semaphore_mem>>) src(%dma_wait3A_795 : memref<16x200xi32, #tpu.memory_space<hbm>>) dst(%arg6 : memref<16x200xi32, #tpu.memory_space<vmem>>)
        %dma_start3A_796 = arith.constant 0 : i32
        %dma_start3A_797 = arith.constant 0 : i32
        %dma_start3A_798 = arith.constant 0 : i32
        %dma_start3A_799 = tpu.memref_slice %arg8[%dma_start3A_797, %dma_start3A_798] : memref<200x128xf32, #tpu.memory_space<vmem>> -> memref<128x128xf32, #tpu.memory_space<vmem>>
        %dma_start3A_800 = arith.constant 0 : i32
        %dma_start3A_801 = tpu.memref_slice %arg6[%dma_start3A_796, %dma_start3A_800] : memref<16x200xi32, #tpu.memory_space<vmem>> -> memref<1x128xi32, #tpu.memory_space<vmem>>
        %dma_start3A_802 = tpu.memref_squeeze %dma_start3A_801 : memref<1x128xi32, #tpu.memory_space<vmem>> -> memref<128xi32, #tpu.memory_space<vmem>>
        %dma_start3A_803 = arith.constant 0 : i32
        %dma_start3A_804 = arith.constant 0 : i32
        %dma_start3A_805 = tpu.memref_slice %arg5[%dma_start3A_803, %dma_start3A_804] : memref<1000x128xf32, #tpu.memory_space<vmem_shared>> -> memref<1000x128xf32, #tpu.memory_space<vmem_shared>>
        tpu.enqueue_indirect_dma source(%dma_start3A_805 : memref<1000x128xf32, #tpu.memory_space<vmem_shared>>) target(%dma_start3A_799 : memref<128x128xf32, #tpu.memory_space<vmem>>) offsets(%dma_start3A_802 : memref<128xi32, #tpu.memory_space<vmem>>) semaphore(%arg14 : memref<!tpu.dma_semaphore, #tpu.memory_space<semaphore_mem>>)
        %dma_start3A_806 = arith.constant 0 : i32
        %dma_start3A_807 = arith.constant 128 : i32
        %dma_start3A_808 = arith.constant 0 : i32
        %dma_start3A_809 = tpu.memref_slice %arg8[%dma_start3A_807, %dma_start3A_808] : memref<200x128xf32, #tpu.memory_space<vmem>> -> memref<72x128xf32, #tpu.memory_space<vmem>>
        %dma_start3A_810 = arith.constant 128 : i32
        %dma_start3A_811 = tpu.memref_slice %arg6[%dma_start3A_806, %dma_start3A_810] : memref<16x200xi32, #tpu.memory_space<vmem>> -> memref<1x72xi32, #tpu.memory_space<vmem>>
        %dma_start3A_812 = tpu.memref_squeeze %dma_start3A_811 : memref<1x72xi32, #tpu.memory_space<vmem>> -> memref<72xi32, #tpu.memory_space<vmem>>
        %dma_start3A_813 = arith.constant 0 : i32
        %dma_start3A_814 = arith.constant 0 : i32
        %dma_start3A_815 = tpu.memref_slice %arg5[%dma_start3A_813, %dma_start3A_814] : memref<1000x128xf32, #tpu.memory_space<vmem_shared>> -> memref<1000x128xf32, #tpu.memory_space<vmem_shared>>
        tpu.enqueue_indirect_dma source(%dma_start3A_815 : memref<1000x128xf32, #tpu.memory_space<vmem_shared>>) target(%dma_start3A_809 : memref<72x128xf32, #tpu.memory_space<vmem>>) offsets(%dma_start3A_812 : memref<72xi32, #tpu.memory_space<vmem>>) semaphore(%arg14 : memref<!tpu.dma_semaphore, #tpu.memory_space<semaphore_mem>>)
      } else {
      }
      %dma_wait3A_770 = arith.constant 0 : i32
      %dma_wait3A_771 = tpu.memref_slice %arg4[%mul3A_4, %dma_wait3A_770] : memref<3276800x128xf32, #tpu.memory_space<hbm>> -> memref<200x128xf32, #tpu.memory_space<hbm>>
      %dma_wait3A_772 = arith.constant 0 : i32
      %dma_wait3A_773 = tpu.memref_slice %arg4[%mul3A_4, %dma_wait3A_772] : memref<3276800x128xf32, #tpu.memory_space<hbm>> -> memref<200x128xf32, #tpu.memory_space<hbm>>
      tpu.wait_dma2 semaphore(%arg17 : memref<!tpu.dma_semaphore, #tpu.memory_space<semaphore_mem>>) src(%dma_wait3A_773 : memref<200x128xf32, #tpu.memory_space<hbm>>) dst(%arg11 : memref<200x128xf32, #tpu.memory_space<vmem>>)
      %mul3A_774 = arith.constant 200 : i32
      %mul3A_775 = arith.muli %add3A_762, %mul3A_774 : i32
      %add3A_776 = arith.addi %mul3A_4, %mul3A_775 : i32
      %dma_start3A_777 = arith.constant 0 : i32
      %dma_start3A_778 = tpu.memref_slice %arg4[%add3A_776, %dma_start3A_777] : memref<3276800x128xf32, #tpu.memory_space<hbm>> -> memref<200x128xf32, #tpu.memory_space<hbm>>
      %dma_start3A_779 = arith.constant 0 : i32
      %dma_start3A_780 = tpu.memref_slice %arg4[%add3A_776, %dma_start3A_779] : memref<3276800x128xf32, #tpu.memory_space<hbm>> -> memref<200x128xf32, #tpu.memory_space<hbm>>
      tpu.enqueue_dma source(%arg11 : memref<200x128xf32, #tpu.memory_space<vmem>>) target(%dma_start3A_780 : memref<200x128xf32, #tpu.memory_space<hbm>>) target_semaphore(%arg21 : memref<!tpu.dma_semaphore, #tpu.memory_space<semaphore_mem>>)
      %add3A_781 = arith.constant 2 : i32
      %add3A_782 = arith.addi %add3A_428, %add3A_781 : i32
      %lt3A_783 = arith.constant 32 : i32
      %lt3A_784 = arith.cmpi slt, %add3A_782, %lt3A_783 : i32
      %convert_element_type3A_785 = arith.extui %lt3A_784 : i1 to i32
      %cond3A_786 = arith.constant 0 : i32
      %cond3A_787 = arith.cmpi ne, %convert_element_type3A_785, %cond3A_786 : i32
      scf.if %cond3A_787 {
        %add3A_788 = arith.constant 2 : i32
        %add3A_789 = arith.addi %add3A_428, %add3A_788 : i32
        %mul3A_790 = arith.constant 16 : i32
        %mul3A_791 = arith.muli %add3A_789, %mul3A_790 : i32
        %add3A_792 = arith.addi %mul3A_2, %mul3A_791 : i32
        %dma_start3A_793 = arith.constant 0 : i32
        %dma_start3A_794 = tpu.memref_slice %arg2[%add3A_792, %dma_start3A_793] : memref<16384x200xi32, #tpu.memory_space<hbm>> -> memref<16x200xi32, #tpu.memory_space<hbm>>
        %dma_start3A_795 = arith.constant 0 : i32
        %dma_start3A_796 = tpu.memref_slice %arg2[%add3A_792, %dma_start3A_795] : memref<16384x200xi32, #tpu.memory_space<hbm>> -> memref<16x200xi32, #tpu.memory_space<hbm>>
        tpu.enqueue_dma source(%dma_start3A_796 : memref<16x200xi32, #tpu.memory_space<hbm>>) target(%arg7 : memref<16x200xi32, #tpu.memory_space<vmem>>) target_semaphore(%arg13 : memref<!tpu.dma_semaphore, #tpu.memory_space<semaphore_mem>>)
      } else {
      }
    }
    %scan3A_45 = arith.constant 16 : i32
    %dma_wait3A_46 = arith.constant 0 : i32
    %dma_wait3A_47 = tpu.memref_slice %arg4[%mul3A_4, %dma_wait3A_46] : memref<3276800x128xf32, #tpu.memory_space<hbm>> -> memref<200x128xf32, #tpu.memory_space<hbm>>
    %dma_wait3A_48 = arith.constant 0 : i32
    %dma_wait3A_49 = tpu.memref_slice %arg4[%mul3A_4, %dma_wait3A_48] : memref<3276800x128xf32, #tpu.memory_space<hbm>> -> memref<200x128xf32, #tpu.memory_space<hbm>>
    tpu.wait_dma2 semaphore(%arg18 : memref<!tpu.dma_semaphore, #tpu.memory_space<semaphore_mem>>) src(%arg8 : memref<200x128xf32, #tpu.memory_space<vmem>>) dst(%dma_wait3A_49 : memref<200x128xf32, #tpu.memory_space<hbm>>)
    %dma_wait3A_50 = arith.constant 0 : i32
    %dma_wait3A_51 = tpu.memref_slice %arg4[%mul3A_4, %dma_wait3A_50] : memref<3276800x128xf32, #tpu.memory_space<hbm>> -> memref<200x128xf32, #tpu.memory_space<hbm>>
    %dma_wait3A_52 = arith.constant 0 : i32
    %dma_wait3A_53 = tpu.memref_slice %arg4[%mul3A_4, %dma_wait3A_52] : memref<3276800x128xf32, #tpu.memory_space<hbm>> -> memref<200x128xf32, #tpu.memory_space<hbm>>
    tpu.wait_dma2 semaphore(%arg19 : memref<!tpu.dma_semaphore, #tpu.memory_space<semaphore_mem>>) src(%arg9 : memref<200x128xf32, #tpu.memory_space<vmem>>) dst(%dma_wait3A_53 : memref<200x128xf32, #tpu.memory_space<hbm>>)
    %dma_wait3A_54 = arith.constant 0 : i32
    %dma_wait3A_55 = tpu.memref_slice %arg4[%mul3A_4, %dma_wait3A_54] : memref<3276800x128xf32, #tpu.memory_space<hbm>> -> memref<200x128xf32, #tpu.memory_space<hbm>>
    %dma_wait3A_56 = arith.constant 0 : i32
    %dma_wait3A_57 = tpu.memref_slice %arg4[%mul3A_4, %dma_wait3A_56] : memref<3276800x128xf32, #tpu.memory_space<hbm>> -> memref<200x128xf32, #tpu.memory_space<hbm>>
    tpu.wait_dma2 semaphore(%arg20 : memref<!tpu.dma_semaphore, #tpu.memory_space<semaphore_mem>>) src(%arg10 : memref<200x128xf32, #tpu.memory_space<vmem>>) dst(%dma_wait3A_57 : memref<200x128xf32, #tpu.memory_space<hbm>>)
    %dma_wait3A_58 = arith.constant 0 : i32
    %dma_wait3A_59 = tpu.memref_slice %arg4[%mul3A_4, %dma_wait3A_58] : memref<3276800x128xf32, #tpu.memory_space<hbm>> -> memref<200x128xf32, #tpu.memory_space<hbm>>
    %dma_wait3A_60 = arith.constant 0 : i32
    %dma_wait3A_61 = tpu.memref_slice %arg4[%mul3A_4, %dma_wait3A_60] : memref<3276800x128xf32, #tpu.memory_space<hbm>> -> memref<200x128xf32, #tpu.memory_space<hbm>>
    tpu.wait_dma2 semaphore(%arg21 : memref<!tpu.dma_semaphore, #tpu.memory_space<semaphore_mem>>) src(%arg11 : memref<200x128xf32, #tpu.memory_space<vmem>>) dst(%dma_wait3A_61 : memref<200x128xf32, #tpu.memory_space<hbm>>)
    return
  }
}

</mosaic_0001>

<sc_bundles>
// kernel: _embed.3.cloned.1.call-start
scs
__scs_entry_jumppad:
0x0: {  	(pc) =	sbr.rel $0x88, $3  }
0x1: {  	(tag) =	ssettag $0x0;
	lr =	simm.s32 $0x1  }
0x2: {  	[smem:$0x3F9F] =	sst lr;
	_ =	strace $0xD0000000  }
0x3: {  	_ = 	snop  }
0x4: {  	_ = 	snop  }
0x5: {  	_ = 	snop  }
0x6: {  	_ = 	snop  }
0x7: {  	_ = 	snop  }
__scs_overlays_trampoline_lowered:
0x8: {  	[smem:$0x3FAE] =	sst s0  }
0x9: {  	[smem:$0x3FAF] =	sst s1  }
0xa: {  	[smem:$0x3FB0] =	sst s2  }
0xb: {  	[smem:$0x3FB1] =	sst s3  }
0xc: {  	[smem:$0x3FB2] =	sst s4  }
0xd: {  	[smem:$0x3FB3] =	sst s5  }
0xe: {  	[smem:$0x3FB4] =	sst s6  }
0xf: {  	[smem:$0x3FB5] =	sst s7  }
0x10: {  	[smem:$0x3FB6] =	sst s8  }
0x11: {  	[smem:$0x3FB7] =	sst s9;
	s0 =	simm.s32 @!p0 $0x0  }
0x12: {  	s1 =	sld [smem:$0x3F9D];
	s0 =	simm.s32 @p0 $0x1  }
0x13: {  	[smem:$0x3FB8] =	sst s0;
	s0 =	simm.s32 @!p1 $0x0  }
0x14: {  	s2 =	sld [smem:$0x3F9C];
	s0 =	simm.s32 @p1 $0x1  }
0x15: {  	[smem:$0x3FB9] =	sst s0;
	s0 =	simm.s32 @!p2 $0x0  }
0x16: {  	s3 =	sld [smem:$0x3FDB];
	s0 =	simm.s32 @p2 $0x1  }
0x17: {  	s4 =	simm.s32 $0x1BF5;
	[smem:$0x3FBB] =	sst s0  }
0x18: {  	s0 =	sld [smem:$0x3F9E];
	_ =	swait.ge [sflag:s4], $0x0  }
0x19: {  	s7 =	sld [smem:$0x3F9F]  }
0x1a: {  	s8 =	sadd.s32 $0xFFFFE003, lr  }
0x1b: {  	s9 =	sadd.s32 $0xFFFFFEF7, lr;
	s5 =	simm.s32 $0xFFFFFFFF;
	p2 =	slt.u32 s8, $0xFFFFF086  }
0x1c: {  	p1 =	slt.u32 s9, $0xF7A;
	s5 =	simm.s32 @!p2 $0x0  }
0x1d: {  	s5 =	simm.s32 @p1 $0x1;
	p0 =	seq.s32 s7, s2  }
0x1e: {  	s7 =	smul.u32 @!p0 $0xF7A, s2;
	p2 =	seq.s32 @!p0 s5, $0x0  }
0x1f: {  	s9 =	smul.u32 $0xF7A, s1;
	s8 =	simm.s32 @!p0 $0x1BF5;
	p2 =	por !p2, p0  }
0x20: {  	[sflag:s8] =	ssyncset.s32 @!p0 $0xFFFFF086;
	s6 =	sadd.s32 @!p0 s3, s7;
	s7 =	simm.s32 @!p0 $0x108  }
0x21: {  	s3 =	sadd.s32 s3, s9;
	s6 =	sadd.s32 @!p0 $0x88, s6;
	s7 =	simm.s32 @p2 $0x1082  }
0x22: {  	[simem:s7], [sflag:s8] =	dma.local @!p0 [hbm:s6], $0xF7A  }
0x23: {  	s9 =	sor.u32 $0xD0000000, s2;
	s6 =	simm.s32 $0x108;
	_ =	swait.ge @!p0 [sflag:s8], $0x0  }
0x24: {  	s3 =	sadd.s32 $0x88, s3;
	s6 =	simm.s32 @!p1 $0x1082;
	[sflag:s4] =	ssyncset.s32 $0xFFFFF086  }
0x25: {  	[simem:s6], [sflag:s4] =	dma.local [hbm:s3], $0xF7A  }
0x26: {  	[smem:$0x3F9F] =	sst s1;
	(tag) =	ssettag s2;
	_ =	strace s9  }
0x27: {  	s1 =	sld [smem:$0x3FAF]  }
0x28: {  	s2 =	sld [smem:$0x3FB0]  }
0x29: {  	s4 =	sld [smem:$0x3FB2]  }
0x2a: {  	p0 =	seq.s32 s5, $0x0;
	s5 =	sld [smem:$0x3FB3]  }
0x2b: {  	s6 =	sld [smem:$0x3FB4]  }
0x2c: {  	s7 =	sld [smem:$0x3FB5]  }
0x2d: {  	s3 =	simm.s32 $0x108;
	s8 =	sld [smem:$0x3FB6]  }
0x2e: {  	s3 =	simm.s32 @!p0 $0x1082;
	s9 =	sld [smem:$0x3FB7]  }
0x2f: {  	lr =	sadd.s32 s0, s3;
	s0 =	sld [smem:$0x3FAE]  }
0x30: {  	s3 =	sld [smem:$0x3FB1]  }
0x31: {  	[smem:$0x3FBA] =	sst s10  }
0x32: {  	s10 =	sld [smem:$0x3FB8];
	_ =	sdelay $0x3  }
0x33: {  	p0 =	seq.s32 s10, $0x1;
	s10 =	sld [smem:$0x3FBA];
	_ =	sdelay $0x3  }
0x34: {  	[smem:$0x3FBA] =	sst s10  }
0x35: {  	s10 =	sld [smem:$0x3FB9];
	_ =	sdelay $0x3  }
0x36: {  	p1 =	seq.s32 s10, $0x1;
	s10 =	sld [smem:$0x3FBA];
	_ =	sdelay $0x3  }
0x37: {  	[smem:$0x3FBA] =	sst s10  }
0x38: {  	s10 =	sld [smem:$0x3FBB]  }
0x39: {  	_ = 	snop;
	(pc) =	sbr.ind lr, $3  }
0x3a: {  	_ = 	snop  }
0x3b: {  	_ = 	snop  }
0x3c: {  	p2 =	seq.s32 s10, $0x1;
	s10 =	sld [smem:$0x3FBA]  }
0x3d: {  	_ =	shalt  }
0x3e: {  	_ =	shalt  }
0x3f: {  	_ =	shalt  }
0x40: {  	_ =	shalt  }
0x41: {  	_ =	shalt  }
0x42: {  	_ =	shalt  }
0x43: {  	_ =	shalt  }
0x44: {  	_ =	shalt  }
0x45: {  	_ =	shalt  }
0x46: {  	_ =	shalt  }
0x47: {  	_ =	shalt  }
0x48: {  	_ =	shalt  }
0x49: {  	_ =	shalt  }
0x4a: {  	_ =	shalt  }
0x4b: {  	_ =	shalt  }
0x4c: {  	_ =	shalt  }
0x4d: {  	_ =	shalt  }
0x4e: {  	_ =	shalt  }
0x4f: {  	_ =	shalt  }
0x50: {  	_ =	shalt  }
0x51: {  	_ =	shalt  }
0x52: {  	_ =	shalt  }
0x53: {  	_ =	shalt  }
0x54: {  	_ =	shalt  }
0x55: {  	_ =	shalt  }
0x56: {  	_ =	shalt  }
0x57: {  	_ =	shalt  }
0x58: {  	_ =	shalt  }
0x59: {  	_ =	shalt  }
0x5a: {  	_ =	shalt  }
0x5b: {  	_ =	shalt  }
0x5c: {  	_ =	shalt  }
0x5d: {  	_ =	shalt  }
0x5e: {  	_ =	shalt  }
0x5f: {  	_ =	shalt  }
0x60: {  	_ =	shalt  }
0x61: {  	_ =	shalt  }
0x62: {  	_ =	shalt  }
0x63: {  	_ =	shalt  }
0x64: {  	_ =	shalt  }
0x65: {  	_ =	shalt  }
0x66: {  	_ =	shalt  }
0x67: {  	_ =	shalt  }
0x68: {  	_ =	shalt  }
0x69: {  	_ =	shalt  }
0x6a: {  	_ =	shalt  }
0x6b: {  	_ =	shalt  }
0x6c: {  	_ =	shalt  }
0x6d: {  	_ =	shalt  }
0x6e: {  	_ =	shalt  }
0x6f: {  	_ =	shalt  }
0x70: {  	_ =	shalt  }
0x71: {  	_ =	shalt  }
0x72: {  	_ =	shalt  }
0x73: {  	_ =	shalt  }
0x74: {  	_ =	shalt  }
0x75: {  	_ =	shalt  }
0x76: {  	_ =	shalt  }
0x77: {  	_ =	shalt  }
0x78: {  	_ =	shalt  }
0x79: {  	_ =	shalt  }
0x7a: {  	_ =	shalt  }
0x7b: {  	_ =	shalt  }
0x7c: {  	_ =	shalt  }
0x7d: {  	_ =	shalt  }
0x7e: {  	_ =	shalt  }
0x7f: {  	_ =	shalt  }
0x80: {  	_ =	shalt  }
0x81: {  	_ =	shalt  }
0x82: {  	_ =	shalt  }
0x83: {  	_ =	shalt  }
0x84: {  	_ =	shalt  }
0x85: {  	_ =	shalt  }
0x86: {  	_ =	shalt  }
0x87: {  	_ =	shalt  }
.Lfunc_end0:
.L_simem_size_0:
called_computation_lowered:
.L_overlay_start_0:
0x88: {  	s2 =	sld [smem:$0x3FD9]  }
0x89: {  	s3 =	sld [smem:$0x3FFE];
	_ =	sdelay $0x1  }
0x8a: {  	s1 =	srdreg.scid  }
0x8b: {  	s0 =	sand.u32 $0x1, s1  }
0x8c: {  	s17 =	sshll.u32 s0, $0xA;
	s2 =	sadd.s32 s3, s2  }
0x8d: {  	s2 =	sadd.s32 s2, s17  }
0x8e: {  	[smem:$0x3FC6] =	sst s2  }
0x8f: {  	_ = 	snop  }
0x90: {  	s2 =	sld [smem:$0x3FC8]  }
0x91: {  	s18 =	sld [smem:$0x3FD0];
	(tm) =	ssettm $0x1  }
0x92: {  	s4 =	sld [smem:$0x3FFB];
	_ =	sdelay $0x3  }
0x93: {  	_ =	strace s4  }
0x94: {  	s4 =	sld [smem:$0x3FFC];
	_ =	sdelay $0x3  }
0x95: {  	_ =	strace s4  }
0x96: {  	s4 =	sld [smem:$0x3FFD];
	_ =	sdelay $0x3  }
0x97: {  	_ =	strace s4  }
0x98: {  	_ =	strace $0x8FFFFFFF  }
0x99: {  	s19 =	sld [smem:$0x3FDB];
	_ =	sdelay $0x1  }
0x9a: {  	s5 =	simm.s32 $_scs_section_size  }
0x9b: {  	s6 =	simm.s32 $_size__tile_overlayer_lowered;
	s7 =	simm.s32 $_tile_overlayer_lowered  }
0x9c: {  	s22 =	simm.s32 $0x1BFF;
	s21 =	sshll.u32 s7, $0x1;
	s4 =	sadd.s32 s5, s19  }
0x9d: {  	s8 =	simm.s32 $0x0;
	s20 =	sshll.u32 s6, $0x1;
	s6 =	sadd.s32 s21, s4  }
0x9e: {  	[timem:s8], [sflag:s22] =	dma.local [hbm:s6], s20  }
0x9f: {  	_ =	swait.ge [sflag:s22], s20  }
0xa0: {  	s5 =	ssub.s32 $0x0, s20;
	[sflag:s22] =	ssyncset.done $0x0  }
0xa1: {  	[sflag:s22] =	ssyncadd.s32 s5;
	_ =	sdelay $0x1  }
0xa2: {  	s23 =	simm.s32 $0x1B8B  }
0xa3: {  	_ =	swait.ge [sflag:s23], $0x1  }
0xa4: {  	[sflag:s23] =	ssyncset.done $0x0  }
0xa5: {  	s25 =	simm.s32 $0x1B8E;
	s24 =	sld [smem:$0x3FFE];
	[sflag:s23] =	ssyncadd.s32 $0xFFFFFFFF  }
0xa6: {  	s26 =	simm.s32 $execute0_lowered;
	[smem:$0x3FD2] =	sst s25  }
0xa7: {  	s6 =	sshll.u32 s26, $0x1;
	_ =	strace $0x80000046;
	[dreg:$0x1] =	wrdreg $0xFFFFFFFF  }
0xa8: {  	s28 =	simm.s32 $_size_execute0_lowered;
	s4 =	sadd.s32 s4, s6;
	[dreg:$0x0] =	wrdreg $0x0  }
0xa9: {  	s6 =	sshll.u32 s28, $0x1;
	[dreg:$0x2] =	wrdreg s4  }
0xaa: {  	[dreg:$0x3] =	wrdreg s6  }
0xab: {  	[dreg:$0x4] =	wrdreg $0xC0  }
0xac: {  	_ =	task [dreg:s8], $0x5FFFF  }
0xad: {  	[dreg:$0x1] =	wrdreg $0xFFFFFFFF  }
0xae: {  	[dreg:$0x0] =	wrdreg $0x60  }
0xaf: {  	[dreg:$0x2] =	wrdreg s24  }
0xb0: {  	[dreg:$0x3] =	wrdreg s2  }
0xb1: {  	[dreg:$0x4] =	wrdreg s18  }
0xb2: {  	[dreg:$0x5] =	wrdreg $0x0  }
0xb3: {  	[dreg:$0x6] =	wrdreg $0x9  }
0xb4: {  	_ =	task.clear_ibuf [dreg:s8], $0x7FFFF;
	_ =	strace $0x90000046  }
0xb5: {  	s29 =	simm.s32 $0x9;
	_ =	strace $0x80000048  }
0xb6: {  	_ =	swait.ge [sflag:s29], $0x1  }
0xb7: {  	[sflag:s29] =	ssyncadd.s32 $0xFFFFFFFF  }
0xb8: {  	_ =	strace $0x90000048  }
0xb9: {  	_ =	sfence  }
0xba: {  	s30 =	sld [smem:$0x0];
	_ =	sdelay $0x2  }
0xbb: {  	s31 =	sshll.u32 s1, $0xD;
	s1 =	sshrl.u32 s1, $0x2  }
0xbc: {  	s3 =	sand.u32 $0x4000, s31;
	s1 =	sadd.s32 s1, s30  }
0xbd: {  	s0 =	sor.u32 s3, s0;
	s1 =	sshll.u32 s1, $0x11  }
0xbe: {  	s0 =	sor.u32 s1, s0  }
0xbf: {  	s0 =	sadd.s32 $0x8F2B, s0  }
0xc0: {  	[sflag:s0] =	ssyncadd.remote.s32 $0x1  }
0xc1: {  	_ =	sfence.sel $0xFFFF  }
0xc2: {  	[dreg:$0x0] =	wrdreg $0xFFFFFFFF;
	(pc) =	sbr.abs _section_cstart, $3  }
0xc3: {  	[dreg:$0x1] =	wrdreg $0xFFFFFFFF  }
0xc4: {  	_ =	task.clear_ibuf [dreg:s8], $0x2FFFF;
	_ =	strace $0x9FFFFFFF  }
0xc5: {  	(tm) =	ssettm $0x7FFFFFFF  }
tec
execute0_lowered:
.L_overlay_start_1:
0x0: {  	(tag) =	ssettag $0x1  }
0x1: {  	s0 =	rddreg [dreg:$0x0]  }
0x2: {  	s1 =	rddreg [dreg:$0x2]  }
0x3: {  	s2 =	rddreg [dreg:$0x3];
	s4 =	srdreg.scid;
	s3 =	simm.s32 $0x0  }
0x4: {  	s5 =	stileid.u32;
	s11 =	simm.s32 $0x2F40;
	s12 =	simm.s32 $0x80  }
0x5: {  	s13 =	simm.s32 $0x3F40;
	s14 =	simm.s32 $0x48;
	s16 =	simm.s32 $0x7F40  }
0x6: {  	s18 =	simm.s32 $0xA340;
	s20 =	simm.s32 $0xE340;
	s21 =	simm.s32 $0x3  }
0x7: {  	s23 =	simm.s32 $0x10740;
	s25 =	simm.s32 $0x14740;
	s26 =	simm.s32 $0x4  }
0x8: {  	s29 =	simm.s32 $0x16B40;
	s31 =	simm.s32 $0x1AB40;
	s22 =	simm.s32 $0xA  }
0x9: {  	s24 =	simm.s32 $0x2;
	s17 =	simm.s32 $0x3EC0;
	s4 =	sand.u32 $0x1, s4  }
0xa: {  	[smem:$0x7FF] =	sst s3;
	s6 =	sshll.u32 s5, $0xF;
	s0 =	sadd.s32 $0x400, s0  }
0xb: {  	s30 =	smul.u32 $0x320000, s5;
	p0 =	sne.s32 s5, $0x0;
	s7 =	sshll.u32 s4, $0xE  }
0xc: {  	s8 =	ssub.s32 $0x2, s4;
	_ =	strace $0x80000047;
	s4 =	smul.u32 $0x190000, s4  }
0xd: {  	s9 =	sor.u32 s7, s6;
	s10 =	sshrl.u32 s8, $0x1;
	s1 =	sadd.s32 s30, s1  }
0xe: {  	s9 =	sadd.s32 s0, s9;
	s8 =	ssub.s32 s8, s10;
	s0 =	sadd.s32 s6, s0  }
0xf: {  	s6 =	simm.s32 $0x6;
	s10 =	simm.s32 $0x8;
	[dreg:$0x5] =	wrdreg s9  }
.Ltmp0:
0x10: {  	s9 =	sadd.s32 $0x200, s9;
	s8 =	smax.u32 s8, $0x1;
	(pc) =	sbr.rel .LBB2_1-.Ltmp0, $4  }
0x11: {  	s0 =	sadd.s32 s7, s0;
	s7 =	simm.s32 $0x0;
	[dreg:$0x6] =	wrdreg s9  }
0x12: {  	[dreg:$0x7] =	wrdreg s8;
	s0 =	sadd.s32 $0x600, s0;
	s8 =	sadd.s32 s4, s1  }
0x13: {  	s1 =	simm.s32 $0x7;
	[dreg:$0x8] =	wrdreg s0;
	s0 =	sshrl.u32 @!p0 s2, $0x3  }
0x14: {  	s4 =	simm.s32 $0x9;
	[dreg:$0x9] =	wrdreg s0;
	s0 =	simm.s32 $0x5  }
.LBB2_4:
0x15: {  	_ =	swait.ge [sflag:s1], $0x6400  }
0x16: {  	[sflag:s1] =	ssyncset.done $0x0  }
0x17: {  	[sflag:s1] =	ssyncadd.s32 $0xFFFF9C00  }
0x18: {  	_ =	swait.ge [sflag:s10], $0x6400  }
0x19: {  	[sflag:s10] =	ssyncset.done $0x0  }
0x1a: {  	[sflag:s10] =	ssyncadd.s32 $0xFFFF9C00  }
0x1b: {  	_ =	swait.ge [sflag:s4], $0x6400  }
0x1c: {  	[sflag:s4] =	ssyncset.done $0x0  }
0x1d: {  	[sflag:s4] =	ssyncadd.s32 $0xFFFF9C00  }
0x1e: {  	_ =	swait.ge [sflag:s22], $0x6400  }
0x1f: {  	s7 =	rddreg [dreg:$0xa]  }
0x20: {  	s5 =	rddreg [dreg:$0x7];
	s7 =	sadd.s32 $0x1, s7  }
0x21: {  	p1 =	sne.s32 s7, s5  }
.Ltmp1:
0x22: {  	_ = 	snop;
	(pc) =	sbr.rel @!p1 .LBB2_5-.Ltmp1, $3  }
0x23: {  	_ =	sdelay $0x1  }
0x24: {  	[sflag:s22] =	ssyncset.done $0x0  }
0x25: {  	[sflag:s22] =	ssyncadd.s32 $0xFFFF9C00  }
.LBB2_1:
0x26: {  	[dreg:$0xa] =	wrdreg s7  }
0x27: {  	s5 =	rddreg [dreg:$0x1]  }
0x28: {  	s15 =	simm.s32 @!p0 $0x1C0B;
	s7 =	rddreg [dreg:$0x9]  }
0x29: {  	[spmem:s7], [sflag:s15] =	dma.local @!p0 [hbm:s5], $0x3E80  }
0x2a: {  	s15 =	simm.s32 @!p0 $0xB  }
0x2b: {  	_ =	swait.ge @!p0 [sflag:s15], $0x3E80  }
0x2c: {  	[sflag:s15] =	ssyncset.done @!p0 $0x0  }
0x2d: {  	[sflag:s15] =	ssyncadd.s32 @!p0 $0xFFFFC180  }
0x2e: {  	[bflag:$0x0] =	sbarrier.arrive $0xFFFF  }
0x2f: {  	s15 =	simm.s32 $0x1F40;
	s9 =	rddreg [dreg:$0x5]  }
0x30: {  	[tilespmem:s15], [sflag:$0x1] =	stream.linear.gather [hbm4b:s9+s3], $0x1000, $0x38;
	[tilespmem:$0x1CF40] =	vst v63  }
0x31: {  	s19 =	simm.s32 $0x1;
	s9 =	rddreg [dreg:$0x6]  }
0x32: {  	[tilespmem:s11], [sflag:$0x2] =	stream.linear.gather [hbm4b:s9+s3], $0x1000, $0x38;
	[tilespmem:$0x1CF40] =	vst v63  }
0x33: {  	_ =	swait.ge [sflag:s19], $0x1000  }
0x34: {  	[sflag:s19] =	ssyncset.done $0x0  }
0x35: {  	[sflag:s19] =	ssyncadd.s32 $0xFFFFF000  }
0x36: {  	[tilespmem:s13], [sflag:$0x3] =	stream.indirect.gather [spmem:s2], $0x80, s15, s12, $0xb8;
	[tilespmem:$0x1CF40] =	vst v63  }
0x37: {  	s28 =	simm.s32 $0x0;
	s30 =	rddreg [dreg:$0x8];
	s15 =	simm.s32 $0x2340  }
0x38: {  	[tilespmem:s16], [sflag:$0x3] =	stream.indirect.gather [spmem:s2], $0x80, s15, s14, $0xb8;
	[tilespmem:$0x1CF40] =	vst v63  }
.LBB2_2:
0x39: {  	p1 =	seq.s32 s28, $0x0  }
0x3a: {  	s15 =	simm.s32 @!p1 $0x8  }
0x3b: {  	_ =	swait.ge @!p1 [sflag:s15], $0x6400  }
0x3c: {  	[sflag:s15] =	ssyncset.done @!p1 $0x0  }
0x3d: {  	s5 =	simm.s32 $0x1FC0;
	[sflag:s15] =	ssyncadd.s32 @!p1 $0xFFFF9C00  }
0x3e: {  	[tilespmem:s18], [sflag:$0x4] =	stream.indirect.gather [spmem:s2], $0x80, s5, s12, $0xb8;
	[tilespmem:$0x1CF40] =	vst v63  }
0x3f: {  	s15 =	simm.s32 $0x23C0  }
0x40: {  	[tilespmem:s20], [sflag:$0x4] =	stream.indirect.gather [spmem:s2], $0x80, s15, s14, $0xb8;
	[tilespmem:$0x1CF40] =	vst v63  }
0x41: {  	_ =	swait.ge [sflag:s21], $0x6400  }
0x42: {  	[sflag:s21] =	ssyncset.done $0x0  }
0x43: {  	s5 =	simm.s32 @!p1 $0x9;
	s15 =	sadd.s32 s28, s8;
	[sflag:s21] =	ssyncadd.s32 $0xFFFF9C00  }
0x44: {  	[hbm4b:s15+s3] =	stream.linear.scatter [tilespmem:s13], [sflag:$0x7], $0x6400, $0x38;
	[tilespmem:$0x1CF40] =	vst v63  }
0x45: {  	_ =	swait.ge @!p1 [sflag:s5], $0x6400  }
0x46: {  	[sflag:s5] =	ssyncset.done @!p1 $0x0  }
0x47: {  	s7 =	simm.s32 $0x2040;
	[sflag:s5] =	ssyncadd.s32 @!p1 $0xFFFF9C00  }
0x48: {  	[tilespmem:s23], [sflag:$0x5] =	stream.indirect.gather [spmem:s2], $0x80, s7, s12, $0xb8;
	[tilespmem:$0x1CF40] =	vst v63  }
0x49: {  	s9 =	simm.s32 $0x2440  }
0x4a: {  	[tilespmem:s25], [sflag:$0x5] =	stream.indirect.gather [spmem:s2], $0x80, s9, s14, $0xb8;
	[tilespmem:$0x1CF40] =	vst v63  }
0x4b: {  	_ =	swait.ge [sflag:s26], $0x6400  }
0x4c: {  	[sflag:s26] =	ssyncset.done $0x0  }
0x4d: {  	s5 =	simm.s32 @!p1 $0xA;
	s7 =	sadd.s32 $0xC80, s15;
	[sflag:s26] =	ssyncadd.s32 $0xFFFF9C00  }
0x4e: {  	[hbm4b:s7+s3] =	stream.linear.scatter [tilespmem:s18], [sflag:$0x8], $0x6400, $0x38;
	[tilespmem:$0x1CF40] =	vst v63  }
0x4f: {  	_ =	swait.ge @!p1 [sflag:s5], $0x6400  }
0x50: {  	[sflag:s5] =	ssyncset.done @!p1 $0x0  }
0x51: {  	s9 =	simm.s32 $0x20C0;
	[sflag:s5] =	ssyncadd.s32 @!p1 $0xFFFF9C00  }
0x52: {  	[tilespmem:s29], [sflag:$0x6] =	stream.indirect.gather [spmem:s2], $0x80, s9, s12, $0xb8;
	[tilespmem:$0x1CF40] =	vst v63  }
0x53: {  	s7 =	simm.s32 $0x24C0  }
0x54: {  	[tilespmem:s31], [sflag:$0x6] =	stream.indirect.gather [spmem:s2], $0x80, s7, s14, $0xb8;
	[tilespmem:$0x1CF40] =	vst v63  }
0x55: {  	_ =	swait.ge [sflag:s0], $0x6400  }
0x56: {  	[sflag:s0] =	ssyncset.done $0x0  }
0x57: {  	s9 =	sadd.s32 $0x1900, s15;
	[sflag:s0] =	ssyncadd.s32 $0xFFFF9C00  }
0x58: {  	[hbm4b:s9+s3] =	stream.linear.scatter [tilespmem:s23], [sflag:$0x9], $0x6400, $0x38;
	[tilespmem:$0x1CF40] =	vst v63  }
0x59: {  	_ =	swait.ge [sflag:s1], $0x6400  }
0x5a: {  	[sflag:s1] =	ssyncset.done $0x0  }
0x5b: {  	s7 =	simm.s32 $0x2140;
	[sflag:s1] =	ssyncadd.s32 $0xFFFF9C00  }
0x5c: {  	[tilespmem:s13], [sflag:$0x3] =	stream.indirect.gather [spmem:s2], $0x80, s7, s12, $0xb8;
	[tilespmem:$0x1CF40] =	vst v63  }
0x5d: {  	s9 =	simm.s32 $0x2540  }
0x5e: {  	[tilespmem:s16], [sflag:$0x3] =	stream.indirect.gather [spmem:s2], $0x80, s9, s14, $0xb8;
	[tilespmem:$0x1CF40] =	vst v63  }
0x5f: {  	_ =	swait.ge [sflag:s6], $0x6400  }
0x60: {  	[sflag:s6] =	ssyncset.done $0x0  }
0x61: {  	s7 =	sadd.s32 $0x2580, s15;
	[sflag:s6] =	ssyncadd.s32 $0xFFFF9C00  }
0x62: {  	[hbm4b:s7+s3] =	stream.linear.scatter [tilespmem:s29], [sflag:$0xA], $0x6400, $0x38;
	[tilespmem:$0x1CF40] =	vst v63  }
0x63: {  	_ =	swait.ge [sflag:s10], $0x6400  }
0x64: {  	[sflag:s10] =	ssyncset.done $0x0  }
0x65: {  	s9 =	simm.s32 $0x21C0;
	[sflag:s10] =	ssyncadd.s32 $0xFFFF9C00  }
0x66: {  	[tilespmem:s18], [sflag:$0x4] =	stream.indirect.gather [spmem:s2], $0x80, s9, s12, $0xb8;
	[tilespmem:$0x1CF40] =	vst v63  }
0x67: {  	s7 =	simm.s32 $0x25C0  }
0x68: {  	[tilespmem:s20], [sflag:$0x4] =	stream.indirect.gather [spmem:s2], $0x80, s7, s14, $0xb8;
	[tilespmem:$0x1CF40] =	vst v63  }
0x69: {  	_ =	swait.ge [sflag:s21], $0x6400  }
0x6a: {  	[sflag:s21] =	ssyncset.done $0x0  }
0x6b: {  	s9 =	sadd.s32 $0x3200, s15;
	[sflag:s21] =	ssyncadd.s32 $0xFFFF9C00  }
0x6c: {  	[hbm4b:s9+s3] =	stream.linear.scatter [tilespmem:s13], [sflag:$0x7], $0x6400, $0x38;
	[tilespmem:$0x1CF40] =	vst v63  }
0x6d: {  	_ =	swait.ge [sflag:s4], $0x6400  }
0x6e: {  	[sflag:s4] =	ssyncset.done $0x0  }
0x6f: {  	s7 =	simm.s32 $0x2240;
	[sflag:s4] =	ssyncadd.s32 $0xFFFF9C00  }
0x70: {  	[tilespmem:s23], [sflag:$0x5] =	stream.indirect.gather [spmem:s2], $0x80, s7, s12, $0xb8;
	[tilespmem:$0x1CF40] =	vst v63  }
0x71: {  	s9 =	simm.s32 $0x2640  }
0x72: {  	[tilespmem:s25], [sflag:$0x5] =	stream.indirect.gather [spmem:s2], $0x80, s9, s14, $0xb8;
	[tilespmem:$0x1CF40] =	vst v63  }
0x73: {  	_ =	swait.ge [sflag:s26], $0x6400  }
0x74: {  	[sflag:s26] =	ssyncset.done $0x0  }
0x75: {  	s7 =	sadd.s32 $0x3E80, s15;
	[sflag:s26] =	ssyncadd.s32 $0xFFFF9C00  }
0x76: {  	[hbm4b:s7+s3] =	stream.linear.scatter [tilespmem:s18], [sflag:$0x8], $0x6400, $0x38;
	[tilespmem:$0x1CF40] =	vst v63  }
0x77: {  	_ =	swait.ge [sflag:s22], $0x6400  }
0x78: {  	[sflag:s22] =	ssyncset.done $0x0  }
0x79: {  	s9 =	simm.s32 $0x22C0;
	[sflag:s22] =	ssyncadd.s32 $0xFFFF9C00  }
0x7a: {  	[tilespmem:s29], [sflag:$0x6] =	stream.indirect.gather [spmem:s2], $0x80, s9, s12, $0xb8;
	[tilespmem:$0x1CF40] =	vst v63  }
0x7b: {  	s7 =	simm.s32 $0x26C0  }
0x7c: {  	[tilespmem:s31], [sflag:$0x6] =	stream.indirect.gather [spmem:s2], $0x80, s7, s14, $0xb8;
	[tilespmem:$0x1CF40] =	vst v63  }
0x7d: {  	_ =	swait.ge [sflag:s0], $0x6400  }
0x7e: {  	[sflag:s0] =	ssyncset.done $0x0  }
0x7f: {  	s9 =	sadd.s32 $0x4B00, s15;
	[sflag:s0] =	ssyncadd.s32 $0xFFFF9C00  }
0x80: {  	[hbm4b:s9+s3] =	stream.linear.scatter [tilespmem:s23], [sflag:$0x9], $0x6400, $0x38;
	[tilespmem:$0x1CF40] =	vst v63  }
0x81: {  	_ =	swait.ge [sflag:s1], $0x6400  }
0x82: {  	[sflag:s1] =	ssyncset.done $0x0  }
0x83: {  	s7 =	simm.s32 $0x2740;
	[sflag:s1] =	ssyncadd.s32 $0xFFFF9C00  }
0x84: {  	[tilespmem:s13], [sflag:$0x3] =	stream.indirect.gather [spmem:s2], $0x80, s7, s12, $0xb8;
	[tilespmem:$0x1CF40] =	vst v63  }
0x85: {  	s9 =	simm.s32 $0x2B40  }
0x86: {  	[tilespmem:s16], [sflag:$0x3] =	stream.indirect.gather [spmem:s2], $0x80, s9, s14, $0xb8;
	[tilespmem:$0x1CF40] =	vst v63  }
0x87: {  	_ =	swait.ge [sflag:s6], $0x6400  }
0x88: {  	[sflag:s6] =	ssyncset.done $0x0  }
0x89: {  	s7 =	sadd.s32 $0x5780, s15;
	[sflag:s6] =	ssyncadd.s32 $0xFFFF9C00  }
0x8a: {  	[hbm4b:s7+s3] =	stream.linear.scatter [tilespmem:s29], [sflag:$0xA], $0x6400, $0x38;
	[tilespmem:$0x1CF40] =	vst v63  }
0x8b: {  	_ =	swait.ge [sflag:s10], $0x6400  }
0x8c: {  	[sflag:s10] =	ssyncset.done $0x0  }
0x8d: {  	s9 =	simm.s32 $0x27C0;
	[sflag:s10] =	ssyncadd.s32 $0xFFFF9C00  }
0x8e: {  	[tilespmem:s18], [sflag:$0x4] =	stream.indirect.gather [spmem:s2], $0x80, s9, s12, $0xb8;
	[tilespmem:$0x1CF40] =	vst v63  }
0x8f: {  	s7 =	simm.s32 $0x2BC0  }
0x90: {  	[tilespmem:s20], [sflag:$0x4] =	stream.indirect.gather [spmem:s2], $0x80, s7, s14, $0xb8;
	[tilespmem:$0x1CF40] =	vst v63  }
0x91: {  	_ =	swait.ge [sflag:s21], $0x6400  }
0x92: {  	[sflag:s21] =	ssyncset.done $0x0  }
0x93: {  	s9 =	sadd.s32 $0x6400, s15;
	[sflag:s21] =	ssyncadd.s32 $0xFFFF9C00  }
0x94: {  	[hbm4b:s9+s3] =	stream.linear.scatter [tilespmem:s13], [sflag:$0x7], $0x6400, $0x38;
	[tilespmem:$0x1CF40] =	vst v63  }
0x95: {  	_ =	swait.ge [sflag:s4], $0x6400  }
0x96: {  	[sflag:s4] =	ssyncset.done $0x0  }
0x97: {  	s7 =	simm.s32 $0x2840;
	[sflag:s4] =	ssyncadd.s32 $0xFFFF9C00  }
0x98: {  	[tilespmem:s23], [sflag:$0x5] =	stream.indirect.gather [spmem:s2], $0x80, s7, s12, $0xb8;
	[tilespmem:$0x1CF40] =	vst v63  }
0x99: {  	s9 =	simm.s32 $0x2C40  }
0x9a: {  	[tilespmem:s25], [sflag:$0x5] =	stream.indirect.gather [spmem:s2], $0x80, s9, s14, $0xb8;
	[tilespmem:$0x1CF40] =	vst v63  }
0x9b: {  	_ =	swait.ge [sflag:s26], $0x6400  }
0x9c: {  	[sflag:s26] =	ssyncset.done $0x0  }
0x9d: {  	s7 =	sadd.s32 $0x7080, s15;
	[sflag:s26] =	ssyncadd.s32 $0xFFFF9C00  }
0x9e: {  	[hbm4b:s7+s3] =	stream.linear.scatter [tilespmem:s18], [sflag:$0x8], $0x6400, $0x38;
	[tilespmem:$0x1CF40] =	vst v63  }
0x9f: {  	_ =	swait.ge [sflag:s22], $0x6400  }
0xa0: {  	[sflag:s22] =	ssyncset.done $0x0  }
0xa1: {  	s9 =	simm.s32 $0x28C0;
	[sflag:s22] =	ssyncadd.s32 $0xFFFF9C00  }
0xa2: {  	[tilespmem:s29], [sflag:$0x6] =	stream.indirect.gather [spmem:s2], $0x80, s9, s12, $0xb8;
	[tilespmem:$0x1CF40] =	vst v63  }
0xa3: {  	s7 =	simm.s32 $0x2CC0  }
0xa4: {  	[tilespmem:s31], [sflag:$0x6] =	stream.indirect.gather [spmem:s2], $0x80, s7, s14, $0xb8;
	[tilespmem:$0x1CF40] =	vst v63  }
0xa5: {  	_ =	swait.ge [sflag:s0], $0x6400  }
0xa6: {  	[sflag:s0] =	ssyncset.done $0x0  }
0xa7: {  	s9 =	sadd.s32 $0x7D00, s15;
	[sflag:s0] =	ssyncadd.s32 $0xFFFF9C00  }
0xa8: {  	[hbm4b:s9+s3] =	stream.linear.scatter [tilespmem:s23], [sflag:$0x9], $0x6400, $0x38;
	[tilespmem:$0x1CF40] =	vst v63  }
0xa9: {  	_ =	swait.ge [sflag:s1], $0x6400  }
0xaa: {  	[sflag:s1] =	ssyncset.done $0x0  }
0xab: {  	s7 =	simm.s32 $0x2940;
	[sflag:s1] =	ssyncadd.s32 $0xFFFF9C00  }
0xac: {  	[tilespmem:s13], [sflag:$0x3] =	stream.indirect.gather [spmem:s2], $0x80, s7, s12, $0xb8;
	[tilespmem:$0x1CF40] =	vst v63  }
0xad: {  	s9 =	simm.s32 $0x2D40  }
0xae: {  	[tilespmem:s16], [sflag:$0x3] =	stream.indirect.gather [spmem:s2], $0x80, s9, s14, $0xb8;
	[tilespmem:$0x1CF40] =	vst v63  }
0xaf: {  	_ =	swait.ge [sflag:s6], $0x6400  }
0xb0: {  	[sflag:s6] =	ssyncset.done $0x0  }
0xb1: {  	s7 =	sadd.s32 $0x8980, s15;
	[sflag:s6] =	ssyncadd.s32 $0xFFFF9C00  }
0xb2: {  	[hbm4b:s7+s3] =	stream.linear.scatter [tilespmem:s29], [sflag:$0xA], $0x6400, $0x38;
	[tilespmem:$0x1CF40] =	vst v63  }
0xb3: {  	_ =	swait.ge [sflag:s10], $0x6400  }
0xb4: {  	[sflag:s10] =	ssyncset.done $0x0  }
0xb5: {  	s9 =	simm.s32 $0x29C0;
	[sflag:s10] =	ssyncadd.s32 $0xFFFF9C00  }
0xb6: {  	[tilespmem:s18], [sflag:$0x4] =	stream.indirect.gather [spmem:s2], $0x80, s9, s12, $0xb8;
	[tilespmem:$0x1CF40] =	vst v63  }
0xb7: {  	s7 =	simm.s32 $0x2DC0  }
0xb8: {  	[tilespmem:s20], [sflag:$0x4] =	stream.indirect.gather [spmem:s2], $0x80, s7, s14, $0xb8;
	[tilespmem:$0x1CF40] =	vst v63  }
0xb9: {  	_ =	swait.ge [sflag:s21], $0x6400  }
0xba: {  	[sflag:s21] =	ssyncset.done $0x0  }
0xbb: {  	s9 =	sadd.s32 $0x9600, s15;
	[sflag:s21] =	ssyncadd.s32 $0xFFFF9C00  }
0xbc: {  	[hbm4b:s9+s3] =	stream.linear.scatter [tilespmem:s13], [sflag:$0x7], $0x6400, $0x38;
	[tilespmem:$0x1CF40] =	vst v63  }
0xbd: {  	_ =	swait.ge [sflag:s4], $0x6400  }
0xbe: {  	[sflag:s4] =	ssyncset.done $0x0  }
0xbf: {  	s7 =	simm.s32 $0x2A40;
	[sflag:s4] =	ssyncadd.s32 $0xFFFF9C00  }
0xc0: {  	[tilespmem:s23], [sflag:$0x5] =	stream.indirect.gather [spmem:s2], $0x80, s7, s12, $0xb8;
	[tilespmem:$0x1CF40] =	vst v63  }
0xc1: {  	s9 =	simm.s32 $0x2E40  }
0xc2: {  	[tilespmem:s25], [sflag:$0x5] =	stream.indirect.gather [spmem:s2], $0x80, s9, s14, $0xb8;
	[tilespmem:$0x1CF40] =	vst v63  }
0xc3: {  	_ =	swait.ge [sflag:s26], $0x6400  }
0xc4: {  	[sflag:s26] =	ssyncset.done $0x0  }
0xc5: {  	s7 =	sadd.s32 $0xA280, s15;
	[sflag:s26] =	ssyncadd.s32 $0xFFFF9C00  }
0xc6: {  	[hbm4b:s7+s3] =	stream.linear.scatter [tilespmem:s18], [sflag:$0x8], $0x6400, $0x38;
	[tilespmem:$0x1CF40] =	vst v63  }
0xc7: {  	_ =	swait.ge [sflag:s22], $0x6400  }
0xc8: {  	[sflag:s22] =	ssyncset.done $0x0  }
0xc9: {  	s9 =	simm.s32 $0x2AC0;
	[sflag:s22] =	ssyncadd.s32 $0xFFFF9C00  }
0xca: {  	[tilespmem:s29], [sflag:$0x6] =	stream.indirect.gather [spmem:s2], $0x80, s9, s12, $0xb8;
	[tilespmem:$0x1CF40] =	vst v63  }
0xcb: {  	s7 =	simm.s32 $0x2EC0  }
0xcc: {  	[tilespmem:s31], [sflag:$0x6] =	stream.indirect.gather [spmem:s2], $0x80, s7, s14, $0xb8;
	[tilespmem:$0x1CF40] =	vst v63  }
0xcd: {  	_ =	swait.ge [sflag:s0], $0x6400  }
0xce: {  	[sflag:s0] =	ssyncset.done $0x0  }
0xcf: {  	s9 =	sadd.s32 $0xAF00, s15;
	[sflag:s0] =	ssyncadd.s32 $0xFFFF9C00  }
0xd0: {  	[hbm4b:s9+s3] =	stream.linear.scatter [tilespmem:s23], [sflag:$0x9], $0x6400, $0x38;
	[tilespmem:$0x1CF40] =	vst v63  }
0xd1: {  	_ =	swait.ge [sflag:s1], $0x6400  }
0xd2: {  	[sflag:s1] =	ssyncset.done $0x0  }
0xd3: {  	[sflag:s1] =	ssyncadd.s32 $0xFFFF9C00  }
0xd4: {  	_ =	swait.ge [sflag:s24], $0x1000  }
0xd5: {  	[sflag:s24] =	ssyncset.done $0x0  }
0xd6: {  	[sflag:s24] =	ssyncadd.s32 $0xFFFFF000  }
0xd7: {  	[tilespmem:s13], [sflag:$0x3] =	stream.indirect.gather [spmem:s2], $0x80, s11, s12, $0xb8;
	[tilespmem:$0x1CF40] =	vst v63  }
0xd8: {  	s7 =	simm.s32 $0x3340  }
0xd9: {  	[tilespmem:s16], [sflag:$0x3] =	stream.indirect.gather [spmem:s2], $0x80, s7, s14, $0xb8;
	[tilespmem:$0x1CF40] =	vst v63  }
0xda: {  	_ =	swait.ge [sflag:s6], $0x6400  }
0xdb: {  	[sflag:s6] =	ssyncset.done $0x0  }
0xdc: {  	p1 =	seq.s32 s28, $0x177000;
	s9 =	sadd.s32 $0xBB80, s15;
	[sflag:s6] =	ssyncadd.s32 $0xFFFF9C00  }
0xdd: {  	[hbm4b:s9+s3] =	stream.linear.scatter [tilespmem:s29], [sflag:$0xA], $0x6400, $0x38;
	[tilespmem:$0x1CF40] =	vst v63  }
0xde: {  	s5 =	sadd.s32 @!p1 $0xFFFFFE00, s30;
	s7 =	simm.s32 @!p1 $0x1F40;
	s9 =	simm.s32 @!p1 $0x0  }
0xdf: {  	[tilespmem:s7], [sflag:$0x1] =	stream.linear.gather @!p1 [hbm4b:s5+s9], $0x1000, $0x38;
	[tilespmem:$0x1CF40] =	vst v63  }
0xe0: {  	_ =	swait.ge [sflag:s10], $0x6400  }
0xe1: {  	[sflag:s10] =	ssyncset.done $0x0  }
0xe2: {  	s7 =	simm.s32 $0x2FC0;
	[sflag:s10] =	ssyncadd.s32 $0xFFFF9C00  }
0xe3: {  	[tilespmem:s18], [sflag:$0x4] =	stream.indirect.gather [spmem:s2], $0x80, s7, s12, $0xb8;
	[tilespmem:$0x1CF40] =	vst v63  }
0xe4: {  	s9 =	simm.s32 $0x33C0  }
0xe5: {  	[tilespmem:s20], [sflag:$0x4] =	stream.indirect.gather [spmem:s2], $0x80, s9, s14, $0xb8;
	[tilespmem:$0x1CF40] =	vst v63  }
0xe6: {  	_ =	swait.ge [sflag:s21], $0x6400  }
0xe7: {  	[sflag:s21] =	ssyncset.done $0x0  }
0xe8: {  	s7 =	sadd.s32 $0xC800, s15;
	[sflag:s21] =	ssyncadd.s32 $0xFFFF9C00  }
0xe9: {  	[hbm4b:s7+s3] =	stream.linear.scatter [tilespmem:s13], [sflag:$0x7], $0x6400, $0x38;
	[tilespmem:$0x1CF40] =	vst v63  }
0xea: {  	_ =	swait.ge [sflag:s4], $0x6400  }
0xeb: {  	[sflag:s4] =	ssyncset.done $0x0  }
0xec: {  	s9 =	simm.s32 $0x3040;
	[sflag:s4] =	ssyncadd.s32 $0xFFFF9C00  }
0xed: {  	[tilespmem:s23], [sflag:$0x5] =	stream.indirect.gather [spmem:s2], $0x80, s9, s12, $0xb8;
	[tilespmem:$0x1CF40] =	vst v63  }
0xee: {  	s7 =	simm.s32 $0x3440  }
0xef: {  	[tilespmem:s25], [sflag:$0x5] =	stream.indirect.gather [spmem:s2], $0x80, s7, s14, $0xb8;
	[tilespmem:$0x1CF40] =	vst v63  }
0xf0: {  	_ =	swait.ge [sflag:s26], $0x6400  }
0xf1: {  	[sflag:s26] =	ssyncset.done $0x0  }
0xf2: {  	s9 =	sadd.s32 $0xD480, s15;
	[sflag:s26] =	ssyncadd.s32 $0xFFFF9C00  }
0xf3: {  	[hbm4b:s9+s3] =	stream.linear.scatter [tilespmem:s18], [sflag:$0x8], $0x6400, $0x38;
	[tilespmem:$0x1CF40] =	vst v63  }
0xf4: {  	_ =	swait.ge [sflag:s22], $0x6400  }
0xf5: {  	[sflag:s22] =	ssyncset.done $0x0  }
0xf6: {  	s7 =	simm.s32 $0x30C0;
	[sflag:s22] =	ssyncadd.s32 $0xFFFF9C00  }
0xf7: {  	[tilespmem:s29], [sflag:$0x6] =	stream.indirect.gather [spmem:s2], $0x80, s7, s12, $0xb8;
	[tilespmem:$0x1CF40] =	vst v63  }
0xf8: {  	s9 =	simm.s32 $0x34C0  }
0xf9: {  	[tilespmem:s31], [sflag:$0x6] =	stream.indirect.gather [spmem:s2], $0x80, s9, s14, $0xb8;
	[tilespmem:$0x1CF40] =	vst v63  }
0xfa: {  	_ =	swait.ge [sflag:s0], $0x6400  }
0xfb: {  	[sflag:s0] =	ssyncset.done $0x0  }
0xfc: {  	s7 =	sadd.s32 $0xE100, s15;
	[sflag:s0] =	ssyncadd.s32 $0xFFFF9C00  }
0xfd: {  	[hbm4b:s7+s3] =	stream.linear.scatter [tilespmem:s23], [sflag:$0x9], $0x6400, $0x38;
	[tilespmem:$0x1CF40] =	vst v63  }
0xfe: {  	_ =	swait.ge [sflag:s1], $0x6400  }
0xff: {  	[sflag:s1] =	ssyncset.done $0x0  }
0x100: {  	s9 =	simm.s32 $0x3140;
	[sflag:s1] =	ssyncadd.s32 $0xFFFF9C00  }
0x101: {  	[tilespmem:s13], [sflag:$0x3] =	stream.indirect.gather [spmem:s2], $0x80, s9, s12, $0xb8;
	[tilespmem:$0x1CF40] =	vst v63  }
0x102: {  	s7 =	simm.s32 $0x3540  }
0x103: {  	[tilespmem:s16], [sflag:$0x3] =	stream.indirect.gather [spmem:s2], $0x80, s7, s14, $0xb8;
	[tilespmem:$0x1CF40] =	vst v63  }
0x104: {  	_ =	swait.ge [sflag:s6], $0x6400  }
0x105: {  	[sflag:s6] =	ssyncset.done $0x0  }
0x106: {  	s9 =	sadd.s32 $0xED80, s15;
	[sflag:s6] =	ssyncadd.s32 $0xFFFF9C00  }
0x107: {  	[hbm4b:s9+s3] =	stream.linear.scatter [tilespmem:s29], [sflag:$0xA], $0x6400, $0x38;
	[tilespmem:$0x1CF40] =	vst v63  }
0x108: {  	_ =	swait.ge [sflag:s10], $0x6400  }
0x109: {  	[sflag:s10] =	ssyncset.done $0x0  }
0x10a: {  	s7 =	simm.s32 $0x31C0;
	[sflag:s10] =	ssyncadd.s32 $0xFFFF9C00  }
0x10b: {  	[tilespmem:s18], [sflag:$0x4] =	stream.indirect.gather [spmem:s2], $0x80, s7, s12, $0xb8;
	[tilespmem:$0x1CF40] =	vst v63  }
0x10c: {  	s9 =	simm.s32 $0x35C0  }
0x10d: {  	[tilespmem:s20], [sflag:$0x4] =	stream.indirect.gather [spmem:s2], $0x80, s9, s14, $0xb8;
	[tilespmem:$0x1CF40] =	vst v63  }
0x10e: {  	_ =	swait.ge [sflag:s21], $0x6400  }
0x10f: {  	[sflag:s21] =	ssyncset.done $0x0  }
0x110: {  	s7 =	sadd.s32 $0xFA00, s15;
	[sflag:s21] =	ssyncadd.s32 $0xFFFF9C00  }
0x111: {  	[hbm4b:s7+s3] =	stream.linear.scatter [tilespmem:s13], [sflag:$0x7], $0x6400, $0x38;
	[tilespmem:$0x1CF40] =	vst v63  }
0x112: {  	_ =	swait.ge [sflag:s4], $0x6400  }
0x113: {  	[sflag:s4] =	ssyncset.done $0x0  }
0x114: {  	s9 =	simm.s32 $0x3240;
	[sflag:s4] =	ssyncadd.s32 $0xFFFF9C00  }
0x115: {  	[tilespmem:s23], [sflag:$0x5] =	stream.indirect.gather [spmem:s2], $0x80, s9, s12, $0xb8;
	[tilespmem:$0x1CF40] =	vst v63  }
0x116: {  	s7 =	simm.s32 $0x3640  }
0x117: {  	[tilespmem:s25], [sflag:$0x5] =	stream.indirect.gather [spmem:s2], $0x80, s7, s14, $0xb8;
	[tilespmem:$0x1CF40] =	vst v63  }
0x118: {  	_ =	swait.ge [sflag:s26], $0x6400  }
0x119: {  	[sflag:s26] =	ssyncset.done $0x0  }
0x11a: {  	s9 =	sadd.s32 $0x10680, s15;
	[sflag:s26] =	ssyncadd.s32 $0xFFFF9C00  }
0x11b: {  	[hbm4b:s9+s3] =	stream.linear.scatter [tilespmem:s18], [sflag:$0x8], $0x6400, $0x38;
	[tilespmem:$0x1CF40] =	vst v63  }
0x11c: {  	_ =	swait.ge [sflag:s22], $0x6400  }
0x11d: {  	[sflag:s22] =	ssyncset.done $0x0  }
0x11e: {  	s7 =	simm.s32 $0x32C0;
	[sflag:s22] =	ssyncadd.s32 $0xFFFF9C00  }
0x11f: {  	[tilespmem:s29], [sflag:$0x6] =	stream.indirect.gather [spmem:s2], $0x80, s7, s12, $0xb8;
	[tilespmem:$0x1CF40] =	vst v63  }
0x120: {  	s9 =	simm.s32 $0x36C0  }
0x121: {  	[tilespmem:s31], [sflag:$0x6] =	stream.indirect.gather [spmem:s2], $0x80, s9, s14, $0xb8;
	[tilespmem:$0x1CF40] =	vst v63  }
0x122: {  	_ =	swait.ge [sflag:s0], $0x6400  }
0x123: {  	[sflag:s0] =	ssyncset.done $0x0  }
0x124: {  	s7 =	sadd.s32 $0x11300, s15;
	[sflag:s0] =	ssyncadd.s32 $0xFFFF9C00  }
0x125: {  	[hbm4b:s7+s3] =	stream.linear.scatter [tilespmem:s23], [sflag:$0x9], $0x6400, $0x38;
	[tilespmem:$0x1CF40] =	vst v63  }
0x126: {  	_ =	swait.ge [sflag:s1], $0x6400  }
0x127: {  	[sflag:s1] =	ssyncset.done $0x0  }
0x128: {  	s9 =	simm.s32 $0x3740;
	[sflag:s1] =	ssyncadd.s32 $0xFFFF9C00  }
0x129: {  	[tilespmem:s13], [sflag:$0x3] =	stream.indirect.gather [spmem:s2], $0x80, s9, s12, $0xb8;
	[tilespmem:$0x1CF40] =	vst v63  }
0x12a: {  	s7 =	simm.s32 $0x3B40  }
0x12b: {  	[tilespmem:s16], [sflag:$0x3] =	stream.indirect.gather [spmem:s2], $0x80, s7, s14, $0xb8;
	[tilespmem:$0x1CF40] =	vst v63  }
0x12c: {  	_ =	swait.ge [sflag:s6], $0x6400  }
0x12d: {  	[sflag:s6] =	ssyncset.done $0x0  }
0x12e: {  	s9 =	sadd.s32 $0x11F80, s15;
	[sflag:s6] =	ssyncadd.s32 $0xFFFF9C00  }
0x12f: {  	[hbm4b:s9+s3] =	stream.linear.scatter [tilespmem:s29], [sflag:$0xA], $0x6400, $0x38;
	[tilespmem:$0x1CF40] =	vst v63  }
0x130: {  	_ =	swait.ge [sflag:s10], $0x6400  }
0x131: {  	[sflag:s10] =	ssyncset.done $0x0  }
0x132: {  	s7 =	simm.s32 $0x37C0;
	[sflag:s10] =	ssyncadd.s32 $0xFFFF9C00  }
0x133: {  	[tilespmem:s18], [sflag:$0x4] =	stream.indirect.gather [spmem:s2], $0x80, s7, s12, $0xb8;
	[tilespmem:$0x1CF40] =	vst v63  }
0x134: {  	s9 =	simm.s32 $0x3BC0  }
0x135: {  	[tilespmem:s20], [sflag:$0x4] =	stream.indirect.gather [spmem:s2], $0x80, s9, s14, $0xb8;
	[tilespmem:$0x1CF40] =	vst v63  }
0x136: {  	_ =	swait.ge [sflag:s21], $0x6400  }
0x137: {  	[sflag:s21] =	ssyncset.done $0x0  }
0x138: {  	s7 =	sadd.s32 $0x12C00, s15;
	[sflag:s21] =	ssyncadd.s32 $0xFFFF9C00  }
0x139: {  	[hbm4b:s7+s3] =	stream.linear.scatter [tilespmem:s13], [sflag:$0x7], $0x6400, $0x38;
	[tilespmem:$0x1CF40] =	vst v63  }
0x13a: {  	_ =	swait.ge [sflag:s4], $0x6400  }
0x13b: {  	[sflag:s4] =	ssyncset.done $0x0  }
0x13c: {  	s9 =	simm.s32 $0x3840;
	[sflag:s4] =	ssyncadd.s32 $0xFFFF9C00  }
0x13d: {  	[tilespmem:s23], [sflag:$0x5] =	stream.indirect.gather [spmem:s2], $0x80, s9, s12, $0xb8;
	[tilespmem:$0x1CF40] =	vst v63  }
0x13e: {  	s7 =	simm.s32 $0x3C40  }
0x13f: {  	[tilespmem:s25], [sflag:$0x5] =	stream.indirect.gather [spmem:s2], $0x80, s7, s14, $0xb8;
	[tilespmem:$0x1CF40] =	vst v63  }
0x140: {  	_ =	swait.ge [sflag:s26], $0x6400  }
0x141: {  	[sflag:s26] =	ssyncset.done $0x0  }
0x142: {  	s9 =	sadd.s32 $0x13880, s15;
	[sflag:s26] =	ssyncadd.s32 $0xFFFF9C00  }
0x143: {  	[hbm4b:s9+s3] =	stream.linear.scatter [tilespmem:s18], [sflag:$0x8], $0x6400, $0x38;
	[tilespmem:$0x1CF40] =	vst v63  }
0x144: {  	_ =	swait.ge [sflag:s22], $0x6400  }
0x145: {  	[sflag:s22] =	ssyncset.done $0x0  }
0x146: {  	s7 =	simm.s32 $0x38C0;
	[sflag:s22] =	ssyncadd.s32 $0xFFFF9C00  }
0x147: {  	[tilespmem:s29], [sflag:$0x6] =	stream.indirect.gather [spmem:s2], $0x80, s7, s12, $0xb8;
	[tilespmem:$0x1CF40] =	vst v63  }
0x148: {  	s9 =	simm.s32 $0x3CC0  }
0x149: {  	[tilespmem:s31], [sflag:$0x6] =	stream.indirect.gather [spmem:s2], $0x80, s9, s14, $0xb8;
	[tilespmem:$0x1CF40] =	vst v63  }
0x14a: {  	_ =	swait.ge [sflag:s0], $0x6400  }
0x14b: {  	[sflag:s0] =	ssyncset.done $0x0  }
0x14c: {  	s7 =	sadd.s32 $0x14500, s15;
	[sflag:s0] =	ssyncadd.s32 $0xFFFF9C00  }
0x14d: {  	[hbm4b:s7+s3] =	stream.linear.scatter [tilespmem:s23], [sflag:$0x9], $0x6400, $0x38;
	[tilespmem:$0x1CF40] =	vst v63  }
0x14e: {  	_ =	swait.ge [sflag:s1], $0x6400  }
0x14f: {  	[sflag:s1] =	ssyncset.done $0x0  }
0x150: {  	s9 =	simm.s32 $0x3940;
	[sflag:s1] =	ssyncadd.s32 $0xFFFF9C00  }
0x151: {  	[tilespmem:s13], [sflag:$0x3] =	stream.indirect.gather [spmem:s2], $0x80, s9, s12, $0xb8;
	[tilespmem:$0x1CF40] =	vst v63  }
0x152: {  	s7 =	simm.s32 $0x3D40  }
0x153: {  	[tilespmem:s16], [sflag:$0x3] =	stream.indirect.gather [spmem:s2], $0x80, s7, s14, $0xb8;
	[tilespmem:$0x1CF40] =	vst v63  }
0x154: {  	_ =	swait.ge [sflag:s6], $0x6400  }
0x155: {  	[sflag:s6] =	ssyncset.done $0x0  }
0x156: {  	s9 =	sadd.s32 $0x15180, s15;
	[sflag:s6] =	ssyncadd.s32 $0xFFFF9C00  }
0x157: {  	[hbm4b:s9+s3] =	stream.linear.scatter [tilespmem:s29], [sflag:$0xA], $0x6400, $0x38;
	[tilespmem:$0x1CF40] =	vst v63  }
0x158: {  	_ =	swait.ge [sflag:s10], $0x6400  }
0x159: {  	[sflag:s10] =	ssyncset.done $0x0  }
0x15a: {  	s7 =	simm.s32 $0x39C0;
	[sflag:s10] =	ssyncadd.s32 $0xFFFF9C00  }
0x15b: {  	[tilespmem:s18], [sflag:$0x4] =	stream.indirect.gather [spmem:s2], $0x80, s7, s12, $0xb8;
	[tilespmem:$0x1CF40] =	vst v63  }
0x15c: {  	s9 =	simm.s32 $0x3DC0  }
0x15d: {  	[tilespmem:s20], [sflag:$0x4] =	stream.indirect.gather [spmem:s2], $0x80, s9, s14, $0xb8;
	[tilespmem:$0x1CF40] =	vst v63  }
0x15e: {  	_ =	swait.ge [sflag:s21], $0x6400  }
0x15f: {  	[sflag:s21] =	ssyncset.done $0x0  }
0x160: {  	s7 =	sadd.s32 $0x15E00, s15;
	[sflag:s21] =	ssyncadd.s32 $0xFFFF9C00  }
0x161: {  	[hbm4b:s7+s3] =	stream.linear.scatter [tilespmem:s13], [sflag:$0x7], $0x6400, $0x38;
	[tilespmem:$0x1CF40] =	vst v63  }
0x162: {  	_ =	swait.ge [sflag:s4], $0x6400  }
0x163: {  	[sflag:s4] =	ssyncset.done $0x0  }
0x164: {  	s9 =	simm.s32 $0x3A40;
	[sflag:s4] =	ssyncadd.s32 $0xFFFF9C00  }
0x165: {  	[tilespmem:s23], [sflag:$0x5] =	stream.indirect.gather [spmem:s2], $0x80, s9, s12, $0xb8;
	[tilespmem:$0x1CF40] =	vst v63  }
0x166: {  	s7 =	simm.s32 $0x3E40  }
0x167: {  	[tilespmem:s25], [sflag:$0x5] =	stream.indirect.gather [spmem:s2], $0x80, s7, s14, $0xb8;
	[tilespmem:$0x1CF40] =	vst v63  }
0x168: {  	_ =	swait.ge [sflag:s26], $0x6400  }
0x169: {  	[sflag:s26] =	ssyncset.done $0x0  }
0x16a: {  	s9 =	sadd.s32 $0x16A80, s15;
	[sflag:s26] =	ssyncadd.s32 $0xFFFF9C00  }
0x16b: {  	[hbm4b:s9+s3] =	stream.linear.scatter [tilespmem:s18], [sflag:$0x8], $0x6400, $0x38;
	[tilespmem:$0x1CF40] =	vst v63  }
0x16c: {  	_ =	swait.ge [sflag:s22], $0x6400  }
0x16d: {  	[sflag:s22] =	ssyncset.done $0x0  }
0x16e: {  	s7 =	simm.s32 $0x3AC0;
	[sflag:s22] =	ssyncadd.s32 $0xFFFF9C00  }
0x16f: {  	[tilespmem:s29], [sflag:$0x6] =	stream.indirect.gather [spmem:s2], $0x80, s7, s12, $0xb8;
	[tilespmem:$0x1CF40] =	vst v63  }
0x170: {  	_ = 	snop  }
0x171: {  	[tilespmem:s31], [sflag:$0x6] =	stream.indirect.gather [spmem:s2], $0x80, s17, s14, $0xb8;
	[tilespmem:$0x1CF40] =	vst v63  }
0x172: {  	_ =	swait.ge [sflag:s0], $0x6400  }
0x173: {  	p2 =	sgt.u32 s19, $0x1E;
	[sflag:s0] =	ssyncset.done $0x0  }
0x174: {  	s5 =	simm.s32 @!p2 $0x7;
	s9 =	sadd.s32 $0x17700, s15;
	[sflag:s0] =	ssyncadd.s32 $0xFFFF9C00  }
0x175: {  	[hbm4b:s9+s3] =	stream.linear.scatter [tilespmem:s23], [sflag:$0x9], $0x6400, $0x38;
	[tilespmem:$0x1CF40] =	vst v63  }
0x176: {  	_ =	swait.ge @!p2 [sflag:s5], $0x6400  }
0x177: {  	[sflag:s5] =	ssyncset.done @!p2 $0x0  }
0x178: {  	[sflag:s5] =	ssyncadd.s32 @!p2 $0xFFFF9C00;
	s5 =	simm.s32 @!p2 $0x1  }
0x179: {  	_ =	swait.ge @!p2 [sflag:s5], $0x1000  }
0x17a: {  	s7 =	simm.s32 @!p2 $0x1F40;
	[sflag:s5] =	ssyncset.done @!p2 $0x0  }
0x17b: {  	s9 =	simm.s32 @!p2 $0x3F40;
	[sflag:s5] =	ssyncadd.s32 @!p2 $0xFFFFF000;
	s5 =	simm.s32 @!p2 $0x80  }
0x17c: {  	[tilespmem:s9], [sflag:$0x3] =	stream.indirect.gather @!p2 [spmem:s2], $0x80, s7, s5, $0xb8;
	[tilespmem:$0x1CF40] =	vst v63  }
0x17d: {  	s5 =	simm.s32 @!p2 $0x48;
	s7 =	simm.s32 @!p2 $0x2340;
	s9 =	simm.s32 @!p2 $0x7F40  }
0x17e: {  	[tilespmem:s9], [sflag:$0x3] =	stream.indirect.gather @!p2 [spmem:s2], $0x80, s7, s5, $0xb8;
	[tilespmem:$0x1CF40] =	vst v63  }
.Ltmp2:
0x17f: {  	_ = 	snop;
	(pc) =	sbr.rel @p1 .LBB2_4-.Ltmp2, $4  }
0x180: {  	_ =	swait.ge [sflag:s6], $0x6400  }
0x181: {  	[sflag:s6] =	ssyncset.done $0x0  }
0x182: {  	s15 =	sadd.s32 $0x18380, s15;
	[sflag:s6] =	ssyncadd.s32 $0xFFFF9C00  }
0x183: {  	[hbm4b:s15+s3] =	stream.linear.scatter [tilespmem:s29], [sflag:$0xA], $0x6400, $0x38;
	[tilespmem:$0x1CF40] =	vst v63  }
.Ltmp3:
0x184: {  	(pc) =	sbr.rel .LBB2_2-.Ltmp3, $3  }
0x185: {  	_ =	sdelay $0x1  }
0x186: {  	[tilespmem:s11], [sflag:$0x2] =	stream.linear.gather [hbm4b:s30+s3], $0x1000, $0x38;
	[tilespmem:$0x1CF40] =	vst v63  }
0x187: {  	s30 =	sadd.s32 $0x400, s30;
	s28 =	sadd.s32 $0x19000, s28;
	s19 =	sadd.s32 $0x2, s19  }
.LBB2_5:
0x188: {  	_ =	sfence.sel $0x180000  }
0x189: {  	[bflag:$0x0] =	sbarrier.arrive $0xFFFF  }
0x18a: {  	_ =	strace $0x90000047  }
0x18b: {  	[bflag:$0x2] =	sbarrier.arrive $0xFFFF  }
0x18c: {  	s0 =	rddreg [dreg:$0x4]  }
0x18d: {  	s0 =	sadd.s32 @!p0 $0x100000, s0  }
0x18e: {  	[sflag:s0] =	ssyncadd.tile.s32 @!p0 $0x1;
	_ =	shalt  }
.Lfunc_end2:
_tile_overlayer_lowered:
.L_overlay_start_2:
0x18f: {  	(tag) =	ssettag $0x2  }
0x190: {  	s0 =	rddreg [dreg:$0x0];
	s2 =	stileid.u32  }
0x191: {  	s1 =	rddreg [dreg:$0x1];
	p0 =	sne.s32 s2, $0x0  }
0x192: {  	s3 =	rddreg [dreg:$0x2];
	[bflag:$0x3] =	sbarrier.arrive $0xFFFF;
	s2 =	simm.s32 @!p0 $0x1C0B  }
0x193: {  	[timem:s3], [sflag:s2] =	dma.local @!p0 [hbm:s0], s1  }
0x194: {  	s0 =	simm.s32 @!p0 $0xB  }
0x195: {  	_ =	swait.ge @!p0 [sflag:s0], s1  }
0x196: {  	s1 =	ssub.s32 @!p0 $0x0, s1;
	[sflag:s0] =	ssyncset.done @!p0 $0x0  }
0x197: {  	[sflag:s0] =	ssyncadd.s32 @!p0 s1  }
0x198: {  	[bflag:$0x3] =	sbarrier.arrive $0xFFFF  }
0x199: {  	_ =	shalt  }

</sc_bundles>
